<compile_context>
chip_gen: v7x
topology: tpu7x:2x2x1
jax: 0.10.2.dev20260603
libtpu: 0.0.44.dev20260713+nightly
codegen_flags: <defaults>
</compile_context>

<pallas_src>
import functools

import jax
import jax.numpy as jnp
from jax import lax
from jax.experimental import pallas as pl
from jax.experimental.pallas import tpu as pltpu
from jax.experimental.pallas import tpu_sc as plsc

B, K, C, NPOINT = 8, 20000, 256, 4096
NW = 32
WPB = NW // B
PPW = NPOINT // WPB
NCH = 128
NHF = NCH // 2
NCHUNK = PPW // NCH
TILES = (NHF // 16) * (C // 16)

_mesh = plsc.VectorSubcoreMesh(core_axis_name="c", subcore_axis_name="s")


@functools.partial(
    pl.kernel,
    mesh=_mesh,
    out_type=(
        jax.ShapeDtypeStruct((3, B, NPOINT), jnp.float32),
        jax.ShapeDtypeStruct((B, C, NPOINT), jnp.float32),
    ),
    compiler_params=pltpu.CompilerParams(needs_layout_passes=False, disable_bounds_checks=True),
    scratch_types=[
        pltpu.VMEM((PPW,), jnp.int32),
        pltpu.VMEM((NHF,), jnp.int32),
        pltpu.VMEM((NHF,), jnp.int32),
        pltpu.VMEM((NHF, C), jnp.float32),
        pltpu.VMEM((NHF, C), jnp.float32),
        pltpu.VMEM((C, NCH), jnp.float32),
        pltpu.VMEM((C, NCH), jnp.float32),
        pltpu.VMEM((NPOINT,), jnp.int32),
        pltpu.VMEM((K,), jnp.float32),
        pltpu.VMEM((NPOINT,), jnp.float32),
        pltpu.SemaphoreType.DMA,
        pltpu.SemaphoreType.DMA,
        pltpu.SemaphoreType.DMA,
        pltpu.SemaphoreType.DMA,
    ],
)
def _sc_gather(xyzp_hbm, featr_hbm, idx_hbm, oxyz_hbm, ofeat_hbm,
               idxq_v, gidx0_v, gidx1_v, src0_v, src1_v, dst0_v, dst1_v,
               idxf_v, xrow_v, oxrow_v, sem_i0, sem_i1, sem_o0, sem_o1):
    cid = lax.axis_index("c")
    sid = lax.axis_index("s")
    wid = sid * 2 + cid
    b = wid // WPB
    q = wid % WPB

    iota = lax.iota(jnp.int32, 16)
    gidx = [gidx0_v, gidx1_v]
    src = [src0_v, src1_v]
    dst = [dst0_v, dst1_v]
    sem_in = [sem_i0, sem_i1]
    sem_out = [sem_o0, sem_o1]
    rbase = b * K
    perm = [(iota + d) & 15 for d in range(16)]

    def fill_gidx(j, h, gbuf):
        for u in range(NHF // 16):
            iv = idxq_v[pl.ds(j * NCH + h * NHF + u * 16, 16)]
            gbuf[pl.ds(u * 16, 16)] = iv + rbase

    pltpu.sync_copy(idx_hbm.at[b, pl.ds(q * PPW, PPW)], idxq_v)
    for h in range(2):
        fill_gidx(0, h, gidx[h])
        pltpu.async_copy(featr_hbm.at[gidx[h]], src[h], sem_in[h])

    @pl.when(wid < 24)
    def _():
        xd = wid % 3
        xb = wid // 3
        pltpu.sync_copy(idx_hbm.at[xb], idxf_v)
        pltpu.sync_copy(xyzp_hbm.at[xd, xb], xrow_v)

        @plsc.parallel_loop(0, NPOINT // 16, unroll=4)
        def xyz_body(k):
            iv = idxf_v[pl.ds(k * 16, 16)]
            oxrow_v[pl.ds(k * 16, 16)] = plsc.load_gather(xrow_v, [iv])

        pltpu.sync_copy(oxrow_v, oxyz_hbm.at[xd, xb])

    def transpose_half(sb, db, h):
        @plsc.parallel_loop(0, TILES, unroll=2)
        def tile_body(z):
            tn = z // (C // 16)
            tc = z % (C // 16)
            rows = tn * 16 + iota
            c0 = tc * 16
            for d in range(16):
                cols = c0 + perm[d]
                v = plsc.load_gather(sb, [rows, cols])
                plsc.store_scatter(db, [cols, rows + h * NHF], v)

    def step_body(t, _):
        for i in range(2):
            j = t * 2 + i
            db = dst[i]

            @pl.when(t > 0)
            def _():
                pltpu.make_async_copy(
                    db, ofeat_hbm.at[b, :, pl.ds(0, NCH)], sem_out[i]).wait()

            for h in range(2):
                pltpu.make_async_copy(
                    featr_hbm.at[gidx[h]], src[h], sem_in[h]).wait()
                transpose_half(src[h], db, h)

                @pl.when(j < NCHUNK - 1)
                def _():
                    fill_gidx(j + 1, h, gidx[h])
                    pltpu.async_copy(featr_hbm.at[gidx[h]], src[h], sem_in[h])

            n0 = q * PPW + j * NCH
            pltpu.async_copy(db, ofeat_hbm.at[b, :, pl.ds(n0, NCH)], sem_out[i])

        return 0

    lax.fori_loop(0, NCHUNK // 2, step_body, 0)

    for i in range(2):
        pltpu.make_async_copy(
            dst[i], ofeat_hbm.at[b, :, pl.ds(0, NCH)], sem_out[i]).wait()


def kernel(xyz, features, sample_inds):
    idx32 = sample_inds.astype(jnp.int32)
    xyzp = xyz.transpose(2, 0, 1)
    featr = features.transpose(0, 2, 1).reshape(B * K, C)
    oxyz, ofeat = _sc_gather(xyzp, featr, idx32)
    new_xyz = oxyz.transpose(1, 2, 0)
    return (new_xyz, ofeat, sample_inds)

# --- scband reference (transcript-rebuilt; emitter-appended) ---
"""Pipeline reference for scband-general-sampling-module-49495203119343 (READ-ONLY COPY).

The authoritative reference and input builder live on the scoring server;
editing this copy changes nothing except your own understanding.
"""

import jax, jax.numpy as jnp
import numpy as np

B, K, C, NPOINT = 8, 20000, 256, 4096

def setup_inputs(seed: int = 0) -> dict:
    key = jax.random.key(seed)
    k1, k2, k3 = jax.random.split(key, 3)
    xyz = jax.random.normal(k1, (B, K, 3), dtype=jnp.float32)
    features = jax.random.normal(k2, (B, C, K), dtype=jnp.float32)
    sample_inds = jax.random.randint(k3, (B, NPOINT), 0, K, dtype=jnp.int64)
    return {"xyz": xyz, "features": features, "sample_inds": sample_inds}

def reference(xyz, features, sample_inds):
    sample_inds = sample_inds.astype(jnp.int64)
    b, npoint = sample_inds.shape
    c = features.shape[1]
    # new_xyz = gather(xyz, dim=1, idx expanded to (B, npoint, 3))
    idx_xyz = jnp.broadcast_to(sample_inds[:, :, None], (b, npoint, 3))
    new_xyz = jnp.take_along_axis(xyz, idx_xyz, axis=1)
    # new_features = gather(features, dim=2, idx expanded to (B, C, npoint))
    idx_feat = jnp.broadcast_to(sample_inds[:, None, :], (b, c, npoint))
    new_features = jnp.take_along_axis(features, idx_feat, axis=2)
    return (new_xyz, new_features, sample_inds)

if __name__ == "__main__":
    import jax
    _d = setup_inputs()
    print(jax.jit(kernel)(*tuple(_d.values())))

</pallas_src>

<mosaic_0001>
#map = affine_map<(d0, d1) -> (0, 0, 0)>
#map1 = affine_map<(d0, d1) -> (0, 0)>
module attributes {stable_mosaic.version = 14 : i64} {
  func.func @_sc_gather(%arg0: i32, %arg1: i32, %arg2: memref<3x8x20000xf32, #tpu.memory_space<hbm>>, %arg3: memref<160000x256xf32, #tpu.memory_space<hbm>>, %arg4: memref<8x4096xi32, #tpu.memory_space<hbm>>, %arg5: memref<3x8x4096xf32, #tpu.memory_space<hbm>>, %arg6: memref<8x256x4096xf32, #tpu.memory_space<hbm>>, %arg7: memref<1024xi32, #tpu.memory_space<vmem>>, %arg8: memref<64xi32, #tpu.memory_space<vmem>>, %arg9: memref<64xi32, #tpu.memory_space<vmem>>, %arg10: memref<64x256xf32, #tpu.memory_space<vmem>>, %arg11: memref<64x256xf32, #tpu.memory_space<vmem>>, %arg12: memref<256x128xf32, #tpu.memory_space<vmem>>, %arg13: memref<256x128xf32, #tpu.memory_space<vmem>>, %arg14: memref<4096xi32, #tpu.memory_space<vmem>>, %arg15: memref<20000xf32, #tpu.memory_space<vmem>>, %arg16: memref<4096xf32, #tpu.memory_space<vmem>>, %arg17: memref<!tpu.dma_semaphore, #tpu.memory_space<semaphore_mem>>, %arg18: memref<!tpu.dma_semaphore, #tpu.memory_space<semaphore_mem>>, %arg19: memref<!tpu.dma_semaphore, #tpu.memory_space<semaphore_mem>>, %arg20: memref<!tpu.dma_semaphore, #tpu.memory_space<semaphore_mem>>) attributes {dimension_semantics = [#tpu.dimension_semantics<core_parallel>, #tpu.dimension_semantics<subcore_parallel>], iteration_bounds = array<i64: 2, 16>, scalar_prefetch = 0 : i64, scratch_operands = 14 : i64, tpu.core_type = #tpu.core_type<sc_vector_subcore>, window_params = [{transform_indices = #map}, {transform_indices = #map1}, {transform_indices = #map1}, {transform_indices = #map}, {transform_indices = #map}]} {
    %mul3A = arith.constant 2 : i32
    %mul3A_0 = arith.muli %arg1, %mul3A : i32
    %add3A = arith.addi %mul3A_0, %arg0 : i32
    %jit3A = arith.constant 4 : i32
    %div3A = arith.divsi %add3A, %jit3A : i32
    %sign3A = arith.constant 0 : i32
    %sign3A_1 = arith.cmpi sgt, %add3A, %sign3A : i32
    %sign3A_2 = arith.extui %sign3A_1 : i1 to i32
    %sign3A_3 = arith.constant 0 : i32
    %sign3A_4 = arith.cmpi slt, %add3A, %sign3A_3 : i32
    %sign3A_5 = arith.extui %sign3A_4 : i1 to i32
    %sign3A_6 = arith.subi %sign3A_2, %sign3A_5 : i32
    %sign3A_7 = arith.constant 0 : i32
    %sign3A_8 = arith.cmpi sgt, %jit3A, %sign3A_7 : i32
    %sign3A_9 = arith.extui %sign3A_8 : i1 to i32
    %sign3A_10 = arith.constant 0 : i32
    %sign3A_11 = arith.cmpi slt, %jit3A, %sign3A_10 : i32
    %sign3A_12 = arith.extui %sign3A_11 : i1 to i32
    %sign3A_13 = arith.subi %sign3A_9, %sign3A_12 : i32
    %ne3A = arith.cmpi ne, %sign3A_6, %sign3A_13 : i32
    %rem3A = arith.remsi %add3A, %jit3A : i32
    %ne3A_14 = arith.constant 0 : i32
    %ne3A_15 = arith.cmpi ne, %rem3A, %ne3A_14 : i32
    %and3A = arith.andi %ne3A, %ne3A_15 : i1
    %sub3A = arith.constant 1 : i32
    %sub3A_16 = arith.subi %div3A, %sub3A : i32
    %select_n3A = arith.select %and3A, %sub3A_16, %div3A : i32
    %jit3A_17 = arith.constant 4 : i32
    %eq3A = arith.constant 0 : i32
    %eq3A_18 = arith.cmpi eq, %jit3A_17, %eq3A : i32
    %jit3A_19 = arith.constant 1 : i32
    %select_n3A_20 = arith.select %eq3A_18, %jit3A_19, %jit3A_17 : i32
    %rem3A_21 = arith.remsi %add3A, %select_n3A_20 : i32
    %ne3A_22 = arith.constant 0 : i32
    %ne3A_23 = arith.cmpi ne, %rem3A_21, %ne3A_22 : i32
    %lt3A = arith.constant 0 : i32
    %lt3A_24 = arith.cmpi slt, %rem3A_21, %lt3A : i32
    %lt3A_25 = arith.constant 0 : i32
    %lt3A_26 = arith.cmpi slt, %select_n3A_20, %lt3A_25 : i32
    %ne3A_27 = arith.xori %lt3A_24, %lt3A_26 : i1
    %and3A_28 = arith.andi %ne3A_27, %ne3A_23 : i1
    %add3A_29 = arith.addi %rem3A_21, %select_n3A_20 : i32
    %select_n3A_30 = arith.select %and3A_28, %add3A_29, %rem3A_21 : i32
    %iota3A = tpu.iota {dimensions = array<i32: 0>} : vector<16xi32>
    %mul3A_31 = arith.constant 20000 : i32
    %mul3A_32 = arith.muli %select_n3A, %mul3A_31 : i32
    %add3A_33 = arith.constant 0 : i32
    %add3A_34 = vector.broadcast %add3A_33 : i32 to vector<16xi32>
    %add3A_35 = arith.addi %iota3A, %add3A_34 : vector<16xi32>
    %and3A_36 = arith.constant 15 : i32
    %and3A_37 = vector.broadcast %and3A_36 : i32 to vector<16xi32>
    %and3A_38 = arith.andi %add3A_35, %and3A_37 : vector<16xi32>
    %add3A_39 = arith.constant 1 : i32
    %add3A_40 = vector.broadcast %add3A_39 : i32 to vector<16xi32>
    %add3A_41 = arith.addi %iota3A, %add3A_40 : vector<16xi32>
    %and3A_42 = arith.constant 15 : i32
    %and3A_43 = vector.broadcast %and3A_42 : i32 to vector<16xi32>
    %and3A_44 = arith.andi %add3A_41, %and3A_43 : vector<16xi32>
    %add3A_45 = arith.constant 2 : i32
    %add3A_46 = vector.broadcast %add3A_45 : i32 to vector<16xi32>
    %add3A_47 = arith.addi %iota3A, %add3A_46 : vector<16xi32>
    %and3A_48 = arith.constant 15 : i32
    %and3A_49 = vector.broadcast %and3A_48 : i32 to vector<16xi32>
    %and3A_50 = arith.andi %add3A_47, %and3A_49 : vector<16xi32>
    %add3A_51 = arith.constant 3 : i32
    %add3A_52 = vector.broadcast %add3A_51 : i32 to vector<16xi32>
    %add3A_53 = arith.addi %iota3A, %add3A_52 : vector<16xi32>
    %and3A_54 = arith.constant 15 : i32
    %and3A_55 = vector.broadcast %and3A_54 : i32 to vector<16xi32>
    %and3A_56 = arith.andi %add3A_53, %and3A_55 : vector<16xi32>
    %add3A_57 = arith.constant 4 : i32
    %add3A_58 = vector.broadcast %add3A_57 : i32 to vector<16xi32>
    %add3A_59 = arith.addi %iota3A, %add3A_58 : vector<16xi32>
    %and3A_60 = arith.constant 15 : i32
    %and3A_61 = vector.broadcast %and3A_60 : i32 to vector<16xi32>
    %and3A_62 = arith.andi %add3A_59, %and3A_61 : vector<16xi32>
    %add3A_63 = arith.constant 5 : i32
    %add3A_64 = vector.broadcast %add3A_63 : i32 to vector<16xi32>
    %add3A_65 = arith.addi %iota3A, %add3A_64 : vector<16xi32>
    %and3A_66 = arith.constant 15 : i32
    %and3A_67 = vector.broadcast %and3A_66 : i32 to vector<16xi32>
    %and3A_68 = arith.andi %add3A_65, %and3A_67 : vector<16xi32>
    %add3A_69 = arith.constant 6 : i32
    %add3A_70 = vector.broadcast %add3A_69 : i32 to vector<16xi32>
    %add3A_71 = arith.addi %iota3A, %add3A_70 : vector<16xi32>
    %and3A_72 = arith.constant 15 : i32
    %and3A_73 = vector.broadcast %and3A_72 : i32 to vector<16xi32>
    %and3A_74 = arith.andi %add3A_71, %and3A_73 : vector<16xi32>
    %add3A_75 = arith.constant 7 : i32
    %add3A_76 = vector.broadcast %add3A_75 : i32 to vector<16xi32>
    %add3A_77 = arith.addi %iota3A, %add3A_76 : vector<16xi32>
    %and3A_78 = arith.constant 15 : i32
    %and3A_79 = vector.broadcast %and3A_78 : i32 to vector<16xi32>
    %and3A_80 = arith.andi %add3A_77, %and3A_79 : vector<16xi32>
    %add3A_81 = arith.constant 8 : i32
    %add3A_82 = vector.broadcast %add3A_81 : i32 to vector<16xi32>
    %add3A_83 = arith.addi %iota3A, %add3A_82 : vector<16xi32>
    %and3A_84 = arith.constant 15 : i32
    %and3A_85 = vector.broadcast %and3A_84 : i32 to vector<16xi32>
    %and3A_86 = arith.andi %add3A_83, %and3A_85 : vector<16xi32>
    %add3A_87 = arith.constant 9 : i32
    %add3A_88 = vector.broadcast %add3A_87 : i32 to vector<16xi32>
    %add3A_89 = arith.addi %iota3A, %add3A_88 : vector<16xi32>
    %and3A_90 = arith.constant 15 : i32
    %and3A_91 = vector.broadcast %and3A_90 : i32 to vector<16xi32>
    %and3A_92 = arith.andi %add3A_89, %and3A_91 : vector<16xi32>
    %add3A_93 = arith.constant 10 : i32
    %add3A_94 = vector.broadcast %add3A_93 : i32 to vector<16xi32>
    %add3A_95 = arith.addi %iota3A, %add3A_94 : vector<16xi32>
    %and3A_96 = arith.constant 15 : i32
    %and3A_97 = vector.broadcast %and3A_96 : i32 to vector<16xi32>
    %and3A_98 = arith.andi %add3A_95, %and3A_97 : vector<16xi32>
    %add3A_99 = arith.constant 11 : i32
    %add3A_100 = vector.broadcast %add3A_99 : i32 to vector<16xi32>
    %add3A_101 = arith.addi %iota3A, %add3A_100 : vector<16xi32>
    %and3A_102 = arith.constant 15 : i32
    %and3A_103 = vector.broadcast %and3A_102 : i32 to vector<16xi32>
    %and3A_104 = arith.andi %add3A_101, %and3A_103 : vector<16xi32>
    %add3A_105 = arith.constant 12 : i32
    %add3A_106 = vector.broadcast %add3A_105 : i32 to vector<16xi32>
    %add3A_107 = arith.addi %iota3A, %add3A_106 : vector<16xi32>
    %and3A_108 = arith.constant 15 : i32
    %and3A_109 = vector.broadcast %and3A_108 : i32 to vector<16xi32>
    %and3A_110 = arith.andi %add3A_107, %and3A_109 : vector<16xi32>
    %add3A_111 = arith.constant 13 : i32
    %add3A_112 = vector.broadcast %add3A_111 : i32 to vector<16xi32>
    %add3A_113 = arith.addi %iota3A, %add3A_112 : vector<16xi32>
    %and3A_114 = arith.constant 15 : i32
    %and3A_115 = vector.broadcast %and3A_114 : i32 to vector<16xi32>
    %and3A_116 = arith.andi %add3A_113, %and3A_115 : vector<16xi32>
    %add3A_117 = arith.constant 14 : i32
    %add3A_118 = vector.broadcast %add3A_117 : i32 to vector<16xi32>
    %add3A_119 = arith.addi %iota3A, %add3A_118 : vector<16xi32>
    %and3A_120 = arith.constant 15 : i32
    %and3A_121 = vector.broadcast %and3A_120 : i32 to vector<16xi32>
    %and3A_122 = arith.andi %add3A_119, %and3A_121 : vector<16xi32>
    %add3A_123 = arith.constant 15 : i32
    %add3A_124 = vector.broadcast %add3A_123 : i32 to vector<16xi32>
    %add3A_125 = arith.addi %iota3A, %add3A_124 : vector<16xi32>
    %and3A_126 = arith.constant 15 : i32
    %and3A_127 = vector.broadcast %and3A_126 : i32 to vector<16xi32>
    %and3A_128 = arith.andi %add3A_125, %and3A_127 : vector<16xi32>
    %mul3A_129 = arith.constant 1024 : i32
    %mul3A_130 = arith.muli %select_n3A_30, %mul3A_129 : i32
    "tpu.region"() ({
      %run_scoped3A = tpu.sem_alloc : memref<!tpu.dma_semaphore, #tpu.memory_space<semaphore_mem>>
      %dma_start3A_206 = tpu.memref_slice %arg4[%select_n3A, %mul3A_130] : memref<8x4096xi32, #tpu.memory_space<hbm>> -> memref<1x1024xi32, #tpu.memory_space<hbm>>
      %dma_start3A_207 = tpu.memref_squeeze %dma_start3A_206 : memref<1x1024xi32, #tpu.memory_space<hbm>> -> memref<1024xi32, #tpu.memory_space<hbm>>
      %dma_start3A_208 = tpu.memref_slice %arg4[%select_n3A, %mul3A_130] : memref<8x4096xi32, #tpu.memory_space<hbm>> -> memref<1x1024xi32, #tpu.memory_space<hbm>>
      %dma_start3A_209 = tpu.memref_squeeze %dma_start3A_208 : memref<1x1024xi32, #tpu.memory_space<hbm>> -> memref<1024xi32, #tpu.memory_space<hbm>>
      tpu.enqueue_dma source(%dma_start3A_209 : memref<1024xi32, #tpu.memory_space<hbm>>) target(%arg7 : memref<1024xi32, #tpu.memory_space<vmem>>) target_semaphore(%run_scoped3A : memref<!tpu.dma_semaphore, #tpu.memory_space<semaphore_mem>>)
      %dma_wait3A_210 = tpu.memref_slice %arg4[%select_n3A, %mul3A_130] : memref<8x4096xi32, #tpu.memory_space<hbm>> -> memref<1x1024xi32, #tpu.memory_space<hbm>>
      %dma_wait3A_211 = tpu.memref_squeeze %dma_wait3A_210 : memref<1x1024xi32, #tpu.memory_space<hbm>> -> memref<1024xi32, #tpu.memory_space<hbm>>
      %dma_wait3A_212 = tpu.memref_slice %arg4[%select_n3A, %mul3A_130] : memref<8x4096xi32, #tpu.memory_space<hbm>> -> memref<1x1024xi32, #tpu.memory_space<hbm>>
      %dma_wait3A_213 = tpu.memref_squeeze %dma_wait3A_212 : memref<1x1024xi32, #tpu.memory_space<hbm>> -> memref<1024xi32, #tpu.memory_space<hbm>>
      tpu.wait_dma2 semaphore(%run_scoped3A : memref<!tpu.dma_semaphore, #tpu.memory_space<semaphore_mem>>) src(%dma_wait3A_213 : memref<1024xi32, #tpu.memory_space<hbm>>) dst(%arg7 : memref<1024xi32, #tpu.memory_space<vmem>>)
      tpu.yield
    }) : () -> ()
    %get3A = arith.constant 0 : index
    %get3A_131 = tpu.vector_load %arg7[%get3A] {strides = array<i32>} : memref<1024xi32, #tpu.memory_space<vmem>>, vector<16xi32>,
    %add3A_132 = vector.broadcast %mul3A_32 : i32 to vector<16xi32>
    %add3A_133 = arith.addi %get3A_131, %add3A_132 : vector<16xi32>
    %swap3A = arith.constant 0 : index
    %swap3A_134 = tpu.vector_load %arg8[%swap3A] {strides = array<i32>} : memref<64xi32, #tpu.memory_space<vmem>>, vector<16xi32>,
    tpu.vector_store %arg8[%swap3A], %add3A_133 {strides = array<i32>} : memref<64xi32, #tpu.memory_space<vmem>>, vector<16xi32>,
    %get3A_135 = arith.constant 16 : index
    %get3A_136 = tpu.vector_load %arg7[%get3A_135] {strides = array<i32>} : memref<1024xi32, #tpu.memory_space<vmem>>, vector<16xi32>,
    %add3A_137 = vector.broadcast %mul3A_32 : i32 to vector<16xi32>
    %add3A_138 = arith.addi %get3A_136, %add3A_137 : vector<16xi32>
    %swap3A_139 = arith.constant 16 : index
    %swap3A_140 = tpu.vector_load %arg8[%swap3A_139] {strides = array<i32>} : memref<64xi32, #tpu.memory_space<vmem>>, vector<16xi32>,
    tpu.vector_store %arg8[%swap3A_139], %add3A_138 {strides = array<i32>} : memref<64xi32, #tpu.memory_space<vmem>>, vector<16xi32>,
    %get3A_141 = arith.constant 32 : index
    %get3A_142 = tpu.vector_load %arg7[%get3A_141] {strides = array<i32>} : memref<1024xi32, #tpu.memory_space<vmem>>, vector<16xi32>,
    %add3A_143 = vector.broadcast %mul3A_32 : i32 to vector<16xi32>
    %add3A_144 = arith.addi %get3A_142, %add3A_143 : vector<16xi32>
    %swap3A_145 = arith.constant 32 : index
    %swap3A_146 = tpu.vector_load %arg8[%swap3A_145] {strides = array<i32>} : memref<64xi32, #tpu.memory_space<vmem>>, vector<16xi32>,
    tpu.vector_store %arg8[%swap3A_145], %add3A_144 {strides = array<i32>} : memref<64xi32, #tpu.memory_space<vmem>>, vector<16xi32>,
    %get3A_147 = arith.constant 48 : index
    %get3A_148 = tpu.vector_load %arg7[%get3A_147] {strides = array<i32>} : memref<1024xi32, #tpu.memory_space<vmem>>, vector<16xi32>,
    %add3A_149 = vector.broadcast %mul3A_32 : i32 to vector<16xi32>
    %add3A_150 = arith.addi %get3A_148, %add3A_149 : vector<16xi32>
    %swap3A_151 = arith.constant 48 : index
    %swap3A_152 = tpu.vector_load %arg8[%swap3A_151] {strides = array<i32>} : memref<64xi32, #tpu.memory_space<vmem>>, vector<16xi32>,
    tpu.vector_store %arg8[%swap3A_151], %add3A_150 {strides = array<i32>} : memref<64xi32, #tpu.memory_space<vmem>>, vector<16xi32>,
    %dma_start3A = arith.constant 0 : i32
    %dma_start3A_153 = arith.constant 0 : i32
    %dma_start3A_154 = tpu.memref_slice %arg3[%dma_start3A, %dma_start3A_153] : memref<160000x256xf32, #tpu.memory_space<hbm>> -> memref<160000x256xf32, #tpu.memory_space<hbm>>
    tpu.enqueue_indirect_dma source(%dma_start3A_154 : memref<160000x256xf32, #tpu.memory_space<hbm>>) target(%arg10 : memref<64x256xf32, #tpu.memory_space<vmem>>) offsets(%arg8 : memref<64xi32, #tpu.memory_space<vmem>>) semaphore(%arg17 : memref<!tpu.dma_semaphore, #tpu.memory_space<semaphore_mem>>)
    %get3A_155 = arith.constant 64 : index
    %get3A_156 = tpu.vector_load %arg7[%get3A_155] {strides = array<i32>} : memref<1024xi32, #tpu.memory_space<vmem>>, vector<16xi32>,
    %add3A_157 = vector.broadcast %mul3A_32 : i32 to vector<16xi32>
    %add3A_158 = arith.addi %get3A_156, %add3A_157 : vector<16xi32>
    %swap3A_159 = arith.constant 0 : index
    %swap3A_160 = tpu.vector_load %arg9[%swap3A_159] {strides = array<i32>} : memref<64xi32, #tpu.memory_space<vmem>>, vector<16xi32>,
    tpu.vector_store %arg9[%swap3A_159], %add3A_158 {strides = array<i32>} : memref<64xi32, #tpu.memory_space<vmem>>, vector<16xi32>,
    %get3A_161 = arith.constant 80 : index
    %get3A_162 = tpu.vector_load %arg7[%get3A_161] {strides = array<i32>} : memref<1024xi32, #tpu.memory_space<vmem>>, vector<16xi32>,
    %add3A_163 = vector.broadcast %mul3A_32 : i32 to vector<16xi32>
    %add3A_164 = arith.addi %get3A_162, %add3A_163 : vector<16xi32>
    %swap3A_165 = arith.constant 16 : index
    %swap3A_166 = tpu.vector_load %arg9[%swap3A_165] {strides = array<i32>} : memref<64xi32, #tpu.memory_space<vmem>>, vector<16xi32>,
    tpu.vector_store %arg9[%swap3A_165], %add3A_164 {strides = array<i32>} : memref<64xi32, #tpu.memory_space<vmem>>, vector<16xi32>,
    %get3A_167 = arith.constant 96 : index
    %get3A_168 = tpu.vector_load %arg7[%get3A_167] {strides = array<i32>} : memref<1024xi32, #tpu.memory_space<vmem>>, vector<16xi32>,
    %add3A_169 = vector.broadcast %mul3A_32 : i32 to vector<16xi32>
    %add3A_170 = arith.addi %get3A_168, %add3A_169 : vector<16xi32>
    %swap3A_171 = arith.constant 32 : index
    %swap3A_172 = tpu.vector_load %arg9[%swap3A_171] {strides = array<i32>} : memref<64xi32, #tpu.memory_space<vmem>>, vector<16xi32>,
    tpu.vector_store %arg9[%swap3A_171], %add3A_170 {strides = array<i32>} : memref<64xi32, #tpu.memory_space<vmem>>, vector<16xi32>,
    %get3A_173 = arith.constant 112 : index
    %get3A_174 = tpu.vector_load %arg7[%get3A_173] {strides = array<i32>} : memref<1024xi32, #tpu.memory_space<vmem>>, vector<16xi32>,
    %add3A_175 = vector.broadcast %mul3A_32 : i32 to vector<16xi32>
    %add3A_176 = arith.addi %get3A_174, %add3A_175 : vector<16xi32>
    %swap3A_177 = arith.constant 48 : index
    %swap3A_178 = tpu.vector_load %arg9[%swap3A_177] {strides = array<i32>} : memref<64xi32, #tpu.memory_space<vmem>>, vector<16xi32>,
    tpu.vector_store %arg9[%swap3A_177], %add3A_176 {strides = array<i32>} : memref<64xi32, #tpu.memory_space<vmem>>, vector<16xi32>,
    %dma_start3A_179 = arith.constant 0 : i32
    %dma_start3A_180 = arith.constant 0 : i32
    %dma_start3A_181 = tpu.memref_slice %arg3[%dma_start3A_179, %dma_start3A_180] : memref<160000x256xf32, #tpu.memory_space<hbm>> -> memref<160000x256xf32, #tpu.memory_space<hbm>>
    tpu.enqueue_indirect_dma source(%dma_start3A_181 : memref<160000x256xf32, #tpu.memory_space<hbm>>) target(%arg11 : memref<64x256xf32, #tpu.memory_space<vmem>>) offsets(%arg9 : memref<64xi32, #tpu.memory_space<vmem>>) semaphore(%arg18 : memref<!tpu.dma_semaphore, #tpu.memory_space<semaphore_mem>>)
    %lt3A_182 = arith.constant 24 : i32
    %lt3A_183 = arith.cmpi slt, %add3A, %lt3A_182 : i32
    %convert_element_type3A = arith.extui %lt3A_183 : i1 to i32
    %cond3A = arith.constant 0 : i32
    %cond3A_184 = arith.cmpi ne, %convert_element_type3A, %cond3A : i32
    scf.if %cond3A_184 {
      %jit3A_206 = arith.constant 3 : i32
      %eq3A_207 = arith.constant 0 : i32
      %eq3A_208 = arith.cmpi eq, %jit3A_206, %eq3A_207 : i32
      %jit3A_209 = arith.constant 1 : i32
      %select_n3A_210 = arith.select %eq3A_208, %jit3A_209, %jit3A_206 : i32
      %rem3A_211 = arith.remsi %add3A, %select_n3A_210 : i32
      %ne3A_212 = arith.constant 0 : i32
      %ne3A_213 = arith.cmpi ne, %rem3A_211, %ne3A_212 : i32
      %lt3A_214 = arith.constant 0 : i32
      %lt3A_215 = arith.cmpi slt, %rem3A_211, %lt3A_214 : i32
      %lt3A_216 = arith.constant 0 : i32
      %lt3A_217 = arith.cmpi slt, %select_n3A_210, %lt3A_216 : i32
      %ne3A_218 = arith.xori %lt3A_215, %lt3A_217 : i1
      %and3A_219 = arith.andi %ne3A_218, %ne3A_213 : i1
      %add3A_220 = arith.addi %rem3A_211, %select_n3A_210 : i32
      %select_n3A_221 = arith.select %and3A_219, %add3A_220, %rem3A_211 : i32
      %jit3A_222 = arith.constant 3 : i32
      %div3A_223 = arith.divsi %add3A, %jit3A_222 : i32
      %sign3A_224 = arith.constant 0 : i32
      %sign3A_225 = arith.cmpi sgt, %add3A, %sign3A_224 : i32
      %sign3A_226 = arith.extui %sign3A_225 : i1 to i32
      %sign3A_227 = arith.constant 0 : i32
      %sign3A_228 = arith.cmpi slt, %add3A, %sign3A_227 : i32
      %sign3A_229 = arith.extui %sign3A_228 : i1 to i32
      %sign3A_230 = arith.subi %sign3A_226, %sign3A_229 : i32
      %sign3A_231 = arith.constant 0 : i32
      %sign3A_232 = arith.cmpi sgt, %jit3A_222, %sign3A_231 : i32
      %sign3A_233 = arith.extui %sign3A_232 : i1 to i32
      %sign3A_234 = arith.constant 0 : i32
      %sign3A_235 = arith.cmpi slt, %jit3A_222, %sign3A_234 : i32
      %sign3A_236 = arith.extui %sign3A_235 : i1 to i32
      %sign3A_237 = arith.subi %sign3A_233, %sign3A_236 : i32
      %ne3A_238 = arith.cmpi ne, %sign3A_230, %sign3A_237 : i32
      %rem3A_239 = arith.remsi %add3A, %jit3A_222 : i32
      %ne3A_240 = arith.constant 0 : i32
      %ne3A_241 = arith.cmpi ne, %rem3A_239, %ne3A_240 : i32
      %and3A_242 = arith.andi %ne3A_238, %ne3A_241 : i1
      %sub3A_243 = arith.constant 1 : i32
      %sub3A_244 = arith.subi %div3A_223, %sub3A_243 : i32
      %select_n3A_245 = arith.select %and3A_242, %sub3A_244, %div3A_223 : i32
      "tpu.region"() ({
        %run_scoped3A = tpu.sem_alloc : memref<!tpu.dma_semaphore, #tpu.memory_space<semaphore_mem>>
        %dma_start3A_248 = arith.constant 0 : i32
        %dma_start3A_249 = tpu.memref_slice %arg4[%select_n3A_245, %dma_start3A_248] : memref<8x4096xi32, #tpu.memory_space<hbm>> -> memref<1x4096xi32, #tpu.memory_space<hbm>>
        %dma_start3A_250 = tpu.memref_squeeze %dma_start3A_249 : memref<1x4096xi32, #tpu.memory_space<hbm>> -> memref<4096xi32, #tpu.memory_space<hbm>>
        %dma_start3A_251 = arith.constant 0 : i32
        %dma_start3A_252 = tpu.memref_slice %arg4[%select_n3A_245, %dma_start3A_251] : memref<8x4096xi32, #tpu.memory_space<hbm>> -> memref<1x4096xi32, #tpu.memory_space<hbm>>
        %dma_start3A_253 = tpu.memref_squeeze %dma_start3A_252 : memref<1x4096xi32, #tpu.memory_space<hbm>> -> memref<4096xi32, #tpu.memory_space<hbm>>
        tpu.enqueue_dma source(%dma_start3A_253 : memref<4096xi32, #tpu.memory_space<hbm>>) target(%arg14 : memref<4096xi32, #tpu.memory_space<vmem>>) target_semaphore(%run_scoped3A : memref<!tpu.dma_semaphore, #tpu.memory_space<semaphore_mem>>)
        %dma_wait3A_254 = arith.constant 0 : i32
        %dma_wait3A_255 = tpu.memref_slice %arg4[%select_n3A_245, %dma_wait3A_254] : memref<8x4096xi32, #tpu.memory_space<hbm>> -> memref<1x4096xi32, #tpu.memory_space<hbm>>
        %dma_wait3A_256 = tpu.memref_squeeze %dma_wait3A_255 : memref<1x4096xi32, #tpu.memory_space<hbm>> -> memref<4096xi32, #tpu.memory_space<hbm>>
        %dma_wait3A_257 = arith.constant 0 : i32
        %dma_wait3A_258 = tpu.memref_slice %arg4[%select_n3A_245, %dma_wait3A_257] : memref<8x4096xi32, #tpu.memory_space<hbm>> -> memref<1x4096xi32, #tpu.memory_space<hbm>>
        %dma_wait3A_259 = tpu.memref_squeeze %dma_wait3A_258 : memref<1x4096xi32, #tpu.memory_space<hbm>> -> memref<4096xi32, #tpu.memory_space<hbm>>
        tpu.wait_dma2 semaphore(%run_scoped3A : memref<!tpu.dma_semaphore, #tpu.memory_space<semaphore_mem>>) src(%dma_wait3A_259 : memref<4096xi32, #tpu.memory_space<hbm>>) dst(%arg14 : memref<4096xi32, #tpu.memory_space<vmem>>)
        tpu.yield
      }) : () -> ()
      "tpu.region"() ({
        %run_scoped3A = tpu.sem_alloc : memref<!tpu.dma_semaphore, #tpu.memory_space<semaphore_mem>>
        %dma_start3A_248 = arith.constant 0 : i32
        %dma_start3A_249 = tpu.memref_slice %arg2[%select_n3A_221, %select_n3A_245, %dma_start3A_248] : memref<3x8x20000xf32, #tpu.memory_space<hbm>> -> memref<1x1x20000xf32, #tpu.memory_space<hbm>>
        %dma_start3A_250 = tpu.memref_squeeze %dma_start3A_249 : memref<1x1x20000xf32, #tpu.memory_space<hbm>> -> memref<20000xf32, #tpu.memory_space<hbm>>
        %dma_start3A_251 = arith.constant 0 : i32
        %dma_start3A_252 = tpu.memref_slice %arg2[%select_n3A_221, %select_n3A_245, %dma_start3A_251] : memref<3x8x20000xf32, #tpu.memory_space<hbm>> -> memref<1x1x20000xf32, #tpu.memory_space<hbm>>
        %dma_start3A_253 = tpu.memref_squeeze %dma_start3A_252 : memref<1x1x20000xf32, #tpu.memory_space<hbm>> -> memref<20000xf32, #tpu.memory_space<hbm>>
        tpu.enqueue_dma source(%dma_start3A_253 : memref<20000xf32, #tpu.memory_space<hbm>>) target(%arg15 : memref<20000xf32, #tpu.memory_space<vmem>>) target_semaphore(%run_scoped3A : memref<!tpu.dma_semaphore, #tpu.memory_space<semaphore_mem>>)
        %dma_wait3A_254 = arith.constant 0 : i32
        %dma_wait3A_255 = tpu.memref_slice %arg2[%select_n3A_221, %select_n3A_245, %dma_wait3A_254] : memref<3x8x20000xf32, #tpu.memory_space<hbm>> -> memref<1x1x20000xf32, #tpu.memory_space<hbm>>
        %dma_wait3A_256 = tpu.memref_squeeze %dma_wait3A_255 : memref<1x1x20000xf32, #tpu.memory_space<hbm>> -> memref<20000xf32, #tpu.memory_space<hbm>>
        %dma_wait3A_257 = arith.constant 0 : i32
        %dma_wait3A_258 = tpu.memref_slice %arg2[%select_n3A_221, %select_n3A_245, %dma_wait3A_257] : memref<3x8x20000xf32, #tpu.memory_space<hbm>> -> memref<1x1x20000xf32, #tpu.memory_space<hbm>>
        %dma_wait3A_259 = tpu.memref_squeeze %dma_wait3A_258 : memref<1x1x20000xf32, #tpu.memory_space<hbm>> -> memref<20000xf32, #tpu.memory_space<hbm>>
        tpu.wait_dma2 semaphore(%run_scoped3A : memref<!tpu.dma_semaphore, #tpu.memory_space<semaphore_mem>>) src(%dma_wait3A_259 : memref<20000xf32, #tpu.memory_space<hbm>>) dst(%arg15 : memref<20000xf32, #tpu.memory_space<vmem>>)
        tpu.yield
      }) : () -> ()
      %parallel_loop3A = arith.constant 0 : i32
      %parallel_loop3A_246 = arith.constant 256 : i32
      %parallel_loop3A_247 = arith.constant 1 : i32
      scf.for %parallel_loop3A_248 = %parallel_loop3A to %parallel_loop3A_246 step %parallel_loop3A_247  : i32 {
        %parallel_loop3A_249 = arith.constant 16 : i32
        %parallel_loop3A_250 = arith.muli %parallel_loop3A_248, %parallel_loop3A_249 : i32
        %parallel_loop3A_251 = arith.index_cast %parallel_loop3A_250 : i32 to index
        %parallel_loop3A_252 = tpu.vector_load %arg14[%parallel_loop3A_251] {strides = array<i32>} : memref<4096xi32, #tpu.memory_space<vmem>>, vector<16xi32>,
        %parallel_loop3A_253 = tpu.vector_load_idx %arg15[%parallel_loop3A_252] : memref<20000xf32, #tpu.memory_space<vmem>>[vector<16xi32>], vector<16xf32>,
        %parallel_loop3A_254 = arith.constant 16 : i32
        %parallel_loop3A_255 = arith.muli %parallel_loop3A_248, %parallel_loop3A_254 : i32
        %parallel_loop3A_256 = arith.index_cast %parallel_loop3A_255 : i32 to index
        %parallel_loop3A_257 = tpu.vector_load %arg16[%parallel_loop3A_256] {strides = array<i32>} : memref<4096xf32, #tpu.memory_space<vmem>>, vector<16xf32>,
        tpu.vector_store %arg16[%parallel_loop3A_256], %parallel_loop3A_253 {strides = array<i32>} : memref<4096xf32, #tpu.memory_space<vmem>>, vector<16xf32>,
      } {sc.loop_unroll_factor = 4 : i64, sc.parallel_access}
      "tpu.region"() ({
        %run_scoped3A = tpu.sem_alloc : memref<!tpu.dma_semaphore, #tpu.memory_space<semaphore_mem>>
        %dma_start3A_248 = arith.constant 0 : i32
        %dma_start3A_249 = tpu.memref_slice %arg5[%select_n3A_221, %select_n3A_245, %dma_start3A_248] : memref<3x8x4096xf32, #tpu.memory_space<hbm>> -> memref<1x1x4096xf32, #tpu.memory_space<hbm>>
        %dma_start3A_250 = tpu.memref_squeeze %dma_start3A_249 : memref<1x1x4096xf32, #tpu.memory_space<hbm>> -> memref<4096xf32, #tpu.memory_space<hbm>>
        %dma_start3A_251 = arith.constant 0 : i32
        %dma_start3A_252 = tpu.memref_slice %arg5[%select_n3A_221, %select_n3A_245, %dma_start3A_251] : memref<3x8x4096xf32, #tpu.memory_space<hbm>> -> memref<1x1x4096xf32, #tpu.memory_space<hbm>>
        %dma_start3A_253 = tpu.memref_squeeze %dma_start3A_252 : memref<1x1x4096xf32, #tpu.memory_space<hbm>> -> memref<4096xf32, #tpu.memory_space<hbm>>
        tpu.enqueue_dma source(%arg16 : memref<4096xf32, #tpu.memory_space<vmem>>) target(%dma_start3A_253 : memref<4096xf32, #tpu.memory_space<hbm>>) target_semaphore(%run_scoped3A : memref<!tpu.dma_semaphore, #tpu.memory_space<semaphore_mem>>)
        %dma_wait3A_254 = arith.constant 0 : i32
        %dma_wait3A_255 = tpu.memref_slice %arg5[%select_n3A_221, %select_n3A_245, %dma_wait3A_254] : memref<3x8x4096xf32, #tpu.memory_space<hbm>> -> memref<1x1x4096xf32, #tpu.memory_space<hbm>>
        %dma_wait3A_256 = tpu.memref_squeeze %dma_wait3A_255 : memref<1x1x4096xf32, #tpu.memory_space<hbm>> -> memref<4096xf32, #tpu.memory_space<hbm>>
        %dma_wait3A_257 = arith.constant 0 : i32
        %dma_wait3A_258 = tpu.memref_slice %arg5[%select_n3A_221, %select_n3A_245, %dma_wait3A_257] : memref<3x8x4096xf32, #tpu.memory_space<hbm>> -> memref<1x1x4096xf32, #tpu.memory_space<hbm>>
        %dma_wait3A_259 = tpu.memref_squeeze %dma_wait3A_258 : memref<1x1x4096xf32, #tpu.memory_space<hbm>> -> memref<4096xf32, #tpu.memory_space<hbm>>
        tpu.wait_dma2 semaphore(%run_scoped3A : memref<!tpu.dma_semaphore, #tpu.memory_space<semaphore_mem>>) src(%arg16 : memref<4096xf32, #tpu.memory_space<vmem>>) dst(%dma_wait3A_259 : memref<4096xf32, #tpu.memory_space<hbm>>)
        tpu.yield
      }) : () -> ()
    } else {
    }
    %scan3A = arith.constant 0 : i32
    %scan3A_185 = arith.constant 0 : i32
    %scan3A_186 = arith.constant 4 : i32
    %scan3A_187 = arith.addi %scan3A_185, %scan3A_186 : i32
    %scan3A_188 = arith.constant 1 : i32
    %scan3A_189 = scf.for %scan3A_206 = %scan3A_185 to %scan3A_187 step %scan3A_188 iter_args(%scan3A_207 = %scan3A) -> (i32)  : i32 {
      %mul3A_208 = arith.constant 2 : i32
      %mul3A_209 = arith.muli %scan3A_206, %mul3A_208 : i32
      %add3A_210 = arith.constant 0 : i32
      %add3A_211 = arith.addi %mul3A_209, %add3A_210 : i32
      %gt3A = arith.constant 0 : i32
      %gt3A_212 = arith.cmpi sgt, %scan3A_206, %gt3A : i32
      %convert_element_type3A_213 = arith.extui %gt3A_212 : i1 to i32
      %cond3A_214 = arith.constant 0 : i32
      %cond3A_215 = arith.cmpi ne, %convert_element_type3A_213, %cond3A_214 : i32
      scf.if %cond3A_215 {
        %dma_wait3A_291 = arith.constant 0 : i32
        %dma_wait3A_292 = arith.constant 0 : i32
        %dma_wait3A_293 = tpu.memref_slice %arg6[%select_n3A, %dma_wait3A_291, %dma_wait3A_292] : memref<8x256x4096xf32, #tpu.memory_space<hbm>> -> memref<1x256x128xf32, #tpu.memory_space<hbm>>
        %dma_wait3A_294 = tpu.memref_squeeze %dma_wait3A_293 : memref<1x256x128xf32, #tpu.memory_space<hbm>> -> memref<256x128xf32, #tpu.memory_space<hbm>>
        %dma_wait3A_295 = arith.constant 0 : i32
        %dma_wait3A_296 = arith.constant 0 : i32
        %dma_wait3A_297 = tpu.memref_slice %arg6[%select_n3A, %dma_wait3A_295, %dma_wait3A_296] : memref<8x256x4096xf32, #tpu.memory_space<hbm>> -> memref<1x256x128xf32, #tpu.memory_space<hbm>>
        %dma_wait3A_298 = tpu.memref_squeeze %dma_wait3A_297 : memref<1x256x128xf32, #tpu.memory_space<hbm>> -> memref<256x128xf32, #tpu.memory_space<hbm>>
        tpu.wait_dma2 semaphore(%arg19 : memref<!tpu.dma_semaphore, #tpu.memory_space<semaphore_mem>>) src(%arg12 : memref<256x128xf32, #tpu.memory_space<vmem>>) dst(%dma_wait3A_298 : memref<256x128xf32, #tpu.memory_space<hbm>>)
      } else {
      }
      %dma_wait3A_216 = arith.constant 0 : i32
      %dma_wait3A_217 = arith.constant 0 : i32
      %dma_wait3A_218 = tpu.memref_slice %arg3[%dma_wait3A_216, %dma_wait3A_217] : memref<160000x256xf32, #tpu.memory_space<hbm>> -> memref<160000x256xf32, #tpu.memory_space<hbm>>
      tpu.wait_indirect_dma semaphore(%arg17 : memref<!tpu.dma_semaphore, #tpu.memory_space<semaphore_mem>>) src(%dma_wait3A_218 : memref<160000x256xf32, #tpu.memory_space<hbm>>) dst(%arg10 : memref<64x256xf32, #tpu.memory_space<vmem>>)
      %parallel_loop3A = arith.constant 0 : i32
      %parallel_loop3A_219 = arith.constant 64 : i32
      %parallel_loop3A_220 = arith.constant 1 : i32
      scf.for %parallel_loop3A_291 = %parallel_loop3A to %parallel_loop3A_219 step %parallel_loop3A_220  : i32 {
        %parallel_loop3A_292 = arith.constant 16 : i32
        %parallel_loop3A_293 = arith.divsi %parallel_loop3A_291, %parallel_loop3A_292 : i32
        %parallel_loop3A_294 = arith.constant 0 : i32
        %parallel_loop3A_295 = arith.cmpi sgt, %parallel_loop3A_291, %parallel_loop3A_294 : i32
        %parallel_loop3A_296 = arith.extui %parallel_loop3A_295 : i1 to i32
        %parallel_loop3A_297 = arith.constant 0 : i32
        %parallel_loop3A_298 = arith.cmpi slt, %parallel_loop3A_291, %parallel_loop3A_297 : i32
        %parallel_loop3A_299 = arith.extui %parallel_loop3A_298 : i1 to i32
        %parallel_loop3A_300 = arith.subi %parallel_loop3A_296, %parallel_loop3A_299 : i32
        %parallel_loop3A_301 = arith.constant 0 : i32
        %parallel_loop3A_302 = arith.cmpi sgt, %parallel_loop3A_292, %parallel_loop3A_301 : i32
        %parallel_loop3A_303 = arith.extui %parallel_loop3A_302 : i1 to i32
        %parallel_loop3A_304 = arith.constant 0 : i32
        %parallel_loop3A_305 = arith.cmpi slt, %parallel_loop3A_292, %parallel_loop3A_304 : i32
        %parallel_loop3A_306 = arith.extui %parallel_loop3A_305 : i1 to i32
        %parallel_loop3A_307 = arith.subi %parallel_loop3A_303, %parallel_loop3A_306 : i32
        %parallel_loop3A_308 = arith.cmpi ne, %parallel_loop3A_300, %parallel_loop3A_307 : i32
        %parallel_loop3A_309 = arith.remsi %parallel_loop3A_291, %parallel_loop3A_292 : i32
        %parallel_loop3A_310 = arith.constant 0 : i32
        %parallel_loop3A_311 = arith.cmpi ne, %parallel_loop3A_309, %parallel_loop3A_310 : i32
        %parallel_loop3A_312 = arith.andi %parallel_loop3A_308, %parallel_loop3A_311 : i1
        %parallel_loop3A_313 = arith.constant 1 : i32
        %parallel_loop3A_314 = arith.subi %parallel_loop3A_293, %parallel_loop3A_313 : i32
        %parallel_loop3A_315 = arith.select %parallel_loop3A_312, %parallel_loop3A_314, %parallel_loop3A_293 : i32
        %parallel_loop3A_316 = arith.constant 16 : i32
        %parallel_loop3A_317 = arith.constant 0 : i32
        %parallel_loop3A_318 = arith.cmpi eq, %parallel_loop3A_316, %parallel_loop3A_317 : i32
        %parallel_loop3A_319 = arith.constant 1 : i32
        %parallel_loop3A_320 = arith.select %parallel_loop3A_318, %parallel_loop3A_319, %parallel_loop3A_316 : i32
        %parallel_loop3A_321 = arith.remsi %parallel_loop3A_291, %parallel_loop3A_320 : i32
        %parallel_loop3A_322 = arith.constant 0 : i32
        %parallel_loop3A_323 = arith.cmpi ne, %parallel_loop3A_321, %parallel_loop3A_322 : i32
        %parallel_loop3A_324 = arith.constant 0 : i32
        %parallel_loop3A_325 = arith.cmpi slt, %parallel_loop3A_321, %parallel_loop3A_324 : i32
        %parallel_loop3A_326 = arith.constant 0 : i32
        %parallel_loop3A_327 = arith.cmpi slt, %parallel_loop3A_320, %parallel_loop3A_326 : i32
        %parallel_loop3A_328 = arith.xori %parallel_loop3A_325, %parallel_loop3A_327 : i1
        %parallel_loop3A_329 = arith.andi %parallel_loop3A_328, %parallel_loop3A_323 : i1
        %parallel_loop3A_330 = arith.addi %parallel_loop3A_321, %parallel_loop3A_320 : i32
        %parallel_loop3A_331 = arith.select %parallel_loop3A_329, %parallel_loop3A_330, %parallel_loop3A_321 : i32
        %parallel_loop3A_332 = arith.constant 16 : i32
        %parallel_loop3A_333 = arith.muli %parallel_loop3A_315, %parallel_loop3A_332 : i32
        %parallel_loop3A_334 = vector.broadcast %parallel_loop3A_333 : i32 to vector<16xi32>
        %parallel_loop3A_335 = arith.addi %parallel_loop3A_334, %iota3A : vector<16xi32>
        %parallel_loop3A_336 = arith.constant 16 : i32
        %parallel_loop3A_337 = arith.muli %parallel_loop3A_331, %parallel_loop3A_336 : i32
        %parallel_loop3A_338 = vector.broadcast %parallel_loop3A_337 : i32 to vector<16xi32>
        %parallel_loop3A_339 = arith.addi %parallel_loop3A_338, %and3A_38 : vector<16xi32>
        %parallel_loop3A_340 = tpu.vector_load_idx %arg10[%parallel_loop3A_335, %parallel_loop3A_339] : memref<64x256xf32, #tpu.memory_space<vmem>>[vector<16xi32>, vector<16xi32>], vector<16xf32>,
        %parallel_loop3A_341 = arith.constant 0 : i32
        %parallel_loop3A_342 = vector.broadcast %parallel_loop3A_341 : i32 to vector<16xi32>
        %parallel_loop3A_343 = arith.addi %parallel_loop3A_335, %parallel_loop3A_342 : vector<16xi32>
        tpu.vector_store_idx %arg12[%parallel_loop3A_339, %parallel_loop3A_343], %parallel_loop3A_340 : memref<256x128xf32, #tpu.memory_space<vmem>>[vector<16xi32>, vector<16xi32>], vector<16xf32>,
        %parallel_loop3A_344 = vector.broadcast %parallel_loop3A_337 : i32 to vector<16xi32>
        %parallel_loop3A_345 = arith.addi %parallel_loop3A_344, %and3A_44 : vector<16xi32>
        %parallel_loop3A_346 = tpu.vector_load_idx %arg10[%parallel_loop3A_335, %parallel_loop3A_345] : memref<64x256xf32, #tpu.memory_space<vmem>>[vector<16xi32>, vector<16xi32>], vector<16xf32>,
        %parallel_loop3A_347 = arith.constant 0 : i32
        %parallel_loop3A_348 = vector.broadcast %parallel_loop3A_347 : i32 to vector<16xi32>
        %parallel_loop3A_349 = arith.addi %parallel_loop3A_335, %parallel_loop3A_348 : vector<16xi32>
        tpu.vector_store_idx %arg12[%parallel_loop3A_345, %parallel_loop3A_349], %parallel_loop3A_346 : memref<256x128xf32, #tpu.memory_space<vmem>>[vector<16xi32>, vector<16xi32>], vector<16xf32>,
        %parallel_loop3A_350 = vector.broadcast %parallel_loop3A_337 : i32 to vector<16xi32>
        %parallel_loop3A_351 = arith.addi %parallel_loop3A_350, %and3A_50 : vector<16xi32>
        %parallel_loop3A_352 = tpu.vector_load_idx %arg10[%parallel_loop3A_335, %parallel_loop3A_351] : memref<64x256xf32, #tpu.memory_space<vmem>>[vector<16xi32>, vector<16xi32>], vector<16xf32>,
        %parallel_loop3A_353 = arith.constant 0 : i32
        %parallel_loop3A_354 = vector.broadcast %parallel_loop3A_353 : i32 to vector<16xi32>
        %parallel_loop3A_355 = arith.addi %parallel_loop3A_335, %parallel_loop3A_354 : vector<16xi32>
        tpu.vector_store_idx %arg12[%parallel_loop3A_351, %parallel_loop3A_355], %parallel_loop3A_352 : memref<256x128xf32, #tpu.memory_space<vmem>>[vector<16xi32>, vector<16xi32>], vector<16xf32>,
        %parallel_loop3A_356 = vector.broadcast %parallel_loop3A_337 : i32 to vector<16xi32>
        %parallel_loop3A_357 = arith.addi %parallel_loop3A_356, %and3A_56 : vector<16xi32>
        %parallel_loop3A_358 = tpu.vector_load_idx %arg10[%parallel_loop3A_335, %parallel_loop3A_357] : memref<64x256xf32, #tpu.memory_space<vmem>>[vector<16xi32>, vector<16xi32>], vector<16xf32>,
        %parallel_loop3A_359 = arith.constant 0 : i32
        %parallel_loop3A_360 = vector.broadcast %parallel_loop3A_359 : i32 to vector<16xi32>
        %parallel_loop3A_361 = arith.addi %parallel_loop3A_335, %parallel_loop3A_360 : vector<16xi32>
        tpu.vector_store_idx %arg12[%parallel_loop3A_357, %parallel_loop3A_361], %parallel_loop3A_358 : memref<256x128xf32, #tpu.memory_space<vmem>>[vector<16xi32>, vector<16xi32>], vector<16xf32>,
        %parallel_loop3A_362 = vector.broadcast %parallel_loop3A_337 : i32 to vector<16xi32>
        %parallel_loop3A_363 = arith.addi %parallel_loop3A_362, %and3A_62 : vector<16xi32>
        %parallel_loop3A_364 = tpu.vector_load_idx %arg10[%parallel_loop3A_335, %parallel_loop3A_363] : memref<64x256xf32, #tpu.memory_space<vmem>>[vector<16xi32>, vector<16xi32>], vector<16xf32>,
        %parallel_loop3A_365 = arith.constant 0 : i32
        %parallel_loop3A_366 = vector.broadcast %parallel_loop3A_365 : i32 to vector<16xi32>
        %parallel_loop3A_367 = arith.addi %parallel_loop3A_335, %parallel_loop3A_366 : vector<16xi32>
        tpu.vector_store_idx %arg12[%parallel_loop3A_363, %parallel_loop3A_367], %parallel_loop3A_364 : memref<256x128xf32, #tpu.memory_space<vmem>>[vector<16xi32>, vector<16xi32>], vector<16xf32>,
        %parallel_loop3A_368 = vector.broadcast %parallel_loop3A_337 : i32 to vector<16xi32>
        %parallel_loop3A_369 = arith.addi %parallel_loop3A_368, %and3A_68 : vector<16xi32>
        %parallel_loop3A_370 = tpu.vector_load_idx %arg10[%parallel_loop3A_335, %parallel_loop3A_369] : memref<64x256xf32, #tpu.memory_space<vmem>>[vector<16xi32>, vector<16xi32>], vector<16xf32>,
        %parallel_loop3A_371 = arith.constant 0 : i32
        %parallel_loop3A_372 = vector.broadcast %parallel_loop3A_371 : i32 to vector<16xi32>
        %parallel_loop3A_373 = arith.addi %parallel_loop3A_335, %parallel_loop3A_372 : vector<16xi32>
        tpu.vector_store_idx %arg12[%parallel_loop3A_369, %parallel_loop3A_373], %parallel_loop3A_370 : memref<256x128xf32, #tpu.memory_space<vmem>>[vector<16xi32>, vector<16xi32>], vector<16xf32>,
        %parallel_loop3A_374 = vector.broadcast %parallel_loop3A_337 : i32 to vector<16xi32>
        %parallel_loop3A_375 = arith.addi %parallel_loop3A_374, %and3A_74 : vector<16xi32>
        %parallel_loop3A_376 = tpu.vector_load_idx %arg10[%parallel_loop3A_335, %parallel_loop3A_375] : memref<64x256xf32, #tpu.memory_space<vmem>>[vector<16xi32>, vector<16xi32>], vector<16xf32>,
        %parallel_loop3A_377 = arith.constant 0 : i32
        %parallel_loop3A_378 = vector.broadcast %parallel_loop3A_377 : i32 to vector<16xi32>
        %parallel_loop3A_379 = arith.addi %parallel_loop3A_335, %parallel_loop3A_378 : vector<16xi32>
        tpu.vector_store_idx %arg12[%parallel_loop3A_375, %parallel_loop3A_379], %parallel_loop3A_376 : memref<256x128xf32, #tpu.memory_space<vmem>>[vector<16xi32>, vector<16xi32>], vector<16xf32>,
        %parallel_loop3A_380 = vector.broadcast %parallel_loop3A_337 : i32 to vector<16xi32>
        %parallel_loop3A_381 = arith.addi %parallel_loop3A_380, %and3A_80 : vector<16xi32>
        %parallel_loop3A_382 = tpu.vector_load_idx %arg10[%parallel_loop3A_335, %parallel_loop3A_381] : memref<64x256xf32, #tpu.memory_space<vmem>>[vector<16xi32>, vector<16xi32>], vector<16xf32>,
        %parallel_loop3A_383 = arith.constant 0 : i32
        %parallel_loop3A_384 = vector.broadcast %parallel_loop3A_383 : i32 to vector<16xi32>
        %parallel_loop3A_385 = arith.addi %parallel_loop3A_335, %parallel_loop3A_384 : vector<16xi32>
        tpu.vector_store_idx %arg12[%parallel_loop3A_381, %parallel_loop3A_385], %parallel_loop3A_382 : memref<256x128xf32, #tpu.memory_space<vmem>>[vector<16xi32>, vector<16xi32>], vector<16xf32>,
        %parallel_loop3A_386 = vector.broadcast %parallel_loop3A_337 : i32 to vector<16xi32>
        %parallel_loop3A_387 = arith.addi %parallel_loop3A_386, %and3A_86 : vector<16xi32>
        %parallel_loop3A_388 = tpu.vector_load_idx %arg10[%parallel_loop3A_335, %parallel_loop3A_387] : memref<64x256xf32, #tpu.memory_space<vmem>>[vector<16xi32>, vector<16xi32>], vector<16xf32>,
        %parallel_loop3A_389 = arith.constant 0 : i32
        %parallel_loop3A_390 = vector.broadcast %parallel_loop3A_389 : i32 to vector<16xi32>
        %parallel_loop3A_391 = arith.addi %parallel_loop3A_335, %parallel_loop3A_390 : vector<16xi32>
        tpu.vector_store_idx %arg12[%parallel_loop3A_387, %parallel_loop3A_391], %parallel_loop3A_388 : memref<256x128xf32, #tpu.memory_space<vmem>>[vector<16xi32>, vector<16xi32>], vector<16xf32>,
        %parallel_loop3A_392 = vector.broadcast %parallel_loop3A_337 : i32 to vector<16xi32>
        %parallel_loop3A_393 = arith.addi %parallel_loop3A_392, %and3A_92 : vector<16xi32>
        %parallel_loop3A_394 = tpu.vector_load_idx %arg10[%parallel_loop3A_335, %parallel_loop3A_393] : memref<64x256xf32, #tpu.memory_space<vmem>>[vector<16xi32>, vector<16xi32>], vector<16xf32>,
        %parallel_loop3A_395 = arith.constant 0 : i32
        %parallel_loop3A_396 = vector.broadcast %parallel_loop3A_395 : i32 to vector<16xi32>
        %parallel_loop3A_397 = arith.addi %parallel_loop3A_335, %parallel_loop3A_396 : vector<16xi32>
        tpu.vector_store_idx %arg12[%parallel_loop3A_393, %parallel_loop3A_397], %parallel_loop3A_394 : memref<256x128xf32, #tpu.memory_space<vmem>>[vector<16xi32>, vector<16xi32>], vector<16xf32>,
        %parallel_loop3A_398 = vector.broadcast %parallel_loop3A_337 : i32 to vector<16xi32>
        %parallel_loop3A_399 = arith.addi %parallel_loop3A_398, %and3A_98 : vector<16xi32>
        %parallel_loop3A_400 = tpu.vector_load_idx %arg10[%parallel_loop3A_335, %parallel_loop3A_399] : memref<64x256xf32, #tpu.memory_space<vmem>>[vector<16xi32>, vector<16xi32>], vector<16xf32>,
        %parallel_loop3A_401 = arith.constant 0 : i32
        %parallel_loop3A_402 = vector.broadcast %parallel_loop3A_401 : i32 to vector<16xi32>
        %parallel_loop3A_403 = arith.addi %parallel_loop3A_335, %parallel_loop3A_402 : vector<16xi32>
        tpu.vector_store_idx %arg12[%parallel_loop3A_399, %parallel_loop3A_403], %parallel_loop3A_400 : memref<256x128xf32, #tpu.memory_space<vmem>>[vector<16xi32>, vector<16xi32>], vector<16xf32>,
        %parallel_loop3A_404 = vector.broadcast %parallel_loop3A_337 : i32 to vector<16xi32>
        %parallel_loop3A_405 = arith.addi %parallel_loop3A_404, %and3A_104 : vector<16xi32>
        %parallel_loop3A_406 = tpu.vector_load_idx %arg10[%parallel_loop3A_335, %parallel_loop3A_405] : memref<64x256xf32, #tpu.memory_space<vmem>>[vector<16xi32>, vector<16xi32>], vector<16xf32>,
        %parallel_loop3A_407 = arith.constant 0 : i32
        %parallel_loop3A_408 = vector.broadcast %parallel_loop3A_407 : i32 to vector<16xi32>
        %parallel_loop3A_409 = arith.addi %parallel_loop3A_335, %parallel_loop3A_408 : vector<16xi32>
        tpu.vector_store_idx %arg12[%parallel_loop3A_405, %parallel_loop3A_409], %parallel_loop3A_406 : memref<256x128xf32, #tpu.memory_space<vmem>>[vector<16xi32>, vector<16xi32>], vector<16xf32>,
        %parallel_loop3A_410 = vector.broadcast %parallel_loop3A_337 : i32 to vector<16xi32>
        %parallel_loop3A_411 = arith.addi %parallel_loop3A_410, %and3A_110 : vector<16xi32>
        %parallel_loop3A_412 = tpu.vector_load_idx %arg10[%parallel_loop3A_335, %parallel_loop3A_411] : memref<64x256xf32, #tpu.memory_space<vmem>>[vector<16xi32>, vector<16xi32>], vector<16xf32>,
        %parallel_loop3A_413 = arith.constant 0 : i32
        %parallel_loop3A_414 = vector.broadcast %parallel_loop3A_413 : i32 to vector<16xi32>
        %parallel_loop3A_415 = arith.addi %parallel_loop3A_335, %parallel_loop3A_414 : vector<16xi32>
        tpu.vector_store_idx %arg12[%parallel_loop3A_411, %parallel_loop3A_415], %parallel_loop3A_412 : memref<256x128xf32, #tpu.memory_space<vmem>>[vector<16xi32>, vector<16xi32>], vector<16xf32>,
        %parallel_loop3A_416 = vector.broadcast %parallel_loop3A_337 : i32 to vector<16xi32>
        %parallel_loop3A_417 = arith.addi %parallel_loop3A_416, %and3A_116 : vector<16xi32>
        %parallel_loop3A_418 = tpu.vector_load_idx %arg10[%parallel_loop3A_335, %parallel_loop3A_417] : memref<64x256xf32, #tpu.memory_space<vmem>>[vector<16xi32>, vector<16xi32>], vector<16xf32>,
        %parallel_loop3A_419 = arith.constant 0 : i32
        %parallel_loop3A_420 = vector.broadcast %parallel_loop3A_419 : i32 to vector<16xi32>
        %parallel_loop3A_421 = arith.addi %parallel_loop3A_335, %parallel_loop3A_420 : vector<16xi32>
        tpu.vector_store_idx %arg12[%parallel_loop3A_417, %parallel_loop3A_421], %parallel_loop3A_418 : memref<256x128xf32, #tpu.memory_space<vmem>>[vector<16xi32>, vector<16xi32>], vector<16xf32>,
        %parallel_loop3A_422 = vector.broadcast %parallel_loop3A_337 : i32 to vector<16xi32>
        %parallel_loop3A_423 = arith.addi %parallel_loop3A_422, %and3A_122 : vector<16xi32>
        %parallel_loop3A_424 = tpu.vector_load_idx %arg10[%parallel_loop3A_335, %parallel_loop3A_423] : memref<64x256xf32, #tpu.memory_space<vmem>>[vector<16xi32>, vector<16xi32>], vector<16xf32>,
        %parallel_loop3A_425 = arith.constant 0 : i32
        %parallel_loop3A_426 = vector.broadcast %parallel_loop3A_425 : i32 to vector<16xi32>
        %parallel_loop3A_427 = arith.addi %parallel_loop3A_335, %parallel_loop3A_426 : vector<16xi32>
        tpu.vector_store_idx %arg12[%parallel_loop3A_423, %parallel_loop3A_427], %parallel_loop3A_424 : memref<256x128xf32, #tpu.memory_space<vmem>>[vector<16xi32>, vector<16xi32>], vector<16xf32>,
        %parallel_loop3A_428 = vector.broadcast %parallel_loop3A_337 : i32 to vector<16xi32>
        %parallel_loop3A_429 = arith.addi %parallel_loop3A_428, %and3A_128 : vector<16xi32>
        %parallel_loop3A_430 = tpu.vector_load_idx %arg10[%parallel_loop3A_335, %parallel_loop3A_429] : memref<64x256xf32, #tpu.memory_space<vmem>>[vector<16xi32>, vector<16xi32>], vector<16xf32>,
        %parallel_loop3A_431 = arith.constant 0 : i32
        %parallel_loop3A_432 = vector.broadcast %parallel_loop3A_431 : i32 to vector<16xi32>
        %parallel_loop3A_433 = arith.addi %parallel_loop3A_335, %parallel_loop3A_432 : vector<16xi32>
        tpu.vector_store_idx %arg12[%parallel_loop3A_429, %parallel_loop3A_433], %parallel_loop3A_430 : memref<256x128xf32, #tpu.memory_space<vmem>>[vector<16xi32>, vector<16xi32>], vector<16xf32>,
      } {sc.loop_unroll_factor = 2 : i64, sc.parallel_access}
      %lt3A_221 = arith.constant 7 : i32
      %lt3A_222 = arith.cmpi slt, %add3A_211, %lt3A_221 : i32
      %convert_element_type3A_223 = arith.extui %lt3A_222 : i1 to i32
      %cond3A_224 = arith.constant 0 : i32
      %cond3A_225 = arith.cmpi ne, %convert_element_type3A_223, %cond3A_224 : i32
      scf.if %cond3A_225 {
        %add3A_291 = arith.constant 1 : i32
        %add3A_292 = arith.addi %add3A_211, %add3A_291 : i32
        %mul3A_293 = arith.constant 128 : i32
        %mul3A_294 = arith.muli %add3A_292, %mul3A_293 : i32
        %add3A_295 = arith.constant 0 : i32
        %add3A_296 = arith.addi %mul3A_294, %add3A_295 : i32
        %add3A_297 = arith.constant 0 : i32
        %add3A_298 = arith.addi %add3A_296, %add3A_297 : i32
        %get3A_299 = arith.index_cast %add3A_298 : i32 to index
        %get3A_300 = tpu.vector_load %arg7[%get3A_299] {strides = array<i32>} : memref<1024xi32, #tpu.memory_space<vmem>>, vector<16xi32>,
        %add3A_301 = vector.broadcast %mul3A_32 : i32 to vector<16xi32>
        %add3A_302 = arith.addi %get3A_300, %add3A_301 : vector<16xi32>
        %swap3A_303 = arith.constant 0 : index
        %swap3A_304 = tpu.vector_load %arg8[%swap3A_303] {strides = array<i32>} : memref<64xi32, #tpu.memory_space<vmem>>, vector<16xi32>,
        tpu.vector_store %arg8[%swap3A_303], %add3A_302 {strides = array<i32>} : memref<64xi32, #tpu.memory_space<vmem>>, vector<16xi32>,
        %mul3A_305 = arith.constant 128 : i32
        %mul3A_306 = arith.muli %add3A_292, %mul3A_305 : i32
        %add3A_307 = arith.constant 0 : i32
        %add3A_308 = arith.addi %mul3A_306, %add3A_307 : i32
        %add3A_309 = arith.constant 16 : i32
        %add3A_310 = arith.addi %add3A_308, %add3A_309 : i32
        %get3A_311 = arith.index_cast %add3A_310 : i32 to index
        %get3A_312 = tpu.vector_load %arg7[%get3A_311] {strides = array<i32>} : memref<1024xi32, #tpu.memory_space<vmem>>, vector<16xi32>,
        %add3A_313 = vector.broadcast %mul3A_32 : i32 to vector<16xi32>
        %add3A_314 = arith.addi %get3A_312, %add3A_313 : vector<16xi32>
        %swap3A_315 = arith.constant 16 : index
        %swap3A_316 = tpu.vector_load %arg8[%swap3A_315] {strides = array<i32>} : memref<64xi32, #tpu.memory_space<vmem>>, vector<16xi32>,
        tpu.vector_store %arg8[%swap3A_315], %add3A_314 {strides = array<i32>} : memref<64xi32, #tpu.memory_space<vmem>>, vector<16xi32>,
        %mul3A_317 = arith.constant 128 : i32
        %mul3A_318 = arith.muli %add3A_292, %mul3A_317 : i32
        %add3A_319 = arith.constant 0 : i32
        %add3A_320 = arith.addi %mul3A_318, %add3A_319 : i32
        %add3A_321 = arith.constant 32 : i32
        %add3A_322 = arith.addi %add3A_320, %add3A_321 : i32
        %get3A_323 = arith.index_cast %add3A_322 : i32 to index
        %get3A_324 = tpu.vector_load %arg7[%get3A_323] {strides = array<i32>} : memref<1024xi32, #tpu.memory_space<vmem>>, vector<16xi32>,
        %add3A_325 = vector.broadcast %mul3A_32 : i32 to vector<16xi32>
        %add3A_326 = arith.addi %get3A_324, %add3A_325 : vector<16xi32>
        %swap3A_327 = arith.constant 32 : index
        %swap3A_328 = tpu.vector_load %arg8[%swap3A_327] {strides = array<i32>} : memref<64xi32, #tpu.memory_space<vmem>>, vector<16xi32>,
        tpu.vector_store %arg8[%swap3A_327], %add3A_326 {strides = array<i32>} : memref<64xi32, #tpu.memory_space<vmem>>, vector<16xi32>,
        %mul3A_329 = arith.constant 128 : i32
        %mul3A_330 = arith.muli %add3A_292, %mul3A_329 : i32
        %add3A_331 = arith.constant 0 : i32
        %add3A_332 = arith.addi %mul3A_330, %add3A_331 : i32
        %add3A_333 = arith.constant 48 : i32
        %add3A_334 = arith.addi %add3A_332, %add3A_333 : i32
        %get3A_335 = arith.index_cast %add3A_334 : i32 to index
        %get3A_336 = tpu.vector_load %arg7[%get3A_335] {strides = array<i32>} : memref<1024xi32, #tpu.memory_space<vmem>>, vector<16xi32>,
        %add3A_337 = vector.broadcast %mul3A_32 : i32 to vector<16xi32>
        %add3A_338 = arith.addi %get3A_336, %add3A_337 : vector<16xi32>
        %swap3A_339 = arith.constant 48 : index
        %swap3A_340 = tpu.vector_load %arg8[%swap3A_339] {strides = array<i32>} : memref<64xi32, #tpu.memory_space<vmem>>, vector<16xi32>,
        tpu.vector_store %arg8[%swap3A_339], %add3A_338 {strides = array<i32>} : memref<64xi32, #tpu.memory_space<vmem>>, vector<16xi32>,
        %dma_start3A_341 = arith.constant 0 : i32
        %dma_start3A_342 = arith.constant 0 : i32
        %dma_start3A_343 = tpu.memref_slice %arg3[%dma_start3A_341, %dma_start3A_342] : memref<160000x256xf32, #tpu.memory_space<hbm>> -> memref<160000x256xf32, #tpu.memory_space<hbm>>
        tpu.enqueue_indirect_dma source(%dma_start3A_343 : memref<160000x256xf32, #tpu.memory_space<hbm>>) target(%arg10 : memref<64x256xf32, #tpu.memory_space<vmem>>) offsets(%arg8 : memref<64xi32, #tpu.memory_space<vmem>>) semaphore(%arg17 : memref<!tpu.dma_semaphore, #tpu.memory_space<semaphore_mem>>)
      } else {
      }
      %dma_wait3A_226 = arith.constant 0 : i32
      %dma_wait3A_227 = arith.constant 0 : i32
      %dma_wait3A_228 = tpu.memref_slice %arg3[%dma_wait3A_226, %dma_wait3A_227] : memref<160000x256xf32, #tpu.memory_space<hbm>> -> memref<160000x256xf32, #tpu.memory_space<hbm>>
      tpu.wait_indirect_dma semaphore(%arg18 : memref<!tpu.dma_semaphore, #tpu.memory_space<semaphore_mem>>) src(%dma_wait3A_228 : memref<160000x256xf32, #tpu.memory_space<hbm>>) dst(%arg11 : memref<64x256xf32, #tpu.memory_space<vmem>>)
      %parallel_loop3A_229 = arith.constant 0 : i32
      %parallel_loop3A_230 = arith.constant 64 : i32
      %parallel_loop3A_231 = arith.constant 1 : i32
      scf.for %parallel_loop3A_291 = %parallel_loop3A_229 to %parallel_loop3A_230 step %parallel_loop3A_231  : i32 {
        %parallel_loop3A_292 = arith.constant 16 : i32
        %parallel_loop3A_293 = arith.divsi %parallel_loop3A_291, %parallel_loop3A_292 : i32
        %parallel_loop3A_294 = arith.constant 0 : i32
        %parallel_loop3A_295 = arith.cmpi sgt, %parallel_loop3A_291, %parallel_loop3A_294 : i32
        %parallel_loop3A_296 = arith.extui %parallel_loop3A_295 : i1 to i32
        %parallel_loop3A_297 = arith.constant 0 : i32
        %parallel_loop3A_298 = arith.cmpi slt, %parallel_loop3A_291, %parallel_loop3A_297 : i32
        %parallel_loop3A_299 = arith.extui %parallel_loop3A_298 : i1 to i32
        %parallel_loop3A_300 = arith.subi %parallel_loop3A_296, %parallel_loop3A_299 : i32
        %parallel_loop3A_301 = arith.constant 0 : i32
        %parallel_loop3A_302 = arith.cmpi sgt, %parallel_loop3A_292, %parallel_loop3A_301 : i32
        %parallel_loop3A_303 = arith.extui %parallel_loop3A_302 : i1 to i32
        %parallel_loop3A_304 = arith.constant 0 : i32
        %parallel_loop3A_305 = arith.cmpi slt, %parallel_loop3A_292, %parallel_loop3A_304 : i32
        %parallel_loop3A_306 = arith.extui %parallel_loop3A_305 : i1 to i32
        %parallel_loop3A_307 = arith.subi %parallel_loop3A_303, %parallel_loop3A_306 : i32
        %parallel_loop3A_308 = arith.cmpi ne, %parallel_loop3A_300, %parallel_loop3A_307 : i32
        %parallel_loop3A_309 = arith.remsi %parallel_loop3A_291, %parallel_loop3A_292 : i32
        %parallel_loop3A_310 = arith.constant 0 : i32
        %parallel_loop3A_311 = arith.cmpi ne, %parallel_loop3A_309, %parallel_loop3A_310 : i32
        %parallel_loop3A_312 = arith.andi %parallel_loop3A_308, %parallel_loop3A_311 : i1
        %parallel_loop3A_313 = arith.constant 1 : i32
        %parallel_loop3A_314 = arith.subi %parallel_loop3A_293, %parallel_loop3A_313 : i32
        %parallel_loop3A_315 = arith.select %parallel_loop3A_312, %parallel_loop3A_314, %parallel_loop3A_293 : i32
        %parallel_loop3A_316 = arith.constant 16 : i32
        %parallel_loop3A_317 = arith.constant 0 : i32
        %parallel_loop3A_318 = arith.cmpi eq, %parallel_loop3A_316, %parallel_loop3A_317 : i32
        %parallel_loop3A_319 = arith.constant 1 : i32
        %parallel_loop3A_320 = arith.select %parallel_loop3A_318, %parallel_loop3A_319, %parallel_loop3A_316 : i32
        %parallel_loop3A_321 = arith.remsi %parallel_loop3A_291, %parallel_loop3A_320 : i32
        %parallel_loop3A_322 = arith.constant 0 : i32
        %parallel_loop3A_323 = arith.cmpi ne, %parallel_loop3A_321, %parallel_loop3A_322 : i32
        %parallel_loop3A_324 = arith.constant 0 : i32
        %parallel_loop3A_325 = arith.cmpi slt, %parallel_loop3A_321, %parallel_loop3A_324 : i32
        %parallel_loop3A_326 = arith.constant 0 : i32
        %parallel_loop3A_327 = arith.cmpi slt, %parallel_loop3A_320, %parallel_loop3A_326 : i32
        %parallel_loop3A_328 = arith.xori %parallel_loop3A_325, %parallel_loop3A_327 : i1
        %parallel_loop3A_329 = arith.andi %parallel_loop3A_328, %parallel_loop3A_323 : i1
        %parallel_loop3A_330 = arith.addi %parallel_loop3A_321, %parallel_loop3A_320 : i32
        %parallel_loop3A_331 = arith.select %parallel_loop3A_329, %parallel_loop3A_330, %parallel_loop3A_321 : i32
        %parallel_loop3A_332 = arith.constant 16 : i32
        %parallel_loop3A_333 = arith.muli %parallel_loop3A_315, %parallel_loop3A_332 : i32
        %parallel_loop3A_334 = vector.broadcast %parallel_loop3A_333 : i32 to vector<16xi32>
        %parallel_loop3A_335 = arith.addi %parallel_loop3A_334, %iota3A : vector<16xi32>
        %parallel_loop3A_336 = arith.constant 16 : i32
        %parallel_loop3A_337 = arith.muli %parallel_loop3A_331, %parallel_loop3A_336 : i32
        %parallel_loop3A_338 = vector.broadcast %parallel_loop3A_337 : i32 to vector<16xi32>
        %parallel_loop3A_339 = arith.addi %parallel_loop3A_338, %and3A_38 : vector<16xi32>
        %parallel_loop3A_340 = tpu.vector_load_idx %arg11[%parallel_loop3A_335, %parallel_loop3A_339] : memref<64x256xf32, #tpu.memory_space<vmem>>[vector<16xi32>, vector<16xi32>], vector<16xf32>,
        %parallel_loop3A_341 = arith.constant 64 : i32
        %parallel_loop3A_342 = vector.broadcast %parallel_loop3A_341 : i32 to vector<16xi32>
        %parallel_loop3A_343 = arith.addi %parallel_loop3A_335, %parallel_loop3A_342 : vector<16xi32>
        tpu.vector_store_idx %arg12[%parallel_loop3A_339, %parallel_loop3A_343], %parallel_loop3A_340 : memref<256x128xf32, #tpu.memory_space<vmem>>[vector<16xi32>, vector<16xi32>], vector<16xf32>,
        %parallel_loop3A_344 = vector.broadcast %parallel_loop3A_337 : i32 to vector<16xi32>
        %parallel_loop3A_345 = arith.addi %parallel_loop3A_344, %and3A_44 : vector<16xi32>
        %parallel_loop3A_346 = tpu.vector_load_idx %arg11[%parallel_loop3A_335, %parallel_loop3A_345] : memref<64x256xf32, #tpu.memory_space<vmem>>[vector<16xi32>, vector<16xi32>], vector<16xf32>,
        %parallel_loop3A_347 = arith.constant 64 : i32
        %parallel_loop3A_348 = vector.broadcast %parallel_loop3A_347 : i32 to vector<16xi32>
        %parallel_loop3A_349 = arith.addi %parallel_loop3A_335, %parallel_loop3A_348 : vector<16xi32>
        tpu.vector_store_idx %arg12[%parallel_loop3A_345, %parallel_loop3A_349], %parallel_loop3A_346 : memref<256x128xf32, #tpu.memory_space<vmem>>[vector<16xi32>, vector<16xi32>], vector<16xf32>,
        %parallel_loop3A_350 = vector.broadcast %parallel_loop3A_337 : i32 to vector<16xi32>
        %parallel_loop3A_351 = arith.addi %parallel_loop3A_350, %and3A_50 : vector<16xi32>
        %parallel_loop3A_352 = tpu.vector_load_idx %arg11[%parallel_loop3A_335, %parallel_loop3A_351] : memref<64x256xf32, #tpu.memory_space<vmem>>[vector<16xi32>, vector<16xi32>], vector<16xf32>,
        %parallel_loop3A_353 = arith.constant 64 : i32
        %parallel_loop3A_354 = vector.broadcast %parallel_loop3A_353 : i32 to vector<16xi32>
        %parallel_loop3A_355 = arith.addi %parallel_loop3A_335, %parallel_loop3A_354 : vector<16xi32>
        tpu.vector_store_idx %arg12[%parallel_loop3A_351, %parallel_loop3A_355], %parallel_loop3A_352 : memref<256x128xf32, #tpu.memory_space<vmem>>[vector<16xi32>, vector<16xi32>], vector<16xf32>,
        %parallel_loop3A_356 = vector.broadcast %parallel_loop3A_337 : i32 to vector<16xi32>
        %parallel_loop3A_357 = arith.addi %parallel_loop3A_356, %and3A_56 : vector<16xi32>
        %parallel_loop3A_358 = tpu.vector_load_idx %arg11[%parallel_loop3A_335, %parallel_loop3A_357] : memref<64x256xf32, #tpu.memory_space<vmem>>[vector<16xi32>, vector<16xi32>], vector<16xf32>,
        %parallel_loop3A_359 = arith.constant 64 : i32
        %parallel_loop3A_360 = vector.broadcast %parallel_loop3A_359 : i32 to vector<16xi32>
        %parallel_loop3A_361 = arith.addi %parallel_loop3A_335, %parallel_loop3A_360 : vector<16xi32>
        tpu.vector_store_idx %arg12[%parallel_loop3A_357, %parallel_loop3A_361], %parallel_loop3A_358 : memref<256x128xf32, #tpu.memory_space<vmem>>[vector<16xi32>, vector<16xi32>], vector<16xf32>,
        %parallel_loop3A_362 = vector.broadcast %parallel_loop3A_337 : i32 to vector<16xi32>
        %parallel_loop3A_363 = arith.addi %parallel_loop3A_362, %and3A_62 : vector<16xi32>
        %parallel_loop3A_364 = tpu.vector_load_idx %arg11[%parallel_loop3A_335, %parallel_loop3A_363] : memref<64x256xf32, #tpu.memory_space<vmem>>[vector<16xi32>, vector<16xi32>], vector<16xf32>,
        %parallel_loop3A_365 = arith.constant 64 : i32
        %parallel_loop3A_366 = vector.broadcast %parallel_loop3A_365 : i32 to vector<16xi32>
        %parallel_loop3A_367 = arith.addi %parallel_loop3A_335, %parallel_loop3A_366 : vector<16xi32>
        tpu.vector_store_idx %arg12[%parallel_loop3A_363, %parallel_loop3A_367], %parallel_loop3A_364 : memref<256x128xf32, #tpu.memory_space<vmem>>[vector<16xi32>, vector<16xi32>], vector<16xf32>,
        %parallel_loop3A_368 = vector.broadcast %parallel_loop3A_337 : i32 to vector<16xi32>
        %parallel_loop3A_369 = arith.addi %parallel_loop3A_368, %and3A_68 : vector<16xi32>
        %parallel_loop3A_370 = tpu.vector_load_idx %arg11[%parallel_loop3A_335, %parallel_loop3A_369] : memref<64x256xf32, #tpu.memory_space<vmem>>[vector<16xi32>, vector<16xi32>], vector<16xf32>,
        %parallel_loop3A_371 = arith.constant 64 : i32
        %parallel_loop3A_372 = vector.broadcast %parallel_loop3A_371 : i32 to vector<16xi32>
        %parallel_loop3A_373 = arith.addi %parallel_loop3A_335, %parallel_loop3A_372 : vector<16xi32>
        tpu.vector_store_idx %arg12[%parallel_loop3A_369, %parallel_loop3A_373], %parallel_loop3A_370 : memref<256x128xf32, #tpu.memory_space<vmem>>[vector<16xi32>, vector<16xi32>], vector<16xf32>,
        %parallel_loop3A_374 = vector.broadcast %parallel_loop3A_337 : i32 to vector<16xi32>
        %parallel_loop3A_375 = arith.addi %parallel_loop3A_374, %and3A_74 : vector<16xi32>
        %parallel_loop3A_376 = tpu.vector_load_idx %arg11[%parallel_loop3A_335, %parallel_loop3A_375] : memref<64x256xf32, #tpu.memory_space<vmem>>[vector<16xi32>, vector<16xi32>], vector<16xf32>,
        %parallel_loop3A_377 = arith.constant 64 : i32
        %parallel_loop3A_378 = vector.broadcast %parallel_loop3A_377 : i32 to vector<16xi32>
        %parallel_loop3A_379 = arith.addi %parallel_loop3A_335, %parallel_loop3A_378 : vector<16xi32>
        tpu.vector_store_idx %arg12[%parallel_loop3A_375, %parallel_loop3A_379], %parallel_loop3A_376 : memref<256x128xf32, #tpu.memory_space<vmem>>[vector<16xi32>, vector<16xi32>], vector<16xf32>,
        %parallel_loop3A_380 = vector.broadcast %parallel_loop3A_337 : i32 to vector<16xi32>
        %parallel_loop3A_381 = arith.addi %parallel_loop3A_380, %and3A_80 : vector<16xi32>
        %parallel_loop3A_382 = tpu.vector_load_idx %arg11[%parallel_loop3A_335, %parallel_loop3A_381] : memref<64x256xf32, #tpu.memory_space<vmem>>[vector<16xi32>, vector<16xi32>], vector<16xf32>,
        %parallel_loop3A_383 = arith.constant 64 : i32
        %parallel_loop3A_384 = vector.broadcast %parallel_loop3A_383 : i32 to vector<16xi32>
        %parallel_loop3A_385 = arith.addi %parallel_loop3A_335, %parallel_loop3A_384 : vector<16xi32>
        tpu.vector_store_idx %arg12[%parallel_loop3A_381, %parallel_loop3A_385], %parallel_loop3A_382 : memref<256x128xf32, #tpu.memory_space<vmem>>[vector<16xi32>, vector<16xi32>], vector<16xf32>,
        %parallel_loop3A_386 = vector.broadcast %parallel_loop3A_337 : i32 to vector<16xi32>
        %parallel_loop3A_387 = arith.addi %parallel_loop3A_386, %and3A_86 : vector<16xi32>
        %parallel_loop3A_388 = tpu.vector_load_idx %arg11[%parallel_loop3A_335, %parallel_loop3A_387] : memref<64x256xf32, #tpu.memory_space<vmem>>[vector<16xi32>, vector<16xi32>], vector<16xf32>,
        %parallel_loop3A_389 = arith.constant 64 : i32
        %parallel_loop3A_390 = vector.broadcast %parallel_loop3A_389 : i32 to vector<16xi32>
        %parallel_loop3A_391 = arith.addi %parallel_loop3A_335, %parallel_loop3A_390 : vector<16xi32>
        tpu.vector_store_idx %arg12[%parallel_loop3A_387, %parallel_loop3A_391], %parallel_loop3A_388 : memref<256x128xf32, #tpu.memory_space<vmem>>[vector<16xi32>, vector<16xi32>], vector<16xf32>,
        %parallel_loop3A_392 = vector.broadcast %parallel_loop3A_337 : i32 to vector<16xi32>
        %parallel_loop3A_393 = arith.addi %parallel_loop3A_392, %and3A_92 : vector<16xi32>
        %parallel_loop3A_394 = tpu.vector_load_idx %arg11[%parallel_loop3A_335, %parallel_loop3A_393] : memref<64x256xf32, #tpu.memory_space<vmem>>[vector<16xi32>, vector<16xi32>], vector<16xf32>,
        %parallel_loop3A_395 = arith.constant 64 : i32
        %parallel_loop3A_396 = vector.broadcast %parallel_loop3A_395 : i32 to vector<16xi32>
        %parallel_loop3A_397 = arith.addi %parallel_loop3A_335, %parallel_loop3A_396 : vector<16xi32>
        tpu.vector_store_idx %arg12[%parallel_loop3A_393, %parallel_loop3A_397], %parallel_loop3A_394 : memref<256x128xf32, #tpu.memory_space<vmem>>[vector<16xi32>, vector<16xi32>], vector<16xf32>,
        %parallel_loop3A_398 = vector.broadcast %parallel_loop3A_337 : i32 to vector<16xi32>
        %parallel_loop3A_399 = arith.addi %parallel_loop3A_398, %and3A_98 : vector<16xi32>
        %parallel_loop3A_400 = tpu.vector_load_idx %arg11[%parallel_loop3A_335, %parallel_loop3A_399] : memref<64x256xf32, #tpu.memory_space<vmem>>[vector<16xi32>, vector<16xi32>], vector<16xf32>,
        %parallel_loop3A_401 = arith.constant 64 : i32
        %parallel_loop3A_402 = vector.broadcast %parallel_loop3A_401 : i32 to vector<16xi32>
        %parallel_loop3A_403 = arith.addi %parallel_loop3A_335, %parallel_loop3A_402 : vector<16xi32>
        tpu.vector_store_idx %arg12[%parallel_loop3A_399, %parallel_loop3A_403], %parallel_loop3A_400 : memref<256x128xf32, #tpu.memory_space<vmem>>[vector<16xi32>, vector<16xi32>], vector<16xf32>,
        %parallel_loop3A_404 = vector.broadcast %parallel_loop3A_337 : i32 to vector<16xi32>
        %parallel_loop3A_405 = arith.addi %parallel_loop3A_404, %and3A_104 : vector<16xi32>
        %parallel_loop3A_406 = tpu.vector_load_idx %arg11[%parallel_loop3A_335, %parallel_loop3A_405] : memref<64x256xf32, #tpu.memory_space<vmem>>[vector<16xi32>, vector<16xi32>], vector<16xf32>,
        %parallel_loop3A_407 = arith.constant 64 : i32
        %parallel_loop3A_408 = vector.broadcast %parallel_loop3A_407 : i32 to vector<16xi32>
        %parallel_loop3A_409 = arith.addi %parallel_loop3A_335, %parallel_loop3A_408 : vector<16xi32>
        tpu.vector_store_idx %arg12[%parallel_loop3A_405, %parallel_loop3A_409], %parallel_loop3A_406 : memref<256x128xf32, #tpu.memory_space<vmem>>[vector<16xi32>, vector<16xi32>], vector<16xf32>,
        %parallel_loop3A_410 = vector.broadcast %parallel_loop3A_337 : i32 to vector<16xi32>
        %parallel_loop3A_411 = arith.addi %parallel_loop3A_410, %and3A_110 : vector<16xi32>
        %parallel_loop3A_412 = tpu.vector_load_idx %arg11[%parallel_loop3A_335, %parallel_loop3A_411] : memref<64x256xf32, #tpu.memory_space<vmem>>[vector<16xi32>, vector<16xi32>], vector<16xf32>,
        %parallel_loop3A_413 = arith.constant 64 : i32
        %parallel_loop3A_414 = vector.broadcast %parallel_loop3A_413 : i32 to vector<16xi32>
        %parallel_loop3A_415 = arith.addi %parallel_loop3A_335, %parallel_loop3A_414 : vector<16xi32>
        tpu.vector_store_idx %arg12[%parallel_loop3A_411, %parallel_loop3A_415], %parallel_loop3A_412 : memref<256x128xf32, #tpu.memory_space<vmem>>[vector<16xi32>, vector<16xi32>], vector<16xf32>,
        %parallel_loop3A_416 = vector.broadcast %parallel_loop3A_337 : i32 to vector<16xi32>
        %parallel_loop3A_417 = arith.addi %parallel_loop3A_416, %and3A_116 : vector<16xi32>
        %parallel_loop3A_418 = tpu.vector_load_idx %arg11[%parallel_loop3A_335, %parallel_loop3A_417] : memref<64x256xf32, #tpu.memory_space<vmem>>[vector<16xi32>, vector<16xi32>], vector<16xf32>,
        %parallel_loop3A_419 = arith.constant 64 : i32
        %parallel_loop3A_420 = vector.broadcast %parallel_loop3A_419 : i32 to vector<16xi32>
        %parallel_loop3A_421 = arith.addi %parallel_loop3A_335, %parallel_loop3A_420 : vector<16xi32>
        tpu.vector_store_idx %arg12[%parallel_loop3A_417, %parallel_loop3A_421], %parallel_loop3A_418 : memref<256x128xf32, #tpu.memory_space<vmem>>[vector<16xi32>, vector<16xi32>], vector<16xf32>,
        %parallel_loop3A_422 = vector.broadcast %parallel_loop3A_337 : i32 to vector<16xi32>
        %parallel_loop3A_423 = arith.addi %parallel_loop3A_422, %and3A_122 : vector<16xi32>
        %parallel_loop3A_424 = tpu.vector_load_idx %arg11[%parallel_loop3A_335, %parallel_loop3A_423] : memref<64x256xf32, #tpu.memory_space<vmem>>[vector<16xi32>, vector<16xi32>], vector<16xf32>,
        %parallel_loop3A_425 = arith.constant 64 : i32
        %parallel_loop3A_426 = vector.broadcast %parallel_loop3A_425 : i32 to vector<16xi32>
        %parallel_loop3A_427 = arith.addi %parallel_loop3A_335, %parallel_loop3A_426 : vector<16xi32>
        tpu.vector_store_idx %arg12[%parallel_loop3A_423, %parallel_loop3A_427], %parallel_loop3A_424 : memref<256x128xf32, #tpu.memory_space<vmem>>[vector<16xi32>, vector<16xi32>], vector<16xf32>,
        %parallel_loop3A_428 = vector.broadcast %parallel_loop3A_337 : i32 to vector<16xi32>
        %parallel_loop3A_429 = arith.addi %parallel_loop3A_428, %and3A_128 : vector<16xi32>
        %parallel_loop3A_430 = tpu.vector_load_idx %arg11[%parallel_loop3A_335, %parallel_loop3A_429] : memref<64x256xf32, #tpu.memory_space<vmem>>[vector<16xi32>, vector<16xi32>], vector<16xf32>,
        %parallel_loop3A_431 = arith.constant 64 : i32
        %parallel_loop3A_432 = vector.broadcast %parallel_loop3A_431 : i32 to vector<16xi32>
        %parallel_loop3A_433 = arith.addi %parallel_loop3A_335, %parallel_loop3A_432 : vector<16xi32>
        tpu.vector_store_idx %arg12[%parallel_loop3A_429, %parallel_loop3A_433], %parallel_loop3A_430 : memref<256x128xf32, #tpu.memory_space<vmem>>[vector<16xi32>, vector<16xi32>], vector<16xf32>,
      } {sc.loop_unroll_factor = 2 : i64, sc.parallel_access}
      %lt3A_232 = arith.constant 7 : i32
      %lt3A_233 = arith.cmpi slt, %add3A_211, %lt3A_232 : i32
      %convert_element_type3A_234 = arith.extui %lt3A_233 : i1 to i32
      %cond3A_235 = arith.constant 0 : i32
      %cond3A_236 = arith.cmpi ne, %convert_element_type3A_234, %cond3A_235 : i32
      scf.if %cond3A_236 {
        %add3A_291 = arith.constant 1 : i32
        %add3A_292 = arith.addi %add3A_211, %add3A_291 : i32
        %mul3A_293 = arith.constant 128 : i32
        %mul3A_294 = arith.muli %add3A_292, %mul3A_293 : i32
        %add3A_295 = arith.constant 64 : i32
        %add3A_296 = arith.addi %mul3A_294, %add3A_295 : i32
        %add3A_297 = arith.constant 0 : i32
        %add3A_298 = arith.addi %add3A_296, %add3A_297 : i32
        %get3A_299 = arith.index_cast %add3A_298 : i32 to index
        %get3A_300 = tpu.vector_load %arg7[%get3A_299] {strides = array<i32>} : memref<1024xi32, #tpu.memory_space<vmem>>, vector<16xi32>,
        %add3A_301 = vector.broadcast %mul3A_32 : i32 to vector<16xi32>
        %add3A_302 = arith.addi %get3A_300, %add3A_301 : vector<16xi32>
        %swap3A_303 = arith.constant 0 : index
        %swap3A_304 = tpu.vector_load %arg9[%swap3A_303] {strides = array<i32>} : memref<64xi32, #tpu.memory_space<vmem>>, vector<16xi32>,
        tpu.vector_store %arg9[%swap3A_303], %add3A_302 {strides = array<i32>} : memref<64xi32, #tpu.memory_space<vmem>>, vector<16xi32>,
        %mul3A_305 = arith.constant 128 : i32
        %mul3A_306 = arith.muli %add3A_292, %mul3A_305 : i32
        %add3A_307 = arith.constant 64 : i32
        %add3A_308 = arith.addi %mul3A_306, %add3A_307 : i32
        %add3A_309 = arith.constant 16 : i32
        %add3A_310 = arith.addi %add3A_308, %add3A_309 : i32
        %get3A_311 = arith.index_cast %add3A_310 : i32 to index
        %get3A_312 = tpu.vector_load %arg7[%get3A_311] {strides = array<i32>} : memref<1024xi32, #tpu.memory_space<vmem>>, vector<16xi32>,
        %add3A_313 = vector.broadcast %mul3A_32 : i32 to vector<16xi32>
        %add3A_314 = arith.addi %get3A_312, %add3A_313 : vector<16xi32>
        %swap3A_315 = arith.constant 16 : index
        %swap3A_316 = tpu.vector_load %arg9[%swap3A_315] {strides = array<i32>} : memref<64xi32, #tpu.memory_space<vmem>>, vector<16xi32>,
        tpu.vector_store %arg9[%swap3A_315], %add3A_314 {strides = array<i32>} : memref<64xi32, #tpu.memory_space<vmem>>, vector<16xi32>,
        %mul3A_317 = arith.constant 128 : i32
        %mul3A_318 = arith.muli %add3A_292, %mul3A_317 : i32
        %add3A_319 = arith.constant 64 : i32
        %add3A_320 = arith.addi %mul3A_318, %add3A_319 : i32
        %add3A_321 = arith.constant 32 : i32
        %add3A_322 = arith.addi %add3A_320, %add3A_321 : i32
        %get3A_323 = arith.index_cast %add3A_322 : i32 to index
        %get3A_324 = tpu.vector_load %arg7[%get3A_323] {strides = array<i32>} : memref<1024xi32, #tpu.memory_space<vmem>>, vector<16xi32>,
        %add3A_325 = vector.broadcast %mul3A_32 : i32 to vector<16xi32>
        %add3A_326 = arith.addi %get3A_324, %add3A_325 : vector<16xi32>
        %swap3A_327 = arith.constant 32 : index
        %swap3A_328 = tpu.vector_load %arg9[%swap3A_327] {strides = array<i32>} : memref<64xi32, #tpu.memory_space<vmem>>, vector<16xi32>,
        tpu.vector_store %arg9[%swap3A_327], %add3A_326 {strides = array<i32>} : memref<64xi32, #tpu.memory_space<vmem>>, vector<16xi32>,
        %mul3A_329 = arith.constant 128 : i32
        %mul3A_330 = arith.muli %add3A_292, %mul3A_329 : i32
        %add3A_331 = arith.constant 64 : i32
        %add3A_332 = arith.addi %mul3A_330, %add3A_331 : i32
        %add3A_333 = arith.constant 48 : i32
        %add3A_334 = arith.addi %add3A_332, %add3A_333 : i32
        %get3A_335 = arith.index_cast %add3A_334 : i32 to index
        %get3A_336 = tpu.vector_load %arg7[%get3A_335] {strides = array<i32>} : memref<1024xi32, #tpu.memory_space<vmem>>, vector<16xi32>,
        %add3A_337 = vector.broadcast %mul3A_32 : i32 to vector<16xi32>
        %add3A_338 = arith.addi %get3A_336, %add3A_337 : vector<16xi32>
        %swap3A_339 = arith.constant 48 : index
        %swap3A_340 = tpu.vector_load %arg9[%swap3A_339] {strides = array<i32>} : memref<64xi32, #tpu.memory_space<vmem>>, vector<16xi32>,
        tpu.vector_store %arg9[%swap3A_339], %add3A_338 {strides = array<i32>} : memref<64xi32, #tpu.memory_space<vmem>>, vector<16xi32>,
        %dma_start3A_341 = arith.constant 0 : i32
        %dma_start3A_342 = arith.constant 0 : i32
        %dma_start3A_343 = tpu.memref_slice %arg3[%dma_start3A_341, %dma_start3A_342] : memref<160000x256xf32, #tpu.memory_space<hbm>> -> memref<160000x256xf32, #tpu.memory_space<hbm>>
        tpu.enqueue_indirect_dma source(%dma_start3A_343 : memref<160000x256xf32, #tpu.memory_space<hbm>>) target(%arg11 : memref<64x256xf32, #tpu.memory_space<vmem>>) offsets(%arg9 : memref<64xi32, #tpu.memory_space<vmem>>) semaphore(%arg18 : memref<!tpu.dma_semaphore, #tpu.memory_space<semaphore_mem>>)
      } else {
      }
      %mul3A_237 = arith.constant 1024 : i32
      %mul3A_238 = arith.muli %select_n3A_30, %mul3A_237 : i32
      %mul3A_239 = arith.constant 128 : i32
      %mul3A_240 = arith.muli %add3A_211, %mul3A_239 : i32
      %add3A_241 = arith.addi %mul3A_238, %mul3A_240 : i32
      %dma_start3A_242 = arith.constant 0 : i32
      %dma_start3A_243 = tpu.memref_slice %arg6[%select_n3A, %dma_start3A_242, %add3A_241] : memref<8x256x4096xf32, #tpu.memory_space<hbm>> -> memref<1x256x128xf32, #tpu.memory_space<hbm>>
      %dma_start3A_244 = tpu.memref_squeeze %dma_start3A_243 : memref<1x256x128xf32, #tpu.memory_space<hbm>> -> memref<256x128xf32, #tpu.memory_space<hbm>>
      %dma_start3A_245 = arith.constant 0 : i32
      %dma_start3A_246 = tpu.memref_slice %arg6[%select_n3A, %dma_start3A_245, %add3A_241] : memref<8x256x4096xf32, #tpu.memory_space<hbm>> -> memref<1x256x128xf32, #tpu.memory_space<hbm>>
      %dma_start3A_247 = tpu.memref_squeeze %dma_start3A_246 : memref<1x256x128xf32, #tpu.memory_space<hbm>> -> memref<256x128xf32, #tpu.memory_space<hbm>>
      tpu.enqueue_dma source(%arg12 : memref<256x128xf32, #tpu.memory_space<vmem>>) target(%dma_start3A_247 : memref<256x128xf32, #tpu.memory_space<hbm>>) target_semaphore(%arg19 : memref<!tpu.dma_semaphore, #tpu.memory_space<semaphore_mem>>)
      %mul3A_248 = arith.constant 2 : i32
      %mul3A_249 = arith.muli %scan3A_206, %mul3A_248 : i32
      %add3A_250 = arith.constant 1 : i32
      %add3A_251 = arith.addi %mul3A_249, %add3A_250 : i32
      %gt3A_252 = arith.constant 0 : i32
      %gt3A_253 = arith.cmpi sgt, %scan3A_206, %gt3A_252 : i32
      %convert_element_type3A_254 = arith.extui %gt3A_253 : i1 to i32
      %cond3A_255 = arith.constant 0 : i32
      %cond3A_256 = arith.cmpi ne, %convert_element_type3A_254, %cond3A_255 : i32
      scf.if %cond3A_256 {
        %dma_wait3A_291 = arith.constant 0 : i32
        %dma_wait3A_292 = arith.constant 0 : i32
        %dma_wait3A_293 = tpu.memref_slice %arg6[%select_n3A, %dma_wait3A_291, %dma_wait3A_292] : memref<8x256x4096xf32, #tpu.memory_space<hbm>> -> memref<1x256x128xf32, #tpu.memory_space<hbm>>
        %dma_wait3A_294 = tpu.memref_squeeze %dma_wait3A_293 : memref<1x256x128xf32, #tpu.memory_space<hbm>> -> memref<256x128xf32, #tpu.memory_space<hbm>>
        %dma_wait3A_295 = arith.constant 0 : i32
        %dma_wait3A_296 = arith.constant 0 : i32
        %dma_wait3A_297 = tpu.memref_slice %arg6[%select_n3A, %dma_wait3A_295, %dma_wait3A_296] : memref<8x256x4096xf32, #tpu.memory_space<hbm>> -> memref<1x256x128xf32, #tpu.memory_space<hbm>>
        %dma_wait3A_298 = tpu.memref_squeeze %dma_wait3A_297 : memref<1x256x128xf32, #tpu.memory_space<hbm>> -> memref<256x128xf32, #tpu.memory_space<hbm>>
        tpu.wait_dma2 semaphore(%arg20 : memref<!tpu.dma_semaphore, #tpu.memory_space<semaphore_mem>>) src(%arg13 : memref<256x128xf32, #tpu.memory_space<vmem>>) dst(%dma_wait3A_298 : memref<256x128xf32, #tpu.memory_space<hbm>>)
      } else {
      }
      %dma_wait3A_257 = arith.constant 0 : i32
      %dma_wait3A_258 = arith.constant 0 : i32
      %dma_wait3A_259 = tpu.memref_slice %arg3[%dma_wait3A_257, %dma_wait3A_258] : memref<160000x256xf32, #tpu.memory_space<hbm>> -> memref<160000x256xf32, #tpu.memory_space<hbm>>
      tpu.wait_indirect_dma semaphore(%arg17 : memref<!tpu.dma_semaphore, #tpu.memory_space<semaphore_mem>>) src(%dma_wait3A_259 : memref<160000x256xf32, #tpu.memory_space<hbm>>) dst(%arg10 : memref<64x256xf32, #tpu.memory_space<vmem>>)
      %parallel_loop3A_260 = arith.constant 0 : i32
      %parallel_loop3A_261 = arith.constant 64 : i32
      %parallel_loop3A_262 = arith.constant 1 : i32
      scf.for %parallel_loop3A_291 = %parallel_loop3A_260 to %parallel_loop3A_261 step %parallel_loop3A_262  : i32 {
        %parallel_loop3A_292 = arith.constant 16 : i32
        %parallel_loop3A_293 = arith.divsi %parallel_loop3A_291, %parallel_loop3A_292 : i32
        %parallel_loop3A_294 = arith.constant 0 : i32
        %parallel_loop3A_295 = arith.cmpi sgt, %parallel_loop3A_291, %parallel_loop3A_294 : i32
        %parallel_loop3A_296 = arith.extui %parallel_loop3A_295 : i1 to i32
        %parallel_loop3A_297 = arith.constant 0 : i32
        %parallel_loop3A_298 = arith.cmpi slt, %parallel_loop3A_291, %parallel_loop3A_297 : i32
        %parallel_loop3A_299 = arith.extui %parallel_loop3A_298 : i1 to i32
        %parallel_loop3A_300 = arith.subi %parallel_loop3A_296, %parallel_loop3A_299 : i32
        %parallel_loop3A_301 = arith.constant 0 : i32
        %parallel_loop3A_302 = arith.cmpi sgt, %parallel_loop3A_292, %parallel_loop3A_301 : i32
        %parallel_loop3A_303 = arith.extui %parallel_loop3A_302 : i1 to i32
        %parallel_loop3A_304 = arith.constant 0 : i32
        %parallel_loop3A_305 = arith.cmpi slt, %parallel_loop3A_292, %parallel_loop3A_304 : i32
        %parallel_loop3A_306 = arith.extui %parallel_loop3A_305 : i1 to i32
        %parallel_loop3A_307 = arith.subi %parallel_loop3A_303, %parallel_loop3A_306 : i32
        %parallel_loop3A_308 = arith.cmpi ne, %parallel_loop3A_300, %parallel_loop3A_307 : i32
        %parallel_loop3A_309 = arith.remsi %parallel_loop3A_291, %parallel_loop3A_292 : i32
        %parallel_loop3A_310 = arith.constant 0 : i32
        %parallel_loop3A_311 = arith.cmpi ne, %parallel_loop3A_309, %parallel_loop3A_310 : i32
        %parallel_loop3A_312 = arith.andi %parallel_loop3A_308, %parallel_loop3A_311 : i1
        %parallel_loop3A_313 = arith.constant 1 : i32
        %parallel_loop3A_314 = arith.subi %parallel_loop3A_293, %parallel_loop3A_313 : i32
        %parallel_loop3A_315 = arith.select %parallel_loop3A_312, %parallel_loop3A_314, %parallel_loop3A_293 : i32
        %parallel_loop3A_316 = arith.constant 16 : i32
        %parallel_loop3A_317 = arith.constant 0 : i32
        %parallel_loop3A_318 = arith.cmpi eq, %parallel_loop3A_316, %parallel_loop3A_317 : i32
        %parallel_loop3A_319 = arith.constant 1 : i32
        %parallel_loop3A_320 = arith.select %parallel_loop3A_318, %parallel_loop3A_319, %parallel_loop3A_316 : i32
        %parallel_loop3A_321 = arith.remsi %parallel_loop3A_291, %parallel_loop3A_320 : i32
        %parallel_loop3A_322 = arith.constant 0 : i32
        %parallel_loop3A_323 = arith.cmpi ne, %parallel_loop3A_321, %parallel_loop3A_322 : i32
        %parallel_loop3A_324 = arith.constant 0 : i32
        %parallel_loop3A_325 = arith.cmpi slt, %parallel_loop3A_321, %parallel_loop3A_324 : i32
        %parallel_loop3A_326 = arith.constant 0 : i32
        %parallel_loop3A_327 = arith.cmpi slt, %parallel_loop3A_320, %parallel_loop3A_326 : i32
        %parallel_loop3A_328 = arith.xori %parallel_loop3A_325, %parallel_loop3A_327 : i1
        %parallel_loop3A_329 = arith.andi %parallel_loop3A_328, %parallel_loop3A_323 : i1
        %parallel_loop3A_330 = arith.addi %parallel_loop3A_321, %parallel_loop3A_320 : i32
        %parallel_loop3A_331 = arith.select %parallel_loop3A_329, %parallel_loop3A_330, %parallel_loop3A_321 : i32
        %parallel_loop3A_332 = arith.constant 16 : i32
        %parallel_loop3A_333 = arith.muli %parallel_loop3A_315, %parallel_loop3A_332 : i32
        %parallel_loop3A_334 = vector.broadcast %parallel_loop3A_333 : i32 to vector<16xi32>
        %parallel_loop3A_335 = arith.addi %parallel_loop3A_334, %iota3A : vector<16xi32>
        %parallel_loop3A_336 = arith.constant 16 : i32
        %parallel_loop3A_337 = arith.muli %parallel_loop3A_331, %parallel_loop3A_336 : i32
        %parallel_loop3A_338 = vector.broadcast %parallel_loop3A_337 : i32 to vector<16xi32>
        %parallel_loop3A_339 = arith.addi %parallel_loop3A_338, %and3A_38 : vector<16xi32>
        %parallel_loop3A_340 = tpu.vector_load_idx %arg10[%parallel_loop3A_335, %parallel_loop3A_339] : memref<64x256xf32, #tpu.memory_space<vmem>>[vector<16xi32>, vector<16xi32>], vector<16xf32>,
        %parallel_loop3A_341 = arith.constant 0 : i32
        %parallel_loop3A_342 = vector.broadcast %parallel_loop3A_341 : i32 to vector<16xi32>
        %parallel_loop3A_343 = arith.addi %parallel_loop3A_335, %parallel_loop3A_342 : vector<16xi32>
        tpu.vector_store_idx %arg13[%parallel_loop3A_339, %parallel_loop3A_343], %parallel_loop3A_340 : memref<256x128xf32, #tpu.memory_space<vmem>>[vector<16xi32>, vector<16xi32>], vector<16xf32>,
        %parallel_loop3A_344 = vector.broadcast %parallel_loop3A_337 : i32 to vector<16xi32>
        %parallel_loop3A_345 = arith.addi %parallel_loop3A_344, %and3A_44 : vector<16xi32>
        %parallel_loop3A_346 = tpu.vector_load_idx %arg10[%parallel_loop3A_335, %parallel_loop3A_345] : memref<64x256xf32, #tpu.memory_space<vmem>>[vector<16xi32>, vector<16xi32>], vector<16xf32>,
        %parallel_loop3A_347 = arith.constant 0 : i32
        %parallel_loop3A_348 = vector.broadcast %parallel_loop3A_347 : i32 to vector<16xi32>
        %parallel_loop3A_349 = arith.addi %parallel_loop3A_335, %parallel_loop3A_348 : vector<16xi32>
        tpu.vector_store_idx %arg13[%parallel_loop3A_345, %parallel_loop3A_349], %parallel_loop3A_346 : memref<256x128xf32, #tpu.memory_space<vmem>>[vector<16xi32>, vector<16xi32>], vector<16xf32>,
        %parallel_loop3A_350 = vector.broadcast %parallel_loop3A_337 : i32 to vector<16xi32>
        %parallel_loop3A_351 = arith.addi %parallel_loop3A_350, %and3A_50 : vector<16xi32>
        %parallel_loop3A_352 = tpu.vector_load_idx %arg10[%parallel_loop3A_335, %parallel_loop3A_351] : memref<64x256xf32, #tpu.memory_space<vmem>>[vector<16xi32>, vector<16xi32>], vector<16xf32>,
        %parallel_loop3A_353 = arith.constant 0 : i32
        %parallel_loop3A_354 = vector.broadcast %parallel_loop3A_353 : i32 to vector<16xi32>
        %parallel_loop3A_355 = arith.addi %parallel_loop3A_335, %parallel_loop3A_354 : vector<16xi32>
        tpu.vector_store_idx %arg13[%parallel_loop3A_351, %parallel_loop3A_355], %parallel_loop3A_352 : memref<256x128xf32, #tpu.memory_space<vmem>>[vector<16xi32>, vector<16xi32>], vector<16xf32>,
        %parallel_loop3A_356 = vector.broadcast %parallel_loop3A_337 : i32 to vector<16xi32>
        %parallel_loop3A_357 = arith.addi %parallel_loop3A_356, %and3A_56 : vector<16xi32>
        %parallel_loop3A_358 = tpu.vector_load_idx %arg10[%parallel_loop3A_335, %parallel_loop3A_357] : memref<64x256xf32, #tpu.memory_space<vmem>>[vector<16xi32>, vector<16xi32>], vector<16xf32>,
        %parallel_loop3A_359 = arith.constant 0 : i32
        %parallel_loop3A_360 = vector.broadcast %parallel_loop3A_359 : i32 to vector<16xi32>
        %parallel_loop3A_361 = arith.addi %parallel_loop3A_335, %parallel_loop3A_360 : vector<16xi32>
        tpu.vector_store_idx %arg13[%parallel_loop3A_357, %parallel_loop3A_361], %parallel_loop3A_358 : memref<256x128xf32, #tpu.memory_space<vmem>>[vector<16xi32>, vector<16xi32>], vector<16xf32>,
        %parallel_loop3A_362 = vector.broadcast %parallel_loop3A_337 : i32 to vector<16xi32>
        %parallel_loop3A_363 = arith.addi %parallel_loop3A_362, %and3A_62 : vector<16xi32>
        %parallel_loop3A_364 = tpu.vector_load_idx %arg10[%parallel_loop3A_335, %parallel_loop3A_363] : memref<64x256xf32, #tpu.memory_space<vmem>>[vector<16xi32>, vector<16xi32>], vector<16xf32>,
        %parallel_loop3A_365 = arith.constant 0 : i32
        %parallel_loop3A_366 = vector.broadcast %parallel_loop3A_365 : i32 to vector<16xi32>
        %parallel_loop3A_367 = arith.addi %parallel_loop3A_335, %parallel_loop3A_366 : vector<16xi32>
        tpu.vector_store_idx %arg13[%parallel_loop3A_363, %parallel_loop3A_367], %parallel_loop3A_364 : memref<256x128xf32, #tpu.memory_space<vmem>>[vector<16xi32>, vector<16xi32>], vector<16xf32>,
        %parallel_loop3A_368 = vector.broadcast %parallel_loop3A_337 : i32 to vector<16xi32>
        %parallel_loop3A_369 = arith.addi %parallel_loop3A_368, %and3A_68 : vector<16xi32>
        %parallel_loop3A_370 = tpu.vector_load_idx %arg10[%parallel_loop3A_335, %parallel_loop3A_369] : memref<64x256xf32, #tpu.memory_space<vmem>>[vector<16xi32>, vector<16xi32>], vector<16xf32>,
        %parallel_loop3A_371 = arith.constant 0 : i32
        %parallel_loop3A_372 = vector.broadcast %parallel_loop3A_371 : i32 to vector<16xi32>
        %parallel_loop3A_373 = arith.addi %parallel_loop3A_335, %parallel_loop3A_372 : vector<16xi32>
        tpu.vector_store_idx %arg13[%parallel_loop3A_369, %parallel_loop3A_373], %parallel_loop3A_370 : memref<256x128xf32, #tpu.memory_space<vmem>>[vector<16xi32>, vector<16xi32>], vector<16xf32>,
        %parallel_loop3A_374 = vector.broadcast %parallel_loop3A_337 : i32 to vector<16xi32>
        %parallel_loop3A_375 = arith.addi %parallel_loop3A_374, %and3A_74 : vector<16xi32>
        %parallel_loop3A_376 = tpu.vector_load_idx %arg10[%parallel_loop3A_335, %parallel_loop3A_375] : memref<64x256xf32, #tpu.memory_space<vmem>>[vector<16xi32>, vector<16xi32>], vector<16xf32>,
        %parallel_loop3A_377 = arith.constant 0 : i32
        %parallel_loop3A_378 = vector.broadcast %parallel_loop3A_377 : i32 to vector<16xi32>
        %parallel_loop3A_379 = arith.addi %parallel_loop3A_335, %parallel_loop3A_378 : vector<16xi32>
        tpu.vector_store_idx %arg13[%parallel_loop3A_375, %parallel_loop3A_379], %parallel_loop3A_376 : memref<256x128xf32, #tpu.memory_space<vmem>>[vector<16xi32>, vector<16xi32>], vector<16xf32>,
        %parallel_loop3A_380 = vector.broadcast %parallel_loop3A_337 : i32 to vector<16xi32>
        %parallel_loop3A_381 = arith.addi %parallel_loop3A_380, %and3A_80 : vector<16xi32>
        %parallel_loop3A_382 = tpu.vector_load_idx %arg10[%parallel_loop3A_335, %parallel_loop3A_381] : memref<64x256xf32, #tpu.memory_space<vmem>>[vector<16xi32>, vector<16xi32>], vector<16xf32>,
        %parallel_loop3A_383 = arith.constant 0 : i32
        %parallel_loop3A_384 = vector.broadcast %parallel_loop3A_383 : i32 to vector<16xi32>
        %parallel_loop3A_385 = arith.addi %parallel_loop3A_335, %parallel_loop3A_384 : vector<16xi32>
        tpu.vector_store_idx %arg13[%parallel_loop3A_381, %parallel_loop3A_385], %parallel_loop3A_382 : memref<256x128xf32, #tpu.memory_space<vmem>>[vector<16xi32>, vector<16xi32>], vector<16xf32>,
        %parallel_loop3A_386 = vector.broadcast %parallel_loop3A_337 : i32 to vector<16xi32>
        %parallel_loop3A_387 = arith.addi %parallel_loop3A_386, %and3A_86 : vector<16xi32>
        %parallel_loop3A_388 = tpu.vector_load_idx %arg10[%parallel_loop3A_335, %parallel_loop3A_387] : memref<64x256xf32, #tpu.memory_space<vmem>>[vector<16xi32>, vector<16xi32>], vector<16xf32>,
        %parallel_loop3A_389 = arith.constant 0 : i32
        %parallel_loop3A_390 = vector.broadcast %parallel_loop3A_389 : i32 to vector<16xi32>
        %parallel_loop3A_391 = arith.addi %parallel_loop3A_335, %parallel_loop3A_390 : vector<16xi32>
        tpu.vector_store_idx %arg13[%parallel_loop3A_387, %parallel_loop3A_391], %parallel_loop3A_388 : memref<256x128xf32, #tpu.memory_space<vmem>>[vector<16xi32>, vector<16xi32>], vector<16xf32>,
        %parallel_loop3A_392 = vector.broadcast %parallel_loop3A_337 : i32 to vector<16xi32>
        %parallel_loop3A_393 = arith.addi %parallel_loop3A_392, %and3A_92 : vector<16xi32>
        %parallel_loop3A_394 = tpu.vector_load_idx %arg10[%parallel_loop3A_335, %parallel_loop3A_393] : memref<64x256xf32, #tpu.memory_space<vmem>>[vector<16xi32>, vector<16xi32>], vector<16xf32>,
        %parallel_loop3A_395 = arith.constant 0 : i32
        %parallel_loop3A_396 = vector.broadcast %parallel_loop3A_395 : i32 to vector<16xi32>
        %parallel_loop3A_397 = arith.addi %parallel_loop3A_335, %parallel_loop3A_396 : vector<16xi32>
        tpu.vector_store_idx %arg13[%parallel_loop3A_393, %parallel_loop3A_397], %parallel_loop3A_394 : memref<256x128xf32, #tpu.memory_space<vmem>>[vector<16xi32>, vector<16xi32>], vector<16xf32>,
        %parallel_loop3A_398 = vector.broadcast %parallel_loop3A_337 : i32 to vector<16xi32>
        %parallel_loop3A_399 = arith.addi %parallel_loop3A_398, %and3A_98 : vector<16xi32>
        %parallel_loop3A_400 = tpu.vector_load_idx %arg10[%parallel_loop3A_335, %parallel_loop3A_399] : memref<64x256xf32, #tpu.memory_space<vmem>>[vector<16xi32>, vector<16xi32>], vector<16xf32>,
        %parallel_loop3A_401 = arith.constant 0 : i32
        %parallel_loop3A_402 = vector.broadcast %parallel_loop3A_401 : i32 to vector<16xi32>
        %parallel_loop3A_403 = arith.addi %parallel_loop3A_335, %parallel_loop3A_402 : vector<16xi32>
        tpu.vector_store_idx %arg13[%parallel_loop3A_399, %parallel_loop3A_403], %parallel_loop3A_400 : memref<256x128xf32, #tpu.memory_space<vmem>>[vector<16xi32>, vector<16xi32>], vector<16xf32>,
        %parallel_loop3A_404 = vector.broadcast %parallel_loop3A_337 : i32 to vector<16xi32>
        %parallel_loop3A_405 = arith.addi %parallel_loop3A_404, %and3A_104 : vector<16xi32>
        %parallel_loop3A_406 = tpu.vector_load_idx %arg10[%parallel_loop3A_335, %parallel_loop3A_405] : memref<64x256xf32, #tpu.memory_space<vmem>>[vector<16xi32>, vector<16xi32>], vector<16xf32>,
        %parallel_loop3A_407 = arith.constant 0 : i32
        %parallel_loop3A_408 = vector.broadcast %parallel_loop3A_407 : i32 to vector<16xi32>
        %parallel_loop3A_409 = arith.addi %parallel_loop3A_335, %parallel_loop3A_408 : vector<16xi32>
        tpu.vector_store_idx %arg13[%parallel_loop3A_405, %parallel_loop3A_409], %parallel_loop3A_406 : memref<256x128xf32, #tpu.memory_space<vmem>>[vector<16xi32>, vector<16xi32>], vector<16xf32>,
        %parallel_loop3A_410 = vector.broadcast %parallel_loop3A_337 : i32 to vector<16xi32>
        %parallel_loop3A_411 = arith.addi %parallel_loop3A_410, %and3A_110 : vector<16xi32>
        %parallel_loop3A_412 = tpu.vector_load_idx %arg10[%parallel_loop3A_335, %parallel_loop3A_411] : memref<64x256xf32, #tpu.memory_space<vmem>>[vector<16xi32>, vector<16xi32>], vector<16xf32>,
        %parallel_loop3A_413 = arith.constant 0 : i32
        %parallel_loop3A_414 = vector.broadcast %parallel_loop3A_413 : i32 to vector<16xi32>
        %parallel_loop3A_415 = arith.addi %parallel_loop3A_335, %parallel_loop3A_414 : vector<16xi32>
        tpu.vector_store_idx %arg13[%parallel_loop3A_411, %parallel_loop3A_415], %parallel_loop3A_412 : memref<256x128xf32, #tpu.memory_space<vmem>>[vector<16xi32>, vector<16xi32>], vector<16xf32>,
        %parallel_loop3A_416 = vector.broadcast %parallel_loop3A_337 : i32 to vector<16xi32>
        %parallel_loop3A_417 = arith.addi %parallel_loop3A_416, %and3A_116 : vector<16xi32>
        %parallel_loop3A_418 = tpu.vector_load_idx %arg10[%parallel_loop3A_335, %parallel_loop3A_417] : memref<64x256xf32, #tpu.memory_space<vmem>>[vector<16xi32>, vector<16xi32>], vector<16xf32>,
        %parallel_loop3A_419 = arith.constant 0 : i32
        %parallel_loop3A_420 = vector.broadcast %parallel_loop3A_419 : i32 to vector<16xi32>
        %parallel_loop3A_421 = arith.addi %parallel_loop3A_335, %parallel_loop3A_420 : vector<16xi32>
        tpu.vector_store_idx %arg13[%parallel_loop3A_417, %parallel_loop3A_421], %parallel_loop3A_418 : memref<256x128xf32, #tpu.memory_space<vmem>>[vector<16xi32>, vector<16xi32>], vector<16xf32>,
        %parallel_loop3A_422 = vector.broadcast %parallel_loop3A_337 : i32 to vector<16xi32>
        %parallel_loop3A_423 = arith.addi %parallel_loop3A_422, %and3A_122 : vector<16xi32>
        %parallel_loop3A_424 = tpu.vector_load_idx %arg10[%parallel_loop3A_335, %parallel_loop3A_423] : memref<64x256xf32, #tpu.memory_space<vmem>>[vector<16xi32>, vector<16xi32>], vector<16xf32>,
        %parallel_loop3A_425 = arith.constant 0 : i32
        %parallel_loop3A_426 = vector.broadcast %parallel_loop3A_425 : i32 to vector<16xi32>
        %parallel_loop3A_427 = arith.addi %parallel_loop3A_335, %parallel_loop3A_426 : vector<16xi32>
        tpu.vector_store_idx %arg13[%parallel_loop3A_423, %parallel_loop3A_427], %parallel_loop3A_424 : memref<256x128xf32, #tpu.memory_space<vmem>>[vector<16xi32>, vector<16xi32>], vector<16xf32>,
        %parallel_loop3A_428 = vector.broadcast %parallel_loop3A_337 : i32 to vector<16xi32>
        %parallel_loop3A_429 = arith.addi %parallel_loop3A_428, %and3A_128 : vector<16xi32>
        %parallel_loop3A_430 = tpu.vector_load_idx %arg10[%parallel_loop3A_335, %parallel_loop3A_429] : memref<64x256xf32, #tpu.memory_space<vmem>>[vector<16xi32>, vector<16xi32>], vector<16xf32>,
        %parallel_loop3A_431 = arith.constant 0 : i32
        %parallel_loop3A_432 = vector.broadcast %parallel_loop3A_431 : i32 to vector<16xi32>
        %parallel_loop3A_433 = arith.addi %parallel_loop3A_335, %parallel_loop3A_432 : vector<16xi32>
        tpu.vector_store_idx %arg13[%parallel_loop3A_429, %parallel_loop3A_433], %parallel_loop3A_430 : memref<256x128xf32, #tpu.memory_space<vmem>>[vector<16xi32>, vector<16xi32>], vector<16xf32>,
      } {sc.loop_unroll_factor = 2 : i64, sc.parallel_access}
      %lt3A_263 = arith.constant 7 : i32
      %lt3A_264 = arith.cmpi slt, %add3A_251, %lt3A_263 : i32
      %convert_element_type3A_265 = arith.extui %lt3A_264 : i1 to i32
      %cond3A_266 = arith.constant 0 : i32
      %cond3A_267 = arith.cmpi ne, %convert_element_type3A_265, %cond3A_266 : i32
      scf.if %cond3A_267 {
        %add3A_291 = arith.constant 1 : i32
        %add3A_292 = arith.addi %add3A_251, %add3A_291 : i32
        %mul3A_293 = arith.constant 128 : i32
        %mul3A_294 = arith.muli %add3A_292, %mul3A_293 : i32
        %add3A_295 = arith.constant 0 : i32
        %add3A_296 = arith.addi %mul3A_294, %add3A_295 : i32
        %add3A_297 = arith.constant 0 : i32
        %add3A_298 = arith.addi %add3A_296, %add3A_297 : i32
        %get3A_299 = arith.index_cast %add3A_298 : i32 to index
        %get3A_300 = tpu.vector_load %arg7[%get3A_299] {strides = array<i32>} : memref<1024xi32, #tpu.memory_space<vmem>>, vector<16xi32>,
        %add3A_301 = vector.broadcast %mul3A_32 : i32 to vector<16xi32>
        %add3A_302 = arith.addi %get3A_300, %add3A_301 : vector<16xi32>
        %swap3A_303 = arith.constant 0 : index
        %swap3A_304 = tpu.vector_load %arg8[%swap3A_303] {strides = array<i32>} : memref<64xi32, #tpu.memory_space<vmem>>, vector<16xi32>,
        tpu.vector_store %arg8[%swap3A_303], %add3A_302 {strides = array<i32>} : memref<64xi32, #tpu.memory_space<vmem>>, vector<16xi32>,
        %mul3A_305 = arith.constant 128 : i32
        %mul3A_306 = arith.muli %add3A_292, %mul3A_305 : i32
        %add3A_307 = arith.constant 0 : i32
        %add3A_308 = arith.addi %mul3A_306, %add3A_307 : i32
        %add3A_309 = arith.constant 16 : i32
        %add3A_310 = arith.addi %add3A_308, %add3A_309 : i32
        %get3A_311 = arith.index_cast %add3A_310 : i32 to index
        %get3A_312 = tpu.vector_load %arg7[%get3A_311] {strides = array<i32>} : memref<1024xi32, #tpu.memory_space<vmem>>, vector<16xi32>,
        %add3A_313 = vector.broadcast %mul3A_32 : i32 to vector<16xi32>
        %add3A_314 = arith.addi %get3A_312, %add3A_313 : vector<16xi32>
        %swap3A_315 = arith.constant 16 : index
        %swap3A_316 = tpu.vector_load %arg8[%swap3A_315] {strides = array<i32>} : memref<64xi32, #tpu.memory_space<vmem>>, vector<16xi32>,
        tpu.vector_store %arg8[%swap3A_315], %add3A_314 {strides = array<i32>} : memref<64xi32, #tpu.memory_space<vmem>>, vector<16xi32>,
        %mul3A_317 = arith.constant 128 : i32
        %mul3A_318 = arith.muli %add3A_292, %mul3A_317 : i32
        %add3A_319 = arith.constant 0 : i32
        %add3A_320 = arith.addi %mul3A_318, %add3A_319 : i32
        %add3A_321 = arith.constant 32 : i32
        %add3A_322 = arith.addi %add3A_320, %add3A_321 : i32
        %get3A_323 = arith.index_cast %add3A_322 : i32 to index
        %get3A_324 = tpu.vector_load %arg7[%get3A_323] {strides = array<i32>} : memref<1024xi32, #tpu.memory_space<vmem>>, vector<16xi32>,
        %add3A_325 = vector.broadcast %mul3A_32 : i32 to vector<16xi32>
        %add3A_326 = arith.addi %get3A_324, %add3A_325 : vector<16xi32>
        %swap3A_327 = arith.constant 32 : index
        %swap3A_328 = tpu.vector_load %arg8[%swap3A_327] {strides = array<i32>} : memref<64xi32, #tpu.memory_space<vmem>>, vector<16xi32>,
        tpu.vector_store %arg8[%swap3A_327], %add3A_326 {strides = array<i32>} : memref<64xi32, #tpu.memory_space<vmem>>, vector<16xi32>,
        %mul3A_329 = arith.constant 128 : i32
        %mul3A_330 = arith.muli %add3A_292, %mul3A_329 : i32
        %add3A_331 = arith.constant 0 : i32
        %add3A_332 = arith.addi %mul3A_330, %add3A_331 : i32
        %add3A_333 = arith.constant 48 : i32
        %add3A_334 = arith.addi %add3A_332, %add3A_333 : i32
        %get3A_335 = arith.index_cast %add3A_334 : i32 to index
        %get3A_336 = tpu.vector_load %arg7[%get3A_335] {strides = array<i32>} : memref<1024xi32, #tpu.memory_space<vmem>>, vector<16xi32>,
        %add3A_337 = vector.broadcast %mul3A_32 : i32 to vector<16xi32>
        %add3A_338 = arith.addi %get3A_336, %add3A_337 : vector<16xi32>
        %swap3A_339 = arith.constant 48 : index
        %swap3A_340 = tpu.vector_load %arg8[%swap3A_339] {strides = array<i32>} : memref<64xi32, #tpu.memory_space<vmem>>, vector<16xi32>,
        tpu.vector_store %arg8[%swap3A_339], %add3A_338 {strides = array<i32>} : memref<64xi32, #tpu.memory_space<vmem>>, vector<16xi32>,
        %dma_start3A_341 = arith.constant 0 : i32
        %dma_start3A_342 = arith.constant 0 : i32
        %dma_start3A_343 = tpu.memref_slice %arg3[%dma_start3A_341, %dma_start3A_342] : memref<160000x256xf32, #tpu.memory_space<hbm>> -> memref<160000x256xf32, #tpu.memory_space<hbm>>
        tpu.enqueue_indirect_dma source(%dma_start3A_343 : memref<160000x256xf32, #tpu.memory_space<hbm>>) target(%arg10 : memref<64x256xf32, #tpu.memory_space<vmem>>) offsets(%arg8 : memref<64xi32, #tpu.memory_space<vmem>>) semaphore(%arg17 : memref<!tpu.dma_semaphore, #tpu.memory_space<semaphore_mem>>)
      } else {
      }
      %dma_wait3A_268 = arith.constant 0 : i32
      %dma_wait3A_269 = arith.constant 0 : i32
      %dma_wait3A_270 = tpu.memref_slice %arg3[%dma_wait3A_268, %dma_wait3A_269] : memref<160000x256xf32, #tpu.memory_space<hbm>> -> memref<160000x256xf32, #tpu.memory_space<hbm>>
      tpu.wait_indirect_dma semaphore(%arg18 : memref<!tpu.dma_semaphore, #tpu.memory_space<semaphore_mem>>) src(%dma_wait3A_270 : memref<160000x256xf32, #tpu.memory_space<hbm>>) dst(%arg11 : memref<64x256xf32, #tpu.memory_space<vmem>>)
      %parallel_loop3A_271 = arith.constant 0 : i32
      %parallel_loop3A_272 = arith.constant 64 : i32
      %parallel_loop3A_273 = arith.constant 1 : i32
      scf.for %parallel_loop3A_291 = %parallel_loop3A_271 to %parallel_loop3A_272 step %parallel_loop3A_273  : i32 {
        %parallel_loop3A_292 = arith.constant 16 : i32
        %parallel_loop3A_293 = arith.divsi %parallel_loop3A_291, %parallel_loop3A_292 : i32
        %parallel_loop3A_294 = arith.constant 0 : i32
        %parallel_loop3A_295 = arith.cmpi sgt, %parallel_loop3A_291, %parallel_loop3A_294 : i32
        %parallel_loop3A_296 = arith.extui %parallel_loop3A_295 : i1 to i32
        %parallel_loop3A_297 = arith.constant 0 : i32
        %parallel_loop3A_298 = arith.cmpi slt, %parallel_loop3A_291, %parallel_loop3A_297 : i32
        %parallel_loop3A_299 = arith.extui %parallel_loop3A_298 : i1 to i32
        %parallel_loop3A_300 = arith.subi %parallel_loop3A_296, %parallel_loop3A_299 : i32
        %parallel_loop3A_301 = arith.constant 0 : i32
        %parallel_loop3A_302 = arith.cmpi sgt, %parallel_loop3A_292, %parallel_loop3A_301 : i32
        %parallel_loop3A_303 = arith.extui %parallel_loop3A_302 : i1 to i32
        %parallel_loop3A_304 = arith.constant 0 : i32
        %parallel_loop3A_305 = arith.cmpi slt, %parallel_loop3A_292, %parallel_loop3A_304 : i32
        %parallel_loop3A_306 = arith.extui %parallel_loop3A_305 : i1 to i32
        %parallel_loop3A_307 = arith.subi %parallel_loop3A_303, %parallel_loop3A_306 : i32
        %parallel_loop3A_308 = arith.cmpi ne, %parallel_loop3A_300, %parallel_loop3A_307 : i32
        %parallel_loop3A_309 = arith.remsi %parallel_loop3A_291, %parallel_loop3A_292 : i32
        %parallel_loop3A_310 = arith.constant 0 : i32
        %parallel_loop3A_311 = arith.cmpi ne, %parallel_loop3A_309, %parallel_loop3A_310 : i32
        %parallel_loop3A_312 = arith.andi %parallel_loop3A_308, %parallel_loop3A_311 : i1
        %parallel_loop3A_313 = arith.constant 1 : i32
        %parallel_loop3A_314 = arith.subi %parallel_loop3A_293, %parallel_loop3A_313 : i32
        %parallel_loop3A_315 = arith.select %parallel_loop3A_312, %parallel_loop3A_314, %parallel_loop3A_293 : i32
        %parallel_loop3A_316 = arith.constant 16 : i32
        %parallel_loop3A_317 = arith.constant 0 : i32
        %parallel_loop3A_318 = arith.cmpi eq, %parallel_loop3A_316, %parallel_loop3A_317 : i32
        %parallel_loop3A_319 = arith.constant 1 : i32
        %parallel_loop3A_320 = arith.select %parallel_loop3A_318, %parallel_loop3A_319, %parallel_loop3A_316 : i32
        %parallel_loop3A_321 = arith.remsi %parallel_loop3A_291, %parallel_loop3A_320 : i32
        %parallel_loop3A_322 = arith.constant 0 : i32
        %parallel_loop3A_323 = arith.cmpi ne, %parallel_loop3A_321, %parallel_loop3A_322 : i32
        %parallel_loop3A_324 = arith.constant 0 : i32
        %parallel_loop3A_325 = arith.cmpi slt, %parallel_loop3A_321, %parallel_loop3A_324 : i32
        %parallel_loop3A_326 = arith.constant 0 : i32
        %parallel_loop3A_327 = arith.cmpi slt, %parallel_loop3A_320, %parallel_loop3A_326 : i32
        %parallel_loop3A_328 = arith.xori %parallel_loop3A_325, %parallel_loop3A_327 : i1
        %parallel_loop3A_329 = arith.andi %parallel_loop3A_328, %parallel_loop3A_323 : i1
        %parallel_loop3A_330 = arith.addi %parallel_loop3A_321, %parallel_loop3A_320 : i32
        %parallel_loop3A_331 = arith.select %parallel_loop3A_329, %parallel_loop3A_330, %parallel_loop3A_321 : i32
        %parallel_loop3A_332 = arith.constant 16 : i32
        %parallel_loop3A_333 = arith.muli %parallel_loop3A_315, %parallel_loop3A_332 : i32
        %parallel_loop3A_334 = vector.broadcast %parallel_loop3A_333 : i32 to vector<16xi32>
        %parallel_loop3A_335 = arith.addi %parallel_loop3A_334, %iota3A : vector<16xi32>
        %parallel_loop3A_336 = arith.constant 16 : i32
        %parallel_loop3A_337 = arith.muli %parallel_loop3A_331, %parallel_loop3A_336 : i32
        %parallel_loop3A_338 = vector.broadcast %parallel_loop3A_337 : i32 to vector<16xi32>
        %parallel_loop3A_339 = arith.addi %parallel_loop3A_338, %and3A_38 : vector<16xi32>
        %parallel_loop3A_340 = tpu.vector_load_idx %arg11[%parallel_loop3A_335, %parallel_loop3A_339] : memref<64x256xf32, #tpu.memory_space<vmem>>[vector<16xi32>, vector<16xi32>], vector<16xf32>,
        %parallel_loop3A_341 = arith.constant 64 : i32
        %parallel_loop3A_342 = vector.broadcast %parallel_loop3A_341 : i32 to vector<16xi32>
        %parallel_loop3A_343 = arith.addi %parallel_loop3A_335, %parallel_loop3A_342 : vector<16xi32>
        tpu.vector_store_idx %arg13[%parallel_loop3A_339, %parallel_loop3A_343], %parallel_loop3A_340 : memref<256x128xf32, #tpu.memory_space<vmem>>[vector<16xi32>, vector<16xi32>], vector<16xf32>,
        %parallel_loop3A_344 = vector.broadcast %parallel_loop3A_337 : i32 to vector<16xi32>
        %parallel_loop3A_345 = arith.addi %parallel_loop3A_344, %and3A_44 : vector<16xi32>
        %parallel_loop3A_346 = tpu.vector_load_idx %arg11[%parallel_loop3A_335, %parallel_loop3A_345] : memref<64x256xf32, #tpu.memory_space<vmem>>[vector<16xi32>, vector<16xi32>], vector<16xf32>,
        %parallel_loop3A_347 = arith.constant 64 : i32
        %parallel_loop3A_348 = vector.broadcast %parallel_loop3A_347 : i32 to vector<16xi32>
        %parallel_loop3A_349 = arith.addi %parallel_loop3A_335, %parallel_loop3A_348 : vector<16xi32>
        tpu.vector_store_idx %arg13[%parallel_loop3A_345, %parallel_loop3A_349], %parallel_loop3A_346 : memref<256x128xf32, #tpu.memory_space<vmem>>[vector<16xi32>, vector<16xi32>], vector<16xf32>,
        %parallel_loop3A_350 = vector.broadcast %parallel_loop3A_337 : i32 to vector<16xi32>
        %parallel_loop3A_351 = arith.addi %parallel_loop3A_350, %and3A_50 : vector<16xi32>
        %parallel_loop3A_352 = tpu.vector_load_idx %arg11[%parallel_loop3A_335, %parallel_loop3A_351] : memref<64x256xf32, #tpu.memory_space<vmem>>[vector<16xi32>, vector<16xi32>], vector<16xf32>,
        %parallel_loop3A_353 = arith.constant 64 : i32
        %parallel_loop3A_354 = vector.broadcast %parallel_loop3A_353 : i32 to vector<16xi32>
        %parallel_loop3A_355 = arith.addi %parallel_loop3A_335, %parallel_loop3A_354 : vector<16xi32>
        tpu.vector_store_idx %arg13[%parallel_loop3A_351, %parallel_loop3A_355], %parallel_loop3A_352 : memref<256x128xf32, #tpu.memory_space<vmem>>[vector<16xi32>, vector<16xi32>], vector<16xf32>,
        %parallel_loop3A_356 = vector.broadcast %parallel_loop3A_337 : i32 to vector<16xi32>
        %parallel_loop3A_357 = arith.addi %parallel_loop3A_356, %and3A_56 : vector<16xi32>
        %parallel_loop3A_358 = tpu.vector_load_idx %arg11[%parallel_loop3A_335, %parallel_loop3A_357] : memref<64x256xf32, #tpu.memory_space<vmem>>[vector<16xi32>, vector<16xi32>], vector<16xf32>,
        %parallel_loop3A_359 = arith.constant 64 : i32
        %parallel_loop3A_360 = vector.broadcast %parallel_loop3A_359 : i32 to vector<16xi32>
        %parallel_loop3A_361 = arith.addi %parallel_loop3A_335, %parallel_loop3A_360 : vector<16xi32>
        tpu.vector_store_idx %arg13[%parallel_loop3A_357, %parallel_loop3A_361], %parallel_loop3A_358 : memref<256x128xf32, #tpu.memory_space<vmem>>[vector<16xi32>, vector<16xi32>], vector<16xf32>,
        %parallel_loop3A_362 = vector.broadcast %parallel_loop3A_337 : i32 to vector<16xi32>
        %parallel_loop3A_363 = arith.addi %parallel_loop3A_362, %and3A_62 : vector<16xi32>
        %parallel_loop3A_364 = tpu.vector_load_idx %arg11[%parallel_loop3A_335, %parallel_loop3A_363] : memref<64x256xf32, #tpu.memory_space<vmem>>[vector<16xi32>, vector<16xi32>], vector<16xf32>,
        %parallel_loop3A_365 = arith.constant 64 : i32
        %parallel_loop3A_366 = vector.broadcast %parallel_loop3A_365 : i32 to vector<16xi32>
        %parallel_loop3A_367 = arith.addi %parallel_loop3A_335, %parallel_loop3A_366 : vector<16xi32>
        tpu.vector_store_idx %arg13[%parallel_loop3A_363, %parallel_loop3A_367], %parallel_loop3A_364 : memref<256x128xf32, #tpu.memory_space<vmem>>[vector<16xi32>, vector<16xi32>], vector<16xf32>,
        %parallel_loop3A_368 = vector.broadcast %parallel_loop3A_337 : i32 to vector<16xi32>
        %parallel_loop3A_369 = arith.addi %parallel_loop3A_368, %and3A_68 : vector<16xi32>
        %parallel_loop3A_370 = tpu.vector_load_idx %arg11[%parallel_loop3A_335, %parallel_loop3A_369] : memref<64x256xf32, #tpu.memory_space<vmem>>[vector<16xi32>, vector<16xi32>], vector<16xf32>,
        %parallel_loop3A_371 = arith.constant 64 : i32
        %parallel_loop3A_372 = vector.broadcast %parallel_loop3A_371 : i32 to vector<16xi32>
        %parallel_loop3A_373 = arith.addi %parallel_loop3A_335, %parallel_loop3A_372 : vector<16xi32>
        tpu.vector_store_idx %arg13[%parallel_loop3A_369, %parallel_loop3A_373], %parallel_loop3A_370 : memref<256x128xf32, #tpu.memory_space<vmem>>[vector<16xi32>, vector<16xi32>], vector<16xf32>,
        %parallel_loop3A_374 = vector.broadcast %parallel_loop3A_337 : i32 to vector<16xi32>
        %parallel_loop3A_375 = arith.addi %parallel_loop3A_374, %and3A_74 : vector<16xi32>
        %parallel_loop3A_376 = tpu.vector_load_idx %arg11[%parallel_loop3A_335, %parallel_loop3A_375] : memref<64x256xf32, #tpu.memory_space<vmem>>[vector<16xi32>, vector<16xi32>], vector<16xf32>,
        %parallel_loop3A_377 = arith.constant 64 : i32
        %parallel_loop3A_378 = vector.broadcast %parallel_loop3A_377 : i32 to vector<16xi32>
        %parallel_loop3A_379 = arith.addi %parallel_loop3A_335, %parallel_loop3A_378 : vector<16xi32>
        tpu.vector_store_idx %arg13[%parallel_loop3A_375, %parallel_loop3A_379], %parallel_loop3A_376 : memref<256x128xf32, #tpu.memory_space<vmem>>[vector<16xi32>, vector<16xi32>], vector<16xf32>,
        %parallel_loop3A_380 = vector.broadcast %parallel_loop3A_337 : i32 to vector<16xi32>
        %parallel_loop3A_381 = arith.addi %parallel_loop3A_380, %and3A_80 : vector<16xi32>
        %parallel_loop3A_382 = tpu.vector_load_idx %arg11[%parallel_loop3A_335, %parallel_loop3A_381] : memref<64x256xf32, #tpu.memory_space<vmem>>[vector<16xi32>, vector<16xi32>], vector<16xf32>,
        %parallel_loop3A_383 = arith.constant 64 : i32
        %parallel_loop3A_384 = vector.broadcast %parallel_loop3A_383 : i32 to vector<16xi32>
        %parallel_loop3A_385 = arith.addi %parallel_loop3A_335, %parallel_loop3A_384 : vector<16xi32>
        tpu.vector_store_idx %arg13[%parallel_loop3A_381, %parallel_loop3A_385], %parallel_loop3A_382 : memref<256x128xf32, #tpu.memory_space<vmem>>[vector<16xi32>, vector<16xi32>], vector<16xf32>,
        %parallel_loop3A_386 = vector.broadcast %parallel_loop3A_337 : i32 to vector<16xi32>
        %parallel_loop3A_387 = arith.addi %parallel_loop3A_386, %and3A_86 : vector<16xi32>
        %parallel_loop3A_388 = tpu.vector_load_idx %arg11[%parallel_loop3A_335, %parallel_loop3A_387] : memref<64x256xf32, #tpu.memory_space<vmem>>[vector<16xi32>, vector<16xi32>], vector<16xf32>,
        %parallel_loop3A_389 = arith.constant 64 : i32
        %parallel_loop3A_390 = vector.broadcast %parallel_loop3A_389 : i32 to vector<16xi32>
        %parallel_loop3A_391 = arith.addi %parallel_loop3A_335, %parallel_loop3A_390 : vector<16xi32>
        tpu.vector_store_idx %arg13[%parallel_loop3A_387, %parallel_loop3A_391], %parallel_loop3A_388 : memref<256x128xf32, #tpu.memory_space<vmem>>[vector<16xi32>, vector<16xi32>], vector<16xf32>,
        %parallel_loop3A_392 = vector.broadcast %parallel_loop3A_337 : i32 to vector<16xi32>
        %parallel_loop3A_393 = arith.addi %parallel_loop3A_392, %and3A_92 : vector<16xi32>
        %parallel_loop3A_394 = tpu.vector_load_idx %arg11[%parallel_loop3A_335, %parallel_loop3A_393] : memref<64x256xf32, #tpu.memory_space<vmem>>[vector<16xi32>, vector<16xi32>], vector<16xf32>,
        %parallel_loop3A_395 = arith.constant 64 : i32
        %parallel_loop3A_396 = vector.broadcast %parallel_loop3A_395 : i32 to vector<16xi32>
        %parallel_loop3A_397 = arith.addi %parallel_loop3A_335, %parallel_loop3A_396 : vector<16xi32>
        tpu.vector_store_idx %arg13[%parallel_loop3A_393, %parallel_loop3A_397], %parallel_loop3A_394 : memref<256x128xf32, #tpu.memory_space<vmem>>[vector<16xi32>, vector<16xi32>], vector<16xf32>,
        %parallel_loop3A_398 = vector.broadcast %parallel_loop3A_337 : i32 to vector<16xi32>
        %parallel_loop3A_399 = arith.addi %parallel_loop3A_398, %and3A_98 : vector<16xi32>
        %parallel_loop3A_400 = tpu.vector_load_idx %arg11[%parallel_loop3A_335, %parallel_loop3A_399] : memref<64x256xf32, #tpu.memory_space<vmem>>[vector<16xi32>, vector<16xi32>], vector<16xf32>,
        %parallel_loop3A_401 = arith.constant 64 : i32
        %parallel_loop3A_402 = vector.broadcast %parallel_loop3A_401 : i32 to vector<16xi32>
        %parallel_loop3A_403 = arith.addi %parallel_loop3A_335, %parallel_loop3A_402 : vector<16xi32>
        tpu.vector_store_idx %arg13[%parallel_loop3A_399, %parallel_loop3A_403], %parallel_loop3A_400 : memref<256x128xf32, #tpu.memory_space<vmem>>[vector<16xi32>, vector<16xi32>], vector<16xf32>,
        %parallel_loop3A_404 = vector.broadcast %parallel_loop3A_337 : i32 to vector<16xi32>
        %parallel_loop3A_405 = arith.addi %parallel_loop3A_404, %and3A_104 : vector<16xi32>
        %parallel_loop3A_406 = tpu.vector_load_idx %arg11[%parallel_loop3A_335, %parallel_loop3A_405] : memref<64x256xf32, #tpu.memory_space<vmem>>[vector<16xi32>, vector<16xi32>], vector<16xf32>,
        %parallel_loop3A_407 = arith.constant 64 : i32
        %parallel_loop3A_408 = vector.broadcast %parallel_loop3A_407 : i32 to vector<16xi32>
        %parallel_loop3A_409 = arith.addi %parallel_loop3A_335, %parallel_loop3A_408 : vector<16xi32>
        tpu.vector_store_idx %arg13[%parallel_loop3A_405, %parallel_loop3A_409], %parallel_loop3A_406 : memref<256x128xf32, #tpu.memory_space<vmem>>[vector<16xi32>, vector<16xi32>], vector<16xf32>,
        %parallel_loop3A_410 = vector.broadcast %parallel_loop3A_337 : i32 to vector<16xi32>
        %parallel_loop3A_411 = arith.addi %parallel_loop3A_410, %and3A_110 : vector<16xi32>
        %parallel_loop3A_412 = tpu.vector_load_idx %arg11[%parallel_loop3A_335, %parallel_loop3A_411] : memref<64x256xf32, #tpu.memory_space<vmem>>[vector<16xi32>, vector<16xi32>], vector<16xf32>,
        %parallel_loop3A_413 = arith.constant 64 : i32
        %parallel_loop3A_414 = vector.broadcast %parallel_loop3A_413 : i32 to vector<16xi32>
        %parallel_loop3A_415 = arith.addi %parallel_loop3A_335, %parallel_loop3A_414 : vector<16xi32>
        tpu.vector_store_idx %arg13[%parallel_loop3A_411, %parallel_loop3A_415], %parallel_loop3A_412 : memref<256x128xf32, #tpu.memory_space<vmem>>[vector<16xi32>, vector<16xi32>], vector<16xf32>,
        %parallel_loop3A_416 = vector.broadcast %parallel_loop3A_337 : i32 to vector<16xi32>
        %parallel_loop3A_417 = arith.addi %parallel_loop3A_416, %and3A_116 : vector<16xi32>
        %parallel_loop3A_418 = tpu.vector_load_idx %arg11[%parallel_loop3A_335, %parallel_loop3A_417] : memref<64x256xf32, #tpu.memory_space<vmem>>[vector<16xi32>, vector<16xi32>], vector<16xf32>,
        %parallel_loop3A_419 = arith.constant 64 : i32
        %parallel_loop3A_420 = vector.broadcast %parallel_loop3A_419 : i32 to vector<16xi32>
        %parallel_loop3A_421 = arith.addi %parallel_loop3A_335, %parallel_loop3A_420 : vector<16xi32>
        tpu.vector_store_idx %arg13[%parallel_loop3A_417, %parallel_loop3A_421], %parallel_loop3A_418 : memref<256x128xf32, #tpu.memory_space<vmem>>[vector<16xi32>, vector<16xi32>], vector<16xf32>,
        %parallel_loop3A_422 = vector.broadcast %parallel_loop3A_337 : i32 to vector<16xi32>
        %parallel_loop3A_423 = arith.addi %parallel_loop3A_422, %and3A_122 : vector<16xi32>
        %parallel_loop3A_424 = tpu.vector_load_idx %arg11[%parallel_loop3A_335, %parallel_loop3A_423] : memref<64x256xf32, #tpu.memory_space<vmem>>[vector<16xi32>, vector<16xi32>], vector<16xf32>,
        %parallel_loop3A_425 = arith.constant 64 : i32
        %parallel_loop3A_426 = vector.broadcast %parallel_loop3A_425 : i32 to vector<16xi32>
        %parallel_loop3A_427 = arith.addi %parallel_loop3A_335, %parallel_loop3A_426 : vector<16xi32>
        tpu.vector_store_idx %arg13[%parallel_loop3A_423, %parallel_loop3A_427], %parallel_loop3A_424 : memref<256x128xf32, #tpu.memory_space<vmem>>[vector<16xi32>, vector<16xi32>], vector<16xf32>,
        %parallel_loop3A_428 = vector.broadcast %parallel_loop3A_337 : i32 to vector<16xi32>
        %parallel_loop3A_429 = arith.addi %parallel_loop3A_428, %and3A_128 : vector<16xi32>
        %parallel_loop3A_430 = tpu.vector_load_idx %arg11[%parallel_loop3A_335, %parallel_loop3A_429] : memref<64x256xf32, #tpu.memory_space<vmem>>[vector<16xi32>, vector<16xi32>], vector<16xf32>,
        %parallel_loop3A_431 = arith.constant 64 : i32
        %parallel_loop3A_432 = vector.broadcast %parallel_loop3A_431 : i32 to vector<16xi32>
        %parallel_loop3A_433 = arith.addi %parallel_loop3A_335, %parallel_loop3A_432 : vector<16xi32>
        tpu.vector_store_idx %arg13[%parallel_loop3A_429, %parallel_loop3A_433], %parallel_loop3A_430 : memref<256x128xf32, #tpu.memory_space<vmem>>[vector<16xi32>, vector<16xi32>], vector<16xf32>,
      } {sc.loop_unroll_factor = 2 : i64, sc.parallel_access}
      %lt3A_274 = arith.constant 7 : i32
      %lt3A_275 = arith.cmpi slt, %add3A_251, %lt3A_274 : i32
      %convert_element_type3A_276 = arith.extui %lt3A_275 : i1 to i32
      %cond3A_277 = arith.constant 0 : i32
      %cond3A_278 = arith.cmpi ne, %convert_element_type3A_276, %cond3A_277 : i32
      scf.if %cond3A_278 {
        %add3A_291 = arith.constant 1 : i32
        %add3A_292 = arith.addi %add3A_251, %add3A_291 : i32
        %mul3A_293 = arith.constant 128 : i32
        %mul3A_294 = arith.muli %add3A_292, %mul3A_293 : i32
        %add3A_295 = arith.constant 64 : i32
        %add3A_296 = arith.addi %mul3A_294, %add3A_295 : i32
        %add3A_297 = arith.constant 0 : i32
        %add3A_298 = arith.addi %add3A_296, %add3A_297 : i32
        %get3A_299 = arith.index_cast %add3A_298 : i32 to index
        %get3A_300 = tpu.vector_load %arg7[%get3A_299] {strides = array<i32>} : memref<1024xi32, #tpu.memory_space<vmem>>, vector<16xi32>,
        %add3A_301 = vector.broadcast %mul3A_32 : i32 to vector<16xi32>
        %add3A_302 = arith.addi %get3A_300, %add3A_301 : vector<16xi32>
        %swap3A_303 = arith.constant 0 : index
        %swap3A_304 = tpu.vector_load %arg9[%swap3A_303] {strides = array<i32>} : memref<64xi32, #tpu.memory_space<vmem>>, vector<16xi32>,
        tpu.vector_store %arg9[%swap3A_303], %add3A_302 {strides = array<i32>} : memref<64xi32, #tpu.memory_space<vmem>>, vector<16xi32>,
        %mul3A_305 = arith.constant 128 : i32
        %mul3A_306 = arith.muli %add3A_292, %mul3A_305 : i32
        %add3A_307 = arith.constant 64 : i32
        %add3A_308 = arith.addi %mul3A_306, %add3A_307 : i32
        %add3A_309 = arith.constant 16 : i32
        %add3A_310 = arith.addi %add3A_308, %add3A_309 : i32
        %get3A_311 = arith.index_cast %add3A_310 : i32 to index
        %get3A_312 = tpu.vector_load %arg7[%get3A_311] {strides = array<i32>} : memref<1024xi32, #tpu.memory_space<vmem>>, vector<16xi32>,
        %add3A_313 = vector.broadcast %mul3A_32 : i32 to vector<16xi32>
        %add3A_314 = arith.addi %get3A_312, %add3A_313 : vector<16xi32>
        %swap3A_315 = arith.constant 16 : index
        %swap3A_316 = tpu.vector_load %arg9[%swap3A_315] {strides = array<i32>} : memref<64xi32, #tpu.memory_space<vmem>>, vector<16xi32>,
        tpu.vector_store %arg9[%swap3A_315], %add3A_314 {strides = array<i32>} : memref<64xi32, #tpu.memory_space<vmem>>, vector<16xi32>,
        %mul3A_317 = arith.constant 128 : i32
        %mul3A_318 = arith.muli %add3A_292, %mul3A_317 : i32
        %add3A_319 = arith.constant 64 : i32
        %add3A_320 = arith.addi %mul3A_318, %add3A_319 : i32
        %add3A_321 = arith.constant 32 : i32
        %add3A_322 = arith.addi %add3A_320, %add3A_321 : i32
        %get3A_323 = arith.index_cast %add3A_322 : i32 to index
        %get3A_324 = tpu.vector_load %arg7[%get3A_323] {strides = array<i32>} : memref<1024xi32, #tpu.memory_space<vmem>>, vector<16xi32>,
        %add3A_325 = vector.broadcast %mul3A_32 : i32 to vector<16xi32>
        %add3A_326 = arith.addi %get3A_324, %add3A_325 : vector<16xi32>
        %swap3A_327 = arith.constant 32 : index
        %swap3A_328 = tpu.vector_load %arg9[%swap3A_327] {strides = array<i32>} : memref<64xi32, #tpu.memory_space<vmem>>, vector<16xi32>,
        tpu.vector_store %arg9[%swap3A_327], %add3A_326 {strides = array<i32>} : memref<64xi32, #tpu.memory_space<vmem>>, vector<16xi32>,
        %mul3A_329 = arith.constant 128 : i32
        %mul3A_330 = arith.muli %add3A_292, %mul3A_329 : i32
        %add3A_331 = arith.constant 64 : i32
        %add3A_332 = arith.addi %mul3A_330, %add3A_331 : i32
        %add3A_333 = arith.constant 48 : i32
        %add3A_334 = arith.addi %add3A_332, %add3A_333 : i32
        %get3A_335 = arith.index_cast %add3A_334 : i32 to index
        %get3A_336 = tpu.vector_load %arg7[%get3A_335] {strides = array<i32>} : memref<1024xi32, #tpu.memory_space<vmem>>, vector<16xi32>,
        %add3A_337 = vector.broadcast %mul3A_32 : i32 to vector<16xi32>
        %add3A_338 = arith.addi %get3A_336, %add3A_337 : vector<16xi32>
        %swap3A_339 = arith.constant 48 : index
        %swap3A_340 = tpu.vector_load %arg9[%swap3A_339] {strides = array<i32>} : memref<64xi32, #tpu.memory_space<vmem>>, vector<16xi32>,
        tpu.vector_store %arg9[%swap3A_339], %add3A_338 {strides = array<i32>} : memref<64xi32, #tpu.memory_space<vmem>>, vector<16xi32>,
        %dma_start3A_341 = arith.constant 0 : i32
        %dma_start3A_342 = arith.constant 0 : i32
        %dma_start3A_343 = tpu.memref_slice %arg3[%dma_start3A_341, %dma_start3A_342] : memref<160000x256xf32, #tpu.memory_space<hbm>> -> memref<160000x256xf32, #tpu.memory_space<hbm>>
        tpu.enqueue_indirect_dma source(%dma_start3A_343 : memref<160000x256xf32, #tpu.memory_space<hbm>>) target(%arg11 : memref<64x256xf32, #tpu.memory_space<vmem>>) offsets(%arg9 : memref<64xi32, #tpu.memory_space<vmem>>) semaphore(%arg18 : memref<!tpu.dma_semaphore, #tpu.memory_space<semaphore_mem>>)
      } else {
      }
      %mul3A_279 = arith.constant 1024 : i32
      %mul3A_280 = arith.muli %select_n3A_30, %mul3A_279 : i32
      %mul3A_281 = arith.constant 128 : i32
      %mul3A_282 = arith.muli %add3A_251, %mul3A_281 : i32
      %add3A_283 = arith.addi %mul3A_280, %mul3A_282 : i32
      %dma_start3A_284 = arith.constant 0 : i32
      %dma_start3A_285 = tpu.memref_slice %arg6[%select_n3A, %dma_start3A_284, %add3A_283] : memref<8x256x4096xf32, #tpu.memory_space<hbm>> -> memref<1x256x128xf32, #tpu.memory_space<hbm>>
      %dma_start3A_286 = tpu.memref_squeeze %dma_start3A_285 : memref<1x256x128xf32, #tpu.memory_space<hbm>> -> memref<256x128xf32, #tpu.memory_space<hbm>>
      %dma_start3A_287 = arith.constant 0 : i32
      %dma_start3A_288 = tpu.memref_slice %arg6[%select_n3A, %dma_start3A_287, %add3A_283] : memref<8x256x4096xf32, #tpu.memory_space<hbm>> -> memref<1x256x128xf32, #tpu.memory_space<hbm>>
      %dma_start3A_289 = tpu.memref_squeeze %dma_start3A_288 : memref<1x256x128xf32, #tpu.memory_space<hbm>> -> memref<256x128xf32, #tpu.memory_space<hbm>>
      tpu.enqueue_dma source(%arg13 : memref<256x128xf32, #tpu.memory_space<vmem>>) target(%dma_start3A_289 : memref<256x128xf32, #tpu.memory_space<hbm>>) target_semaphore(%arg20 : memref<!tpu.dma_semaphore, #tpu.memory_space<semaphore_mem>>)
      %scan3A_290 = arith.constant 0 : i32
      scf.yield %scan3A_290 : i32
    }
    %scan3A_190 = arith.constant 4 : i32
    %dma_wait3A = arith.constant 0 : i32
    %dma_wait3A_191 = arith.constant 0 : i32
    %dma_wait3A_192 = tpu.memref_slice %arg6[%select_n3A, %dma_wait3A, %dma_wait3A_191] : memref<8x256x4096xf32, #tpu.memory_space<hbm>> -> memref<1x256x128xf32, #tpu.memory_space<hbm>>
    %dma_wait3A_193 = tpu.memref_squeeze %dma_wait3A_192 : memref<1x256x128xf32, #tpu.memory_space<hbm>> -> memref<256x128xf32, #tpu.memory_space<hbm>>
    %dma_wait3A_194 = arith.constant 0 : i32
    %dma_wait3A_195 = arith.constant 0 : i32
    %dma_wait3A_196 = tpu.memref_slice %arg6[%select_n3A, %dma_wait3A_194, %dma_wait3A_195] : memref<8x256x4096xf32, #tpu.memory_space<hbm>> -> memref<1x256x128xf32, #tpu.memory_space<hbm>>
    %dma_wait3A_197 = tpu.memref_squeeze %dma_wait3A_196 : memref<1x256x128xf32, #tpu.memory_space<hbm>> -> memref<256x128xf32, #tpu.memory_space<hbm>>
    tpu.wait_dma2 semaphore(%arg19 : memref<!tpu.dma_semaphore, #tpu.memory_space<semaphore_mem>>) src(%arg12 : memref<256x128xf32, #tpu.memory_space<vmem>>) dst(%dma_wait3A_197 : memref<256x128xf32, #tpu.memory_space<hbm>>)
    %dma_wait3A_198 = arith.constant 0 : i32
    %dma_wait3A_199 = arith.constant 0 : i32
    %dma_wait3A_200 = tpu.memref_slice %arg6[%select_n3A, %dma_wait3A_198, %dma_wait3A_199] : memref<8x256x4096xf32, #tpu.memory_space<hbm>> -> memref<1x256x128xf32, #tpu.memory_space<hbm>>
    %dma_wait3A_201 = tpu.memref_squeeze %dma_wait3A_200 : memref<1x256x128xf32, #tpu.memory_space<hbm>> -> memref<256x128xf32, #tpu.memory_space<hbm>>
    %dma_wait3A_202 = arith.constant 0 : i32
    %dma_wait3A_203 = arith.constant 0 : i32
    %dma_wait3A_204 = tpu.memref_slice %arg6[%select_n3A, %dma_wait3A_202, %dma_wait3A_203] : memref<8x256x4096xf32, #tpu.memory_space<hbm>> -> memref<1x256x128xf32, #tpu.memory_space<hbm>>
    %dma_wait3A_205 = tpu.memref_squeeze %dma_wait3A_204 : memref<1x256x128xf32, #tpu.memory_space<hbm>> -> memref<256x128xf32, #tpu.memory_space<hbm>>
    tpu.wait_dma2 semaphore(%arg20 : memref<!tpu.dma_semaphore, #tpu.memory_space<semaphore_mem>>) src(%arg13 : memref<256x128xf32, #tpu.memory_space<vmem>>) dst(%dma_wait3A_205 : memref<256x128xf32, #tpu.memory_space<hbm>>)
    return
  }
}

</mosaic_0001>

<sc_bundles>
// kernel: kernel.3.cloned.1.call-start
scs
__scs_entry_jumppad:
0x0: {  	(pc) =	sbr.rel $0x88, $3  }
0x1: {  	(tag) =	ssettag $0x0;
	lr =	simm.s32 $0x1  }
0x2: {  	[smem:$0x3F9E] =	sst lr;
	_ =	strace $0xD0000000  }
0x3: {  	_ = 	snop  }
0x4: {  	_ = 	snop  }
0x5: {  	_ = 	snop  }
0x6: {  	_ = 	snop  }
0x7: {  	_ = 	snop  }
__scs_overlays_trampoline_lowered:
0x8: {  	[smem:$0x3FAD] =	sst s0  }
0x9: {  	[smem:$0x3FAE] =	sst s1  }
0xa: {  	[smem:$0x3FAF] =	sst s2  }
0xb: {  	[smem:$0x3FB0] =	sst s3  }
0xc: {  	[smem:$0x3FB1] =	sst s4  }
0xd: {  	[smem:$0x3FB2] =	sst s5  }
0xe: {  	[smem:$0x3FB3] =	sst s6  }
0xf: {  	[smem:$0x3FB4] =	sst s7  }
0x10: {  	[smem:$0x3FB5] =	sst s8  }
0x11: {  	[smem:$0x3FB6] =	sst s9;
	s0 =	simm.s32 @!p0 $0x0  }
0x12: {  	s1 =	sld [smem:$0x3F9C];
	s0 =	simm.s32 @p0 $0x1  }
0x13: {  	[smem:$0x3FB7] =	sst s0;
	s0 =	simm.s32 @!p1 $0x0  }
0x14: {  	s2 =	sld [smem:$0x3F9B];
	s0 =	simm.s32 @p1 $0x1  }
0x15: {  	[smem:$0x3FB8] =	sst s0;
	s0 =	simm.s32 @!p2 $0x0  }
0x16: {  	s3 =	sld [smem:$0x3FDB];
	s0 =	simm.s32 @p2 $0x1  }
0x17: {  	s4 =	simm.s32 $0x1BF5;
	[smem:$0x3FBA] =	sst s0  }
0x18: {  	s0 =	sld [smem:$0x3F9D];
	_ =	swait.ge [sflag:s4], $0x0  }
0x19: {  	s7 =	sld [smem:$0x3F9E]  }
0x1a: {  	s8 =	sadd.s32 $0xFFFFE003, lr  }
0x1b: {  	s9 =	sadd.s32 $0xFFFFFEF7, lr;
	s5 =	simm.s32 $0xFFFFFFFF;
	p2 =	slt.u32 s8, $0xFFFFF086  }
0x1c: {  	p1 =	slt.u32 s9, $0xF7A;
	s5 =	simm.s32 @!p2 $0x0  }
0x1d: {  	s5 =	simm.s32 @p1 $0x1;
	p0 =	seq.s32 s7, s2  }
0x1e: {  	s7 =	smul.u32 @!p0 $0xF7A, s2;
	p2 =	seq.s32 @!p0 s5, $0x0  }
0x1f: {  	s9 =	smul.u32 $0xF7A, s1;
	s8 =	simm.s32 @!p0 $0x1BF5;
	p2 =	por !p2, p0  }
0x20: {  	[sflag:s8] =	ssyncset.s32 @!p0 $0xFFFFF086;
	s6 =	sadd.s32 @!p0 s3, s7;
	s7 =	simm.s32 @!p0 $0x108  }
0x21: {  	s3 =	sadd.s32 s3, s9;
	s6 =	sadd.s32 @!p0 $0x88, s6;
	s7 =	simm.s32 @p2 $0x1082  }
0x22: {  	[simem:s7], [sflag:s8] =	dma.local @!p0 [hbm:s6], $0xF7A  }
0x23: {  	s9 =	sor.u32 $0xD0000000, s2;
	s6 =	simm.s32 $0x108;
	_ =	swait.ge @!p0 [sflag:s8], $0x0  }
0x24: {  	s3 =	sadd.s32 $0x88, s3;
	s6 =	simm.s32 @!p1 $0x1082;
	[sflag:s4] =	ssyncset.s32 $0xFFFFF086  }
0x25: {  	[simem:s6], [sflag:s4] =	dma.local [hbm:s3], $0xF7A  }
0x26: {  	[smem:$0x3F9E] =	sst s1;
	(tag) =	ssettag s2;
	_ =	strace s9  }
0x27: {  	s1 =	sld [smem:$0x3FAE]  }
0x28: {  	s2 =	sld [smem:$0x3FAF]  }
0x29: {  	s4 =	sld [smem:$0x3FB1]  }
0x2a: {  	p0 =	seq.s32 s5, $0x0;
	s5 =	sld [smem:$0x3FB2]  }
0x2b: {  	s6 =	sld [smem:$0x3FB3]  }
0x2c: {  	s7 =	sld [smem:$0x3FB4]  }
0x2d: {  	s3 =	simm.s32 $0x108;
	s8 =	sld [smem:$0x3FB5]  }
0x2e: {  	s3 =	simm.s32 @!p0 $0x1082;
	s9 =	sld [smem:$0x3FB6]  }
0x2f: {  	lr =	sadd.s32 s0, s3;
	s0 =	sld [smem:$0x3FAD]  }
0x30: {  	s3 =	sld [smem:$0x3FB0]  }
0x31: {  	[smem:$0x3FB9] =	sst s10  }
0x32: {  	s10 =	sld [smem:$0x3FB7];
	_ =	sdelay $0x3  }
0x33: {  	p0 =	seq.s32 s10, $0x1;
	s10 =	sld [smem:$0x3FB9];
	_ =	sdelay $0x3  }
0x34: {  	[smem:$0x3FB9] =	sst s10  }
0x35: {  	s10 =	sld [smem:$0x3FB8];
	_ =	sdelay $0x3  }
0x36: {  	p1 =	seq.s32 s10, $0x1;
	s10 =	sld [smem:$0x3FB9];
	_ =	sdelay $0x3  }
0x37: {  	[smem:$0x3FB9] =	sst s10  }
0x38: {  	s10 =	sld [smem:$0x3FBA]  }
0x39: {  	_ = 	snop;
	(pc) =	sbr.ind lr, $3  }
0x3a: {  	_ = 	snop  }
0x3b: {  	_ = 	snop  }
0x3c: {  	p2 =	seq.s32 s10, $0x1;
	s10 =	sld [smem:$0x3FB9]  }
0x3d: {  	_ =	shalt  }
0x3e: {  	_ =	shalt  }
0x3f: {  	_ =	shalt  }
0x40: {  	_ =	shalt  }
0x41: {  	_ =	shalt  }
0x42: {  	_ =	shalt  }
0x43: {  	_ =	shalt  }
0x44: {  	_ =	shalt  }
0x45: {  	_ =	shalt  }
0x46: {  	_ =	shalt  }
0x47: {  	_ =	shalt  }
0x48: {  	_ =	shalt  }
0x49: {  	_ =	shalt  }
0x4a: {  	_ =	shalt  }
0x4b: {  	_ =	shalt  }
0x4c: {  	_ =	shalt  }
0x4d: {  	_ =	shalt  }
0x4e: {  	_ =	shalt  }
0x4f: {  	_ =	shalt  }
0x50: {  	_ =	shalt  }
0x51: {  	_ =	shalt  }
0x52: {  	_ =	shalt  }
0x53: {  	_ =	shalt  }
0x54: {  	_ =	shalt  }
0x55: {  	_ =	shalt  }
0x56: {  	_ =	shalt  }
0x57: {  	_ =	shalt  }
0x58: {  	_ =	shalt  }
0x59: {  	_ =	shalt  }
0x5a: {  	_ =	shalt  }
0x5b: {  	_ =	shalt  }
0x5c: {  	_ =	shalt  }
0x5d: {  	_ =	shalt  }
0x5e: {  	_ =	shalt  }
0x5f: {  	_ =	shalt  }
0x60: {  	_ =	shalt  }
0x61: {  	_ =	shalt  }
0x62: {  	_ =	shalt  }
0x63: {  	_ =	shalt  }
0x64: {  	_ =	shalt  }
0x65: {  	_ =	shalt  }
0x66: {  	_ =	shalt  }
0x67: {  	_ =	shalt  }
0x68: {  	_ =	shalt  }
0x69: {  	_ =	shalt  }
0x6a: {  	_ =	shalt  }
0x6b: {  	_ =	shalt  }
0x6c: {  	_ =	shalt  }
0x6d: {  	_ =	shalt  }
0x6e: {  	_ =	shalt  }
0x6f: {  	_ =	shalt  }
0x70: {  	_ =	shalt  }
0x71: {  	_ =	shalt  }
0x72: {  	_ =	shalt  }
0x73: {  	_ =	shalt  }
0x74: {  	_ =	shalt  }
0x75: {  	_ =	shalt  }
0x76: {  	_ =	shalt  }
0x77: {  	_ =	shalt  }
0x78: {  	_ =	shalt  }
0x79: {  	_ =	shalt  }
0x7a: {  	_ =	shalt  }
0x7b: {  	_ =	shalt  }
0x7c: {  	_ =	shalt  }
0x7d: {  	_ =	shalt  }
0x7e: {  	_ =	shalt  }
0x7f: {  	_ =	shalt  }
0x80: {  	_ =	shalt  }
0x81: {  	_ =	shalt  }
0x82: {  	_ =	shalt  }
0x83: {  	_ =	shalt  }
0x84: {  	_ =	shalt  }
0x85: {  	_ =	shalt  }
0x86: {  	_ =	shalt  }
0x87: {  	_ =	shalt  }
.Lfunc_end0:
.L_simem_size_0:
called_computation_lowered:
.L_overlay_start_0:
0x88: {  	s2 =	sld [smem:$0x3FD9]  }
0x89: {  	s3 =	sld [smem:$0x3FFE];
	_ =	sdelay $0x1  }
0x8a: {  	s1 =	srdreg.scid  }
0x8b: {  	s0 =	sand.u32 $0x1, s1  }
0x8c: {  	s15 =	sshll.u32 s0, $0xA;
	s2 =	sadd.s32 s3, s2  }
0x8d: {  	s2 =	sadd.s32 s2, s15  }
0x8e: {  	[smem:$0x3FC5] =	sst s2  }
0x8f: {  	_ = 	snop  }
0x90: {  	s2 =	sld [smem:$0x3FD0]  }
0x91: {  	s16 =	sld [smem:$0x3FC9]  }
0x92: {  	s4 =	sld [smem:$0x3FC8]  }
0x93: {  	s6 =	simm.s32 $0xA;
	s7 =	simm.s32 $0x10;
	s5 =	sld [smem:$0x3FC7]  }
0x94: {  	[smem:s7], [sflag:s6] =	dma.local [hbm:s2], $0x1  }
0x95: {  	_ =	swait.eq [sflag:s6], $0x1  }
0x96: {  	[sflag:s6] =	ssyncset.done $0x0  }
0x97: {  	s17 =	sld [smem:$0x10];
	[sflag:s6] =	ssyncadd.s32 $0xFFFFFFFF  }
0x98: {  	s18 =	sld [smem:$0x11];
	(tm) =	ssettm $0x1  }
0x99: {  	s19 =	sld [smem:$0x3FFB];
	_ =	sdelay $0x3  }
0x9a: {  	_ =	strace s19  }
0x9b: {  	s7 =	sld [smem:$0x3FFC];
	_ =	sdelay $0x3  }
0x9c: {  	_ =	strace s7  }
0x9d: {  	s7 =	sld [smem:$0x3FFD];
	_ =	sdelay $0x3  }
0x9e: {  	_ =	strace s7  }
0x9f: {  	_ =	strace $0x8FFFFFFF  }
0xa0: {  	s20 =	sld [smem:$0x3FDB];
	_ =	sdelay $0x1  }
0xa1: {  	s8 =	simm.s32 $_scs_section_size  }
0xa2: {  	s9 =	simm.s32 $_size__tile_overlayer_lowered;
	s10 =	simm.s32 $_tile_overlayer_lowered  }
0xa3: {  	s23 =	simm.s32 $0x1BFF;
	s22 =	sshll.u32 s10, $0x1;
	s7 =	sadd.s32 s8, s20  }
0xa4: {  	s11 =	simm.s32 $0x0;
	s21 =	sshll.u32 s9, $0x1;
	s9 =	sadd.s32 s22, s7  }
0xa5: {  	[timem:s11], [sflag:s23] =	dma.local [hbm:s9], s21  }
0xa6: {  	_ =	swait.ge [sflag:s23], s21  }
0xa7: {  	s8 =	ssub.s32 $0x0, s21;
	[sflag:s23] =	ssyncset.done $0x0  }
0xa8: {  	[sflag:s23] =	ssyncadd.s32 s8;
	_ =	sdelay $0x1  }
0xa9: {  	s24 =	simm.s32 $0x1B8B  }
0xaa: {  	_ =	swait.ge [sflag:s24], $0x1  }
0xab: {  	[sflag:s24] =	ssyncset.done $0x0  }
0xac: {  	s25 =	simm.s32 $0x1B8E;
	[sflag:s24] =	ssyncadd.s32 $0xFFFFFFFF  }
0xad: {  	s26 =	simm.s32 $execute0_lowered;
	[smem:$0x3FD2] =	sst s25  }
0xae: {  	s8 =	sshll.u32 s26, $0x1;
	_ =	strace $0x80000046;
	[dreg:$0x1] =	wrdreg $0xFFFFFFFF  }
0xaf: {  	s28 =	simm.s32 $_size_execute0_lowered;
	s7 =	sadd.s32 s7, s8;
	[dreg:$0x0] =	wrdreg $0x0  }
0xb0: {  	s8 =	sshll.u32 s28, $0x1;
	[dreg:$0x2] =	wrdreg s7  }
0xb1: {  	[dreg:$0x3] =	wrdreg s8  }
0xb2: {  	[dreg:$0x4] =	wrdreg $0xC0  }
0xb3: {  	_ =	task [dreg:s11], $0x5FFFF  }
0xb4: {  	[dreg:$0x1] =	wrdreg $0xFFFFFFFF  }
0xb5: {  	[dreg:$0x0] =	wrdreg $0x60  }
0xb6: {  	[dreg:$0x2] =	wrdreg s16  }
0xb7: {  	[dreg:$0x3] =	wrdreg s4  }
0xb8: {  	[dreg:$0x4] =	wrdreg s5  }
0xb9: {  	[dreg:$0x5] =	wrdreg s17  }
0xba: {  	[dreg:$0x6] =	wrdreg s18  }
0xbb: {  	[dreg:$0x7] =	wrdreg $0x9  }
0xbc: {  	_ =	task.clear_ibuf [dreg:s11], $0x8FFFF;
	_ =	strace $0x90000046  }
0xbd: {  	s29 =	simm.s32 $0x9;
	_ =	strace $0x80000048  }
0xbe: {  	_ =	swait.ge [sflag:s29], $0x1  }
0xbf: {  	[sflag:s29] =	ssyncadd.s32 $0xFFFFFFFF  }
0xc0: {  	_ =	strace $0x90000048  }
0xc1: {  	_ =	sfence  }
0xc2: {  	s30 =	sld [smem:$0x0];
	_ =	sdelay $0x2  }
0xc3: {  	s31 =	sshll.u32 s1, $0xD;
	s1 =	sshrl.u32 s1, $0x2  }
0xc4: {  	s3 =	sand.u32 $0x4000, s31;
	s1 =	sadd.s32 s1, s30  }
0xc5: {  	s0 =	sor.u32 s3, s0;
	s1 =	sshll.u32 s1, $0x11  }
0xc6: {  	s0 =	sor.u32 s1, s0  }
0xc7: {  	s0 =	sadd.s32 $0x8F2B, s0  }
0xc8: {  	[sflag:s0] =	ssyncadd.remote.s32 $0x1  }
0xc9: {  	_ =	sfence.sel $0xFFFF  }
0xca: {  	[dreg:$0x0] =	wrdreg $0xFFFFFFFF;
	(pc) =	sbr.abs _section_cstart, $3  }
0xcb: {  	[dreg:$0x1] =	wrdreg $0xFFFFFFFF  }
0xcc: {  	_ =	task.clear_ibuf [dreg:s11], $0x2FFFF;
	_ =	strace $0x9FFFFFFF  }
0xcd: {  	(tm) =	ssettm $0x7FFFFFFF  }
tec
execute0_lowered:
.L_overlay_start_1:
0x0: {  	(tag) =	ssettag $0x1  }
0x1: {  	v1 =	vlaneseq.u32;
	v4 =	vimm.s32 $0xFEDCBA9  }
0x2: {  	vm0 =	vmmov $0xffff;
	v7 =	vimm.s32 $0x87654321;
	v8 =	vimm.s32 $0x98765432  }
0x3: {  	v9 =	vimm.s32 $0x210FEDCB;
	v10 =	vimm.s32 $0xA9876543;
	v20 =	vimm.s32 $0xCBA98765  }
0x4: {  	s15 =	stileid.u32;
	s2 =	rddreg [dreg:$0x0];
	v22 =	vimm.s32 $0x6543210F;
	v23 =	vimm.s32 $0xEDCBA987;
	v24 =	vimm.s32 $0xFEDCBA98  }
0x5: {  	s3 =	srdreg.scid;
	s6 =	rddreg [dreg:$0x2];
	v25 =	vimm.s32 $0x76543210;
	v3 =	vshrl.u32 v1, $0x3;
	v6 =	vunpack.c.l.s4.s8 v4  }
0x6: {  	s5 =	rddreg [dreg:$0x3];
	s4 =	simm.s32 $0x0;
	s20 =	simm.s32 $0x3500;
	v4 =	vor.u32 $0x8, v1;
	v8 =	vunpack.c.l.s4.s8 v8;
	v9 =	vunpack.c.l.s4.s8 v9  }
0x7: {  	s28 =	simm.s32 $0x6D00;
	s29 =	simm.s32 $0x7500;
	s0 =	sshrl.u32 s15, $0x1;
	v22 =	vunpack.c.l.s4.s8 v22;
	v23 =	vunpack.c.l.s4.s8 v23;
	v24 =	vunpack.c.l.s4.s8 v24  }
0x8: {  	s30 =	simm.s32 $0x7D00;
	s31 =	simm.s32 $0x1;
	s1 =	smul.u32 $0x4E20, s0;
	v3 =	vmul.u32 $0x8, v3;
	v12 =	vunpack.c.0.s8.s32 v6;
	v6 =	vunpack.c.l.s4.s8 v7  }
0x9: {  	s7 =	sand.u32 $0x1, s3;
	s21 =	sshll.u32 s15, $0x1;
	s3 =	rddreg [dreg:$0x4];
	v7 =	vimm.s32 $0x10FEDCBA;
	v15 =	vunpack.c.0.s8.s32 v8;
	v16 =	vunpack.c.0.s8.s32 v9  }
0xa: {  	[smem:$0x7FF] =	sst s4;
	p0 =	sgt.u32 s15, $0xB;
	s15 =	simm.s32 $0x5;
	v22 =	vunpack.c.0.s8.s32 v22;
	v23 =	vunpack.c.0.s8.s32 v23;
	v0 =	vmov s1  }
0xb: {  	s8 =	sor.u32 s7, s21;
	s7 =	ssub.s32 $0x2, s7;
	s13 =	sshll.u32 s0, $0x4;
	v24 =	vunpack.c.0.s8.s32 v24;
	v7 =	vunpack.c.l.s4.s8 v7;
	[tilespmem:$0x1FFE0] =	vst v0;
	v0 =	vand.u32 $0x7, v1  }
0xc: {  	s0 =	sshll.u32 s0, $0x14;
	s21 =	simm.s32 $0x3D00;
	s9 =	smul.u32 $0x56, s8;
	v13 =	vunpack.c.0.s8.s32 v6;
	v6 =	vunpack.c.l.s4.s8 v10;
	v28 =	vcombine.low v23, v22  }
0xd: {  	s11 =	sshrl.u32 s7, $0x1;
	s13 =	sadd.s32 s6, s13;
	s1 =	rddreg [dreg:$0x1];
	v24 =	vand.u32 $0xF, v24;
	v14 =	vunpack.c.0.s8.s32 v7;
	v7 =	vimm.s32 $0x3210FEDC  }
0xe: {  	s7 =	ssub.s32 s7, s11;
	s10 =	sshrl.u32 s9, $0x8;
	s22 =	sshrl.u32 s9, $0xB;
	v5 =	vmul.u32 $0x80, v0;
	v17 =	vunpack.c.0.s8.s32 v6;
	v6 =	vunpack.c.l.s4.s8 v7  }
0xf: {  	s9 =	sshrl.u32 s9, $0x1;
	s26 =	smax.u32 s7, $0x1;
	s7 =	simm.s32 $0x8000;
	v7 =	vimm.s32 $0xBA987654;
	v8 =	vcombine.low v13, v12;
	v63 =	vcombine.low v12, v13  }
0x10: {  	[tilespmem:$0x1FFF0] =	vst v0;
	s10 =	smul.u32 $0x3, s10;
	s9 =	sand.u32 $0x380, s9;
	s11 =	sshll.u32 s22, $0xF;
	v13 =	vand.u32 $0xF, v28;
	v9 =	vcombine.low v15, v14;
	v7 =	vunpack.c.l.s4.s8 v7  }
0x11: {  	_ =	strace $0x80000047;
	s11 =	sor.u32 s9, s11;
	[dreg:$0xa] =	wrdreg s26;
	v15 =	vcombine.low v14, v15;
	v10 =	vcombine.low v17, v16;
	v18 =	vunpack.c.0.s8.s32 v6  }
0x12: {  	s26 =	simm.s32 $0x6500;
	s10 =	ssub.s32 s8, s10;
	s8 =	sand.u32 $0x3, s8;
	v6 =	vimm.s32 $0x43210FED;
	v16 =	vcombine.low v16, v17;
	v19 =	vunpack.c.0.s8.s32 v7  }
0x13: {  	s11 =	sshrl.u32 s11, $0x3;
	s10 =	sand.u32 $0xFF, s10;
	s12 =	sshll.u32 s8, $0xA;
	v11 =	vunpack.c.l.s4.s8 v6;
	v7 =	vand.u32 $0xF, v9;
	v9 =	vunpack.c.l.s4.s8 v20  }
0x14: {  	s6 =	sadd.s32 s6, s11;
	s25 =	sshll.u32 s8, $0xD;
	v14 =	vand.u32 $0xF, v63;
	s8 =	simm.s32 $0x10500;
	v6 =	vand.u32 $0xF, v8;
	v15 =	vand.u32 $0xF, v15  }
0x15: {  	s11 =	simm.s32 $0x0;
	s10 =	sadd.s32 s10, s22;
	s12 =	sadd.s32 s12, s13;
	v8 =	vand.u32 $0xF, v10;
	v20 =	vunpack.c.0.s8.s32 v11;
	v21 =	vunpack.c.0.s8.s32 v9  }
0x16: {  	[dreg:$0x7] =	wrdreg s6;
	s13 =	simm.s32 $0x80;
	s14 =	smul.u32 $0x27400, s10;
	v9 =	vimm.s32 $0x543210FE;
	v11 =	vimm.s32 $0xDCBA9876;
	v17 =	vcombine.low v18, v19  }
0x17: {  	s22 =	simm.s32 $0x4500;
	s6 =	simm.s32 $0x2;
	s10 =	sshll.u32 s10, $0xF;
	v16 =	vand.u32 $0xF, v16;
	v9 =	vunpack.c.l.s4.s8 v9;
	v11 =	vunpack.c.l.s4.s8 v11  }
0x18: {  	[dreg:$0x6] =	wrdreg s12;
	v10 =	vcombine.low v19, v18;
	s23 =	sor.u32 s9, s14;
	s9 =	sor.u32 s9, s10;
	v18 =	vcombine.low v20, v21;
	v17 =	vand.u32 $0xF, v17  }
.Ltmp0:
0x19: {  	s14 =	simm.s32 $0x500;
	s12 =	sshrl.u32 s23, $0x3;
	v26 =	vunpack.c.0.s8.s32 v9;
	v27 =	vunpack.c.0.s8.s32 v11;
	v11 =	vunpack.c.l.s4.s8 v25;
	(pc) =	sbr.rel .LBB2_1-.Ltmp0, $4  }
0x1a: {  	s24 =	sshrl.u32 s9, $0x3;
	s9 =	sor.u32 s0, s25;
	s23 =	simm.s32 $0x4D00;
	v9 =	vand.u32 $0xF, v10;
	v10 =	vcombine.low v21, v20;
	v20 =	vcombine.low v22, v23  }
0x1b: {  	s25 =	simm.s32 $0x5D00;
	s0 =	simm.s32 $0x8500;
	s2 =	sadd.s32 s2, s12;
	v11 =	vunpack.c.0.s8.s32 v11;
	v62 =	vcombine.low v27, v26;
	v19 =	vcombine.low v26, v27  }
0x1c: {  	s12 =	simm.s32 $0x400;
	[dreg:$0x8] =	wrdreg s2;
	s2 =	sadd.s32 s5, s24;
	v18 =	vand.u32 $0xF, v18;
	v10 =	vand.u32 $0xF, v10;
	v20 =	vand.u32 $0xF, v20  }
0x1d: {  	s24 =	simm.s32 $0x5500;
	[dreg:$0x9] =	wrdreg s2;
	s2 =	simm.s32 $0x19500;
	v11 =	vcombine.low v24, v11;
	v12 =	vand.u32 $0xF, v62;
	v19 =	vand.u32 $0xF, v19  }
.LBB2_19:
0x1e: {  	s5 =	simm.s32 $0x3  }
0x1f: {  	_ =	swait.ge [sflag:s5], $0x8000  }
0x20: {  	[sflag:s5] =	ssyncset.done $0x0  }
0x21: {  	s10 =	simm.s32 $0x4;
	[sflag:s5] =	ssyncadd.s32 $0xFFFF8000  }
0x22: {  	_ =	swait.ge [sflag:s10], $0x8000  }
0x23: {  	s11 =	rddreg [dreg:$0xb]  }
0x24: {  	s19 =	rddreg [dreg:$0xa];
	s11 =	sadd.s32 $0x1, s11  }
0x25: {  	p1 =	sne.s32 s11, s19  }
.Ltmp1:
0x26: {  	_ = 	snop;
	(pc) =	sbr.rel @!p1 .LBB2_20-.Ltmp1, $3  }
0x27: {  	_ =	sdelay $0x1  }
0x28: {  	[sflag:s10] =	ssyncset.done $0x0  }
0x29: {  	s13 =	simm.s32 $0x80;
	s15 =	simm.s32 $0x5;
	[sflag:s10] =	ssyncadd.s32 $0xFFFF8000  }
.LBB2_1:
0x2a: {  	[dreg:$0xb] =	wrdreg s11  }
0x2b: {  	s5 =	rddreg [dreg:$0x6]  }
0x2c: {  	[tilespmem:s4], [sflag:$0x5] =	stream.strided.gather [hbm4b:s5+s13], $0x400, s12, s13, $0x38;
	[tilespmem:$0x1F380] =	vst v63  }
0x2d: {  	_ =	swait.ge [sflag:s15], $0x400  }
0x2e: {  	[sflag:s15] =	ssyncset.done $0x0  }
0x2f: {  	v0 =	vld [tilespmem:$0x1FFE0];
	[sflag:s15] =	ssyncadd.s32 $0xFFFFFC00  }
0x30: {  	v21 =	vld [tilespmem:$0x0];
	_ =	sdelay $0x3  }
0x31: {  	v2 =	vld [tilespmem:$0x1FFF0]  }
0x32: {  	v22 =	vadd.s32 v0, v21  }
0x33: {  	v23 =	vshll.u32 v22, $0x1  }
0x34: {  	v24 =	vld [tilespmem:$0x10];
	v21 =	vand.u32 $0x7, v21;
	v23 =	vand.u32 $0xFFFFFFF0, v23  }
0x35: {  	v25 =	vld [tilespmem:$0x20];
	v21 =	vor.u32 v21, v23  }
0x36: {  	v23 =	vld [tilespmem:$0x30];
	v26 =	vperm.xlane v21, v2;
	_ =	sdelay $0x1  }
0x37: {  	v21 =	vperm.xlane v21, v4;
	v26 =	vadd.s32 v3, v26  }
0x38: {  	[tilespmem:$0x400] =	vst v22;
	v22 =	vadd.s32 v0, v24  }
0x39: {  	[tilespmem:$0x410] =	vst v22;
	v22 =	vadd.s32 v0, v25;
	v21 =	vadd.s32 v3, v21  }
0x3a: {  	[tilespmem:$0x420] =	vst v22;
	v22 =	vadd.s32 v0, v23  }
0x3b: {  	[tilespmem:$0x430] =	vst v22  }
0x3c: {  	[tilespmem:s14], [sflag:$0x1] =	stream.indirect_vreg.gather [hbm4b:s1+s4], $0x80, v26, vm0, $0xb8;
	[tilespmem:$0x1F380] =	vst v63  }
0x3d: {  	s11 =	simm.s32 $0xD00  }
0x3e: {  	[tilespmem:s11], [sflag:$0x1] =	stream.indirect_vreg.gather [hbm4b:s1+s4], $0x80, v21, vm0, $0xb8;
	[tilespmem:$0x1F380] =	vst v63  }
0x3f: {  	v21 =	vld [tilespmem:$0x410];
	_ =	sdelay $0x4  }
0x40: {  	v22 =	vshll.u32 v21, $0x1  }
0x41: {  	v21 =	vand.u32 $0x7, v21;
	v22 =	vand.u32 $0xFFFFFFF0, v22  }
0x42: {  	v21 =	vor.u32 v21, v22  }
0x43: {  	v22 =	vperm.xlane v21, v2;
	_ =	sdelay $0x1  }
0x44: {  	v21 =	vperm.xlane v21, v4;
	v22 =	vadd.s32 v3, v22;
	_ =	sdelay $0x1  }
0x45: {  	v21 =	vadd.s32 v3, v21;
	_ =	sdelay $0x1  }
0x46: {  	s16 =	simm.s32 $0x1500  }
0x47: {  	[tilespmem:s16], [sflag:$0x1] =	stream.indirect_vreg.gather [hbm4b:s1+s4], $0x80, v22, vm0, $0xb8;
	[tilespmem:$0x1F380] =	vst v63  }
0x48: {  	s17 =	simm.s32 $0x1D00  }
0x49: {  	[tilespmem:s17], [sflag:$0x1] =	stream.indirect_vreg.gather [hbm4b:s1+s4], $0x80, v21, vm0, $0xb8;
	[tilespmem:$0x1F380] =	vst v63  }
0x4a: {  	v21 =	vld [tilespmem:$0x420];
	_ =	sdelay $0x4  }
0x4b: {  	v22 =	vshll.u32 v21, $0x1  }
0x4c: {  	v21 =	vand.u32 $0x7, v21;
	v22 =	vand.u32 $0xFFFFFFF0, v22  }
0x4d: {  	v21 =	vor.u32 v21, v22  }
0x4e: {  	v22 =	vperm.xlane v21, v2;
	_ =	sdelay $0x1  }
0x4f: {  	v21 =	vperm.xlane v21, v4;
	v22 =	vadd.s32 v3, v22;
	_ =	sdelay $0x1  }
0x50: {  	v21 =	vadd.s32 v3, v21;
	_ =	sdelay $0x1  }
0x51: {  	s18 =	simm.s32 $0x2500  }
0x52: {  	[tilespmem:s18], [sflag:$0x1] =	stream.indirect_vreg.gather [hbm4b:s1+s4], $0x80, v22, vm0, $0xb8;
	[tilespmem:$0x1F380] =	vst v63  }
0x53: {  	s19 =	simm.s32 $0x2D00  }
0x54: {  	[tilespmem:s19], [sflag:$0x1] =	stream.indirect_vreg.gather [hbm4b:s1+s4], $0x80, v21, vm0, $0xb8;
	[tilespmem:$0x1F380] =	vst v63  }
0x55: {  	v21 =	vld [tilespmem:$0x430];
	_ =	sdelay $0x4  }
0x56: {  	v22 =	vshll.u32 v21, $0x1  }
0x57: {  	v21 =	vand.u32 $0x7, v21;
	v22 =	vand.u32 $0xFFFFFFF0, v22  }
0x58: {  	v21 =	vor.u32 v21, v22  }
0x59: {  	v22 =	vperm.xlane v21, v2;
	_ =	sdelay $0x1  }
0x5a: {  	v21 =	vperm.xlane v21, v4;
	v22 =	vadd.s32 v3, v22;
	_ =	sdelay $0x1  }
0x5b: {  	v21 =	vadd.s32 v3, v21;
	_ =	sdelay $0x2  }
0x5c: {  	[tilespmem:s20], [sflag:$0x1] =	stream.indirect_vreg.gather [hbm4b:s1+s4], $0x80, v22, vm0, $0xb8;
	[tilespmem:$0x1F380] =	vst v63  }
0x5d: {  	_ = 	snop  }
0x5e: {  	[tilespmem:s21], [sflag:$0x1] =	stream.indirect_vreg.gather [hbm4b:s1+s4], $0x80, v21, vm0, $0xb8;
	[tilespmem:$0x1F380] =	vst v63  }
0x5f: {  	v21 =	vld [tilespmem:$0x40];
	_ =	sdelay $0x4  }
0x60: {  	v22 =	vadd.s32 v0, v21  }
0x61: {  	v23 =	vshll.u32 v22, $0x1  }
0x62: {  	v61 =	vld [tilespmem:$0x50];
	v21 =	vand.u32 $0x7, v21;
	v23 =	vand.u32 $0xFFFFFFF0, v23  }
0x63: {  	v62 =	vld [tilespmem:$0x60];
	v21 =	vor.u32 v21, v23  }
0x64: {  	v23 =	vld [tilespmem:$0x70];
	v63 =	vperm.xlane v21, v2;
	_ =	sdelay $0x1  }
0x65: {  	v21 =	vperm.xlane v21, v4;
	v26 =	vadd.s32 v3, v63  }
0x66: {  	[tilespmem:$0x480] =	vst v22;
	v22 =	vadd.s32 v0, v61  }
0x67: {  	[tilespmem:$0x490] =	vst v22;
	v22 =	vadd.s32 v0, v62;
	v21 =	vadd.s32 v3, v21  }
0x68: {  	[tilespmem:$0x4A0] =	vst v22;
	v22 =	vadd.s32 v0, v23  }
0x69: {  	[tilespmem:$0x4B0] =	vst v22  }
0x6a: {  	[tilespmem:s22], [sflag:$0x2] =	stream.indirect_vreg.gather [hbm4b:s1+s4], $0x80, v26, vm0, $0xb8;
	[tilespmem:$0x1F380] =	vst v63  }
0x6b: {  	_ = 	snop  }
0x6c: {  	[tilespmem:s23], [sflag:$0x2] =	stream.indirect_vreg.gather [hbm4b:s1+s4], $0x80, v21, vm0, $0xb8;
	[tilespmem:$0x1F380] =	vst v63  }
0x6d: {  	v21 =	vld [tilespmem:$0x490];
	_ =	sdelay $0x4  }
0x6e: {  	v22 =	vshll.u32 v21, $0x1  }
0x6f: {  	v21 =	vand.u32 $0x7, v21;
	v22 =	vand.u32 $0xFFFFFFF0, v22  }
0x70: {  	v21 =	vor.u32 v21, v22  }
0x71: {  	v22 =	vperm.xlane v21, v2;
	_ =	sdelay $0x1  }
0x72: {  	v21 =	vperm.xlane v21, v4;
	v22 =	vadd.s32 v3, v22;
	_ =	sdelay $0x1  }
0x73: {  	v21 =	vadd.s32 v3, v21;
	_ =	sdelay $0x2  }
0x74: {  	[tilespmem:s24], [sflag:$0x2] =	stream.indirect_vreg.gather [hbm4b:s1+s4], $0x80, v22, vm0, $0xb8;
	[tilespmem:$0x1F380] =	vst v63  }
0x75: {  	_ = 	snop  }
0x76: {  	[tilespmem:s25], [sflag:$0x2] =	stream.indirect_vreg.gather [hbm4b:s1+s4], $0x80, v21, vm0, $0xb8;
	[tilespmem:$0x1F380] =	vst v63  }
0x77: {  	v21 =	vld [tilespmem:$0x4A0];
	_ =	sdelay $0x4  }
0x78: {  	v22 =	vshll.u32 v21, $0x1  }
0x79: {  	v21 =	vand.u32 $0x7, v21;
	v22 =	vand.u32 $0xFFFFFFF0, v22  }
0x7a: {  	v21 =	vor.u32 v21, v22  }
0x7b: {  	v22 =	vperm.xlane v21, v2;
	_ =	sdelay $0x1  }
0x7c: {  	v21 =	vperm.xlane v21, v4;
	v22 =	vadd.s32 v3, v22;
	_ =	sdelay $0x1  }
0x7d: {  	v21 =	vadd.s32 v3, v21;
	_ =	sdelay $0x2  }
0x7e: {  	[tilespmem:s26], [sflag:$0x2] =	stream.indirect_vreg.gather [hbm4b:s1+s4], $0x80, v22, vm0, $0xb8;
	[tilespmem:$0x1F380] =	vst v63  }
0x7f: {  	_ = 	snop  }
0x80: {  	[tilespmem:s28], [sflag:$0x2] =	stream.indirect_vreg.gather [hbm4b:s1+s4], $0x80, v21, vm0, $0xb8;
	[tilespmem:$0x1F380] =	vst v63  }
0x81: {  	v21 =	vld [tilespmem:$0x4B0];
	_ =	sdelay $0x4  }
0x82: {  	v22 =	vshll.u32 v21, $0x1  }
0x83: {  	v21 =	vand.u32 $0x7, v21;
	v22 =	vand.u32 $0xFFFFFFF0, v22  }
0x84: {  	v21 =	vor.u32 v21, v22  }
0x85: {  	v22 =	vperm.xlane v21, v2;
	_ =	sdelay $0x1  }
0x86: {  	v21 =	vperm.xlane v21, v4;
	v22 =	vadd.s32 v3, v22;
	_ =	sdelay $0x1  }
0x87: {  	v21 =	vadd.s32 v3, v21  }
.Ltmp2:
0x88: {  	_ = 	snop;
	(pc) =	sbr.rel @p0 .LBB2_5-.Ltmp2, $4  }
0x89: {  	_ = 	snop  }
0x8a: {  	[tilespmem:s29], [sflag:$0x2] =	stream.indirect_vreg.gather [hbm4b:s1+s4], $0x80, v22, vm0, $0xb8;
	[tilespmem:$0x1F380] =	vst v63  }
0x8b: {  	_ = 	snop  }
0x8c: {  	[tilespmem:s30], [sflag:$0x2] =	stream.indirect_vreg.gather [hbm4b:s1+s4], $0x80, v21, vm0, $0xb8;
	[tilespmem:$0x1F380] =	vst v63  }
0x8d: {  	s5 =	rddreg [dreg:$0x7];
	s10 =	simm.s32 $0x18500  }
0x8e: {  	[tilespmem:s10], [sflag:$0x5] =	stream.strided.gather [hbm4b:s5+s13], $0x1000, s12, s13, $0x38;
	[tilespmem:$0x1F380] =	vst v63  }
0x8f: {  	_ =	swait.ge [sflag:s15], $0x1000  }
0x90: {  	[sflag:s15] =	ssyncset.done $0x0  }
0x91: {  	s17 =	rddreg [dreg:$0x8];
	[sflag:s15] =	ssyncadd.s32 $0xFFFFF000  }
0x92: {  	[tilespmem:s2], [sflag:$0x5] =	stream.strided.gather [hbm4b:s17+s13], $0x4E80, s12, s13, $0x38;
	[tilespmem:$0x1F380] =	vst v63  }
0x93: {  	_ =	swait.ge [sflag:s15], $0x4E80  }
0x94: {  	[sflag:s15] =	ssyncset.done $0x0  }
0x95: {  	s18 =	simm.s32 $0x18520;
	[sflag:s15] =	ssyncadd.s32 $0xFFFFB180  }
0x96: {  	v21 =	vld [tilespmem:s18+$0x10];
	_ =	sdelay $0x1  }
0x97: {  	v23 =	vld [tilespmem:s18+$0xFFFFFFE0]  }
0x98: {  	v24 =	vld [tilespmem:s18+$0xFFFFFFF0]  }
0x99: {  	s19 =	simm.s32 $0x18560;
	v25 =	vld [tilespmem:s18+$0x0]  }
0x9a: {  	v28 =	vld [tilespmem:s19+$0x10]  }
0x9b: {  	v22 =	vld [tilespmem:s19+$0xFFFFFFF0]  }
0x9c: {  	v27 =	vld [tilespmem:s19+$0xFFFFFFE0]  }
0x9d: {  	v29 =	vld.idx.msk [tilespmem:v21+s2+$0x0], $0xffff  }
0x9e: {  	v21 =	vld [tilespmem:s19+$0x0]  }
0x9f: {  	v26 =	vld.idx.msk [tilespmem:v23+s2+$0x0], $0xffff  }
0xa0: {  	v23 =	vld.idx.msk [tilespmem:v24+s2+$0x0], $0xffff  }
0xa1: {  	s5 =	simm.s32 $0x1E3A0;
	v24 =	vld.idx.msk [tilespmem:v25+s2+$0x0], $0xffff  }
0xa2: {  	s11 =	simm.s32 $0x185A0;
	s10 =	simm.s32 $0x4;
	v25 =	vld.idx.msk [tilespmem:v28+s2+$0x0], $0xffff;
	[tilespmem:s5+$0x10] =	vst v29  }
.LBB2_3:
0xa3: {  	v28 =	vld [tilespmem:s11+$0x10];
	s10 =	sadd.s32 $0x4, s10  }
0xa4: {  	v29 =	vld [tilespmem:s11+$0xFFFFFFF0];
	p1 =	slt.u32 s10, $0xFC;
	[tilespmem:s5+$0xFFFFFFE0] =	vst v26  }
0xa5: {  	v30 =	vld [tilespmem:s11+$0x0];
	[tilespmem:s5+$0xFFFFFFF0] =	vst v23  }
0xa6: {  	v31 =	vld [tilespmem:s11+$0xFFFFFFE0];
	[tilespmem:s5+$0x0] =	vst v24  }
.Ltmp3:
0xa7: {  	s5 =	sadd.s32 $0x40, s5;
	v26 =	vld.idx.msk [tilespmem:v27+s2+$0x0], $0xffff;
	(pc) =	sbr.rel @p1 .LBB2_3-.Ltmp3, $4  }
0xa8: {  	v23 =	vld.idx.msk [tilespmem:v22+s2+$0x0], $0xffff;
	[tilespmem:s5+$0x10] =	vst v25  }
0xa9: {  	v24 =	vld.idx.msk [tilespmem:v21+s2+$0x0], $0xffff;
	v22 =	vmov v29  }
0xaa: {  	v21 =	vmov v30  }
0xab: {  	s11 =	sadd.s32 $0x40, s11;
	v25 =	vld.idx.msk [tilespmem:v28+s2+$0x0], $0xffff;
	v27 =	vmov v31  }
0xac: {  	_ =	sdelay $0x3  }
0xad: {  	v27 =	vld.idx.msk [tilespmem:v27+s2+$0x0], $0xffff  }
0xae: {  	[tilespmem:s5+$0xFFFFFFE0] =	vst v26;
	v22 =	vld.idx.msk [tilespmem:v22+s2+$0x0], $0xffff  }
0xaf: {  	v21 =	vld.idx.msk [tilespmem:v21+s2+$0x0], $0xffff;
	[tilespmem:s5+$0xFFFFFFF0] =	vst v23  }
0xb0: {  	s19 =	sadd.s32 $0x40, s5;
	[tilespmem:s5+$0x0] =	vst v24  }
0xb1: {  	[tilespmem:s19+$0x10] =	vst v25  }
0xb2: {  	[tilespmem:s19+$0xFFFFFFE0] =	vst v27  }
0xb3: {  	[tilespmem:s19+$0xFFFFFFF0] =	vst v22  }
0xb4: {  	[tilespmem:s19+$0x0] =	vst v21  }
0xb5: {  	s10 =	simm.s32 $0x1E380;
	s5 =	rddreg [dreg:$0x9]  }
0xb6: {  	[hbm4b:s5+s13] =	stream.strided.scatter [tilespmem:s10], [sflag:$0x5], $0x1000, s12, s13, $0x38;
	[tilespmem:$0x1F380] =	vst v63  }
0xb7: {  	_ =	swait.ge [sflag:s15], $0x1000  }
0xb8: {  	[sflag:s15] =	ssyncset.done $0x0  }
0xb9: {  	[sflag:s15] =	ssyncadd.s32 $0xFFFFF000  }
.LBB2_5:
.Ltmp4:
0xba: {  	(pc) =	sbr.rel .LBB2_6-.Ltmp4, $2  }
0xbb: {  	_ =	sdelay $0x2  }
0xbc: {  	s10 =	simm.s32 $0x0  }
.LBB2_18:
0xbd: {  	s10 =	sadd.s32 $0x1, s10  }
0xbe: {  	p1 =	sne.s32 s10, $0x4  }
.Ltmp5:
0xbf: {  	s5 =	sshll.u32 s11, $0xA;
	(pc) =	sbr.rel @!p1 .LBB2_19-.Ltmp5, $4  }
0xc0: {  	s5 =	sadd.s32 s9, s5  }
0xc1: {  	s5 =	sshrl.u32 s5, $0x3  }
0xc2: {  	s5 =	sadd.s32 s3, s5  }
0xc3: {  	[hbm4b:s5+s12] =	stream.strided.scatter [tilespmem:s8], [sflag:$0x4], $0x8000, s7, s12, $0x38;
	[tilespmem:$0x1F380] =	vst v63  }
.LBB2_6:
0xc4: {  	s5 =	simm.s32 $0x0;
	s17 =	simm.s32 $0x0  }
0xc5: {  	s11 =	sand.u32 $0x30, s5;
	s5 =	sand.u32 $0xE0, s17  }
0xc6: {  	v21 =	vor.u32 s11, v1;
	s18 =	sor.u32 $0x10, s5;
	v25 =	vmov s5  }
0xc7: {  	v31 =	vor.u32 s5, v7;
	v22 =	vmov s18;
	v23 =	vshll.u32 v21, $0x8  }
0xc8: {  	p1 =	seq.s32 s10, $0x0;
	v32 =	vor.u32 s5, v8;
	v23 =	vand.u32 $0x3800, v23;
	v22 =	vshll.u32 v22, $0x3  }
0xc9: {  	s13 =	simm.s32 @!p1 $0x3;
	v24 =	vor.u32 s18, v1;
	v23 =	vor.u32 v5, v23;
	v22 =	vand.u32 $0x400, v22  }
0xca: {  	_ =	swait.ge @!p1 [sflag:s13], $0x8000;
	v25 =	vshll.u32 v25, $0x3;
	v26 =	vand.u32 $0x7F, v24;
	v33 =	vor.u32 v22, v23  }
0xcb: {  	[sflag:s13] =	ssyncset.done @!p1 $0x0;
	v25 =	vand.u32 $0x400, v25;
	v22 =	vor.u32 s5, v1;
	v26 =	vor.u32 v26, v33  }
0xcc: {  	v54 =	vor.u32 s5, v9;
	[sflag:s13] =	ssyncadd.s32 @!p1 $0xFFFF8000;
	v23 =	vor.u32 v25, v23;
	v27 =	vand.u32 $0x6F, v22  }
0xcd: {  	v36 =	vor.u32 s5, v10;
	v56 =	vor.u32 s5, v12;
	_ =	swait.ge [sflag:s31], $0x4000;
	v27 =	vor.u32 v27, v23  }
0xce: {  	v60 =	vor.u32 s5, v15;
	v62 =	vor.u32 s5, v19;
	v29 =	vor.u32 s18, v6;
	[sflag:s31] =	ssyncset.done $0x0  }
0xcf: {  	v34 =	vand.u32 $0x6F, v31;
	v31 =	vshll.u32 v31, $0x7;
	v24 =	vshll.u32 v24, $0x7;
	[sflag:s31] =	ssyncadd.s32 $0xFFFFC000  }
0xd0: {  	v35 =	vand.u32 $0x6F, v32;
	v30 =	vand.u32 $0x7F, v29;
	v24 =	vor.u32 v21, v24;
	v26 =	vld.idx.msk [tilespmem:v26+s14+$0x0], $0xffff  }
0xd1: {  	v25 =	vor.u32 s5, v6;
	v22 =	vshll.u32 v22, $0x7;
	v30 =	vor.u32 v30, v33  }
0xd2: {  	v53 =	vor.u32 s18, v7;
	v28 =	vand.u32 $0x6F, v25;
	v22 =	vor.u32 v21, v22;
	v27 =	vld.idx.msk [tilespmem:v27+s14+$0x0], $0xffff  }
0xd3: {  	v32 =	vshll.u32 v32, $0x7;
	v37 =	vand.u32 $0x6F, v54;
	v28 =	vor.u32 v28, v23  }
0xd4: {  	v38 =	vand.u32 $0x6F, v36;
	v55 =	vor.u32 s18, v8;
	v51 =	vor.u32 s18, v12  }
0xd5: {  	v31 =	vor.u32 v21, v31;
	v29 =	vshll.u32 v29, $0x7;
	v57 =	vand.u32 $0x7F, v55;
	[tilespmem:v24+s0+$0x0] =	vst.idx.msk $0xffff, v26  }
0xd6: {  	v34 =	vor.u32 v34, v23;
	v24 =	vor.u32 v21, v29;
	v26 =	vand.u32 $0x7F, v53;
	v30 =	vld.idx.msk [tilespmem:v30+s14+$0x0], $0xffff  }
0xd7: {  	v25 =	vshll.u32 v25, $0x7;
	v41 =	vor.u32 v35, v23;
	v26 =	vor.u32 v26, v33;
	[tilespmem:v22+s0+$0x0] =	vst.idx.msk $0xffff, v27  }
0xd8: {  	v42 =	vor.u32 v37, v23;
	v44 =	vor.u32 v38, v23;
	v25 =	vor.u32 v21, v25;
	v28 =	vld.idx.msk [tilespmem:v28+s14+$0x0], $0xffff  }
0xd9: {  	v29 =	vor.u32 v21, v32;
	v32 =	vshll.u32 v54, $0x7;
	v22 =	vshll.u32 v36, $0x7  }
0xda: {  	v43 =	vor.u32 v21, v32;
	v47 =	vor.u32 v21, v22;
	v22 =	vand.u32 $0x6F, v56  }
0xdb: {  	v27 =	vshll.u32 v53, $0x7;
	v48 =	vor.u32 v22, v23;
	v22 =	vshll.u32 v56, $0x7;
	[tilespmem:v24+s0+$0x0] =	vst.idx.msk $0xffff, v30  }
0xdc: {  	v27 =	vor.u32 v21, v27;
	v49 =	vor.u32 v21, v22;
	v30 =	vor.u32 s5, v13;
	v26 =	vld.idx.msk [tilespmem:v26+s14+$0x0], $0xffff  }
0xdd: {  	v24 =	vor.u32 v57, v33;
	v22 =	vand.u32 $0x6F, v30;
	v30 =	vshll.u32 v30, $0x7;
	[tilespmem:v25+s0+$0x0] =	vst.idx.msk $0xffff, v28  }
0xde: {  	v32 =	vshll.u32 v55, $0x7;
	v25 =	vor.u32 s18, v9;
	v39 =	vor.u32 v21, v30;
	v30 =	vld.idx.msk [tilespmem:v34+s14+$0x0], $0xffff  }
0xdf: {  	v28 =	vor.u32 v21, v32;
	v50 =	vor.u32 v22, v23;
	v22 =	vor.u32 s5, v11  }
0xe0: {  	s15 =	simm.s32 $0x20;
	v58 =	vand.u32 $0x7F, v25;
	v59 =	vand.u32 $0x6F, v22;
	v22 =	vshll.u32 v22, $0x7  }
0xe1: {  	s16 =	sand.u32 $0xE0, s15;
	v40 =	vor.u32 v59, v23;
	v37 =	vor.u32 v21, v22;
	[tilespmem:v27+s0+$0x0] =	vst.idx.msk $0xffff, v26;
	v27 =	vor.u32 s5, v14  }
0xe2: {  	v26 =	vor.u32 v58, v33;
	v58 =	vmov s16;
	v24 =	vld.idx.msk [tilespmem:v24+s14+$0x0], $0xffff;
	v22 =	vand.u32 $0x6F, v27  }
0xe3: {  	v27 =	vshll.u32 v27, $0x7;
	[tilespmem:v31+s0+$0x0] =	vst.idx.msk $0xffff, v30;
	v31 =	vshll.u32 v60, $0x7;
	v38 =	vor.u32 v22, v23  }
0xe4: {  	v35 =	vor.u32 v21, v27;
	v22 =	vshll.u32 v25, $0x7;
	v27 =	vand.u32 $0x6F, v60  }
0xe5: {  	v25 =	vor.u32 s18, v10;
	v32 =	vor.u32 v21, v31;
	v36 =	vor.u32 v27, v23;
	v27 =	vld.idx.msk [tilespmem:v41+s14+$0x0], $0xffff  }
0xe6: {  	v60 =	vor.u32 s16, v1;
	v30 =	vand.u32 $0x7F, v25;
	v25 =	vshll.u32 v25, $0x7  }
0xe7: {  	v22 =	vor.u32 v21, v22;
	v52 =	vor.u32 v21, v25;
	v25 =	vand.u32 $0x7F, v51;
	[tilespmem:v28+s0+$0x0] =	vst.idx.msk $0xffff, v24  }
0xe8: {  	v61 =	vor.u32 v30, v33;
	v30 =	vor.u32 s5, v16;
	v53 =	vor.u32 v25, v33;
	v26 =	vld.idx.msk [tilespmem:v26+s14+$0x0], $0xffff  }
0xe9: {  	v24 =	vor.u32 s5, v17;
	v28 =	vand.u32 $0x6F, v30;
	v30 =	vshll.u32 v30, $0x7  }
0xea: {  	v45 =	vand.u32 $0x6F, v24;
	v24 =	vshll.u32 v24, $0x7;
	[tilespmem:v29+s0+$0x0] =	vst.idx.msk $0xffff, v27;
	v27 =	vor.u32 s5, v18  }
0xeb: {  	v34 =	vor.u32 v28, v23;
	v28 =	vor.u32 v21, v24;
	v25 =	vld.idx.msk [tilespmem:v42+s14+$0x0], $0xffff;
	v24 =	vand.u32 $0x6F, v27  }
0xec: {  	v31 =	vor.u32 v21, v30;
	v29 =	vor.u32 v24, v23;
	v24 =	vand.u32 $0x6F, v62  }
0xed: {  	v30 =	vor.u32 v45, v23;
	v45 =	vor.u32 v24, v23;
	v24 =	vshll.u32 v62, $0x7;
	[tilespmem:v22+s0+$0x0] =	vst.idx.msk $0xffff, v26  }
0xee: {  	v62 =	vshll.u32 v60, $0x7;
	v22 =	vshll.u32 v27, $0x7;
	v27 =	vor.u32 s18, v13;
	v26 =	vld.idx.msk [tilespmem:v61+s14+$0x0], $0xffff  }
0xef: {  	v46 =	vor.u32 v21, v22;
	v22 =	vshll.u32 v51, $0x7;
	v56 =	vand.u32 $0x7F, v27  }
0xf0: {  	v27 =	vshll.u32 v27, $0x7;
	v61 =	vand.u32 $0x6F, v60;
	v63 =	vor.u32 v21, v22;
	[tilespmem:v43+s0+$0x0] =	vst.idx.msk $0xffff, v25  }
0xf1: {  	v22 =	vor.u32 v21, v24;
	v24 =	vor.u32 s5, v20;
	v42 =	vor.u32 v56, v33;
	v43 =	vld.idx.msk [tilespmem:v44+s14+$0x0], $0xffff  }
0xf2: {  	s13 =	simm.s32 $0x2;
	s5 =	sor.u32 $0x10, s16;
	v55 =	vor.u32 v21, v27;
	v25 =	vand.u32 $0x6F, v24;
	v24 =	vshll.u32 v24, $0x7  }
0xf3: {  	s19 =	sand.u32 $0x30, s13;
	v44 =	vor.u32 s18, v11;
	v51 =	vor.u32 s5, v1;
	v25 =	vor.u32 v25, v23;
	[tilespmem:v52+s0+$0x0] =	vst.idx.msk $0xffff, v26  }
0xf4: {  	v24 =	vor.u32 v21, v24;
	v23 =	vor.u32 s19, v1;
	v54 =	vand.u32 $0x7F, v44;
	v52 =	vld.idx.msk [tilespmem:v53+s14+$0x0], $0xffff  }
0xf5: {  	v59 =	vand.u32 $0x7F, v51;
	v57 =	vshll.u32 v23, $0x8;
	v26 =	vmov s5  }
0xf6: {  	v44 =	vshll.u32 v44, $0x7;
	v53 =	vand.u32 $0x3800, v57;
	v26 =	vshll.u32 v26, $0x3;
	[tilespmem:v47+s0+$0x0] =	vst.idx.msk $0xffff, v43  }
0xf7: {  	v27 =	vor.u32 v5, v53;
	v26 =	vand.u32 $0x400, v26;
	v43 =	vshll.u32 v58, $0x3;
	v48 =	vld.idx.msk [tilespmem:v48+s14+$0x0], $0xffff  }
0xf8: {  	v44 =	vor.u32 v21, v44;
	v26 =	vor.u32 v26, v27;
	v43 =	vand.u32 $0x400, v43  }
0xf9: {  	v60 =	vshll.u32 v51, $0x7;
	v47 =	vor.u32 v59, v26;
	v27 =	vor.u32 v43, v27;
	[tilespmem:v63+s0+$0x0] =	vst.idx.msk $0xffff, v52  }
0xfa: {  	v53 =	vor.u32 v54, v33;
	v54 =	vor.u32 s18, v14;
	v41 =	vor.u32 v61, v27;
	v42 =	vld.idx.msk [tilespmem:v42+s14+$0x0], $0xffff  }
0xfb: {  	v58 =	vor.u32 s16, v8;
	v57 =	vand.u32 $0x7F, v54;
	v54 =	vshll.u32 v54, $0x7  }
0xfc: {  	v43 =	vor.u32 v23, v62;
	v51 =	vor.u32 v57, v33;
	v63 =	vor.u32 s16, v6;
	[tilespmem:v49+s0+$0x0] =	vst.idx.msk $0xffff, v48  }
0xfd: {  	v59 =	vand.u32 $0x6F, v58;
	v56 =	vand.u32 $0x6F, v63;
	v62 =	vshll.u32 v63, $0x7;
	v50 =	vld.idx.msk [tilespmem:v50+s14+$0x0], $0xffff  }
0xfe: {  	v63 =	vor.u32 s16, v7;
	v49 =	vor.u32 s5, v6;
	v48 =	vor.u32 v23, v60;
	v47 =	vld.idx.msk [tilespmem:v47+s14+$0x0], $0xffff  }
0xff: {  	v56 =	vor.u32 v56, v27;
	v60 =	vand.u32 $0x6F, v63;
	v52 =	vshll.u32 v63, $0x7;
	v41 =	vld.idx.msk [tilespmem:v41+s14+$0x0], $0xffff;
	[tilespmem:v55+s0+$0x0] =	vst.idx.msk $0xffff, v42  }
0x100: {  	v61 =	vand.u32 $0x7F, v49;
	v57 =	vor.u32 v60, v27;
	v52 =	vor.u32 v23, v52;
	v53 =	vld.idx.msk [tilespmem:v53+s14+$0x0], $0xffff  }
0x101: {  	v60 =	vor.u32 s18, v15;
	v55 =	vor.u32 v61, v26;
	v42 =	vor.u32 v23, v62  }
0x102: {  	v61 =	vand.u32 $0x7F, v60;
	v62 =	vshll.u32 v58, $0x7;
	[tilespmem:v39+s0+$0x0] =	vst.idx.msk $0xffff, v50;
	v39 =	vor.u32 v59, v27  }
0x103: {  	v50 =	vor.u32 v21, v54;
	v59 =	vor.u32 s5, v7;
	v54 =	vor.u32 v61, v33;
	[tilespmem:v48+s0+$0x0] =	vst.idx.msk $0xffff, v47  }
0x104: {  	v61 =	vor.u32 s16, v9;
	v48 =	vor.u32 s16, v10;
	v40 =	vld.idx.msk [tilespmem:v40+s14+$0x0], $0xffff;
	v63 =	vand.u32 $0x7F, v59;
	[tilespmem:v43+s0+$0x0] =	vst.idx.msk $0xffff, v41  }
0x105: {  	v41 =	vshll.u32 v48, $0x7;
	[tilespmem:v44+s0+$0x0] =	vst.idx.msk $0xffff, v53;
	v53 =	vor.u32 v63, v26;
	v63 =	vand.u32 $0x6F, v48;
	v48 =	vld.idx.msk [tilespmem:v56+s14+$0x0], $0xffff  }
0x106: {  	v49 =	vshll.u32 v49, $0x7;
	v58 =	vor.u32 v23, v62;
	v62 =	vand.u32 $0x6F, v61;
	v51 =	vld.idx.msk [tilespmem:v51+s14+$0x0], $0xffff  }
0x107: {  	v49 =	vor.u32 v23, v49;
	v59 =	vshll.u32 v59, $0x7;
	v47 =	vor.u32 v62, v27;
	v55 =	vld.idx.msk [tilespmem:v55+s14+$0x0], $0xffff  }
0x108: {  	v44 =	vshll.u32 v61, $0x7;
	v56 =	vor.u32 v23, v59;
	v59 =	vor.u32 v23, v41  }
0x109: {  	v60 =	vshll.u32 v60, $0x7;
	v61 =	vor.u32 v23, v44;
	v62 =	vor.u32 v63, v27;
	[tilespmem:v37+s0+$0x0] =	vst.idx.msk $0xffff, v40  }
0x10a: {  	v40 =	vor.u32 s18, v16;
	v37 =	vor.u32 v21, v60;
	v38 =	vld.idx.msk [tilespmem:v38+s14+$0x0], $0xffff;
	[tilespmem:v42+s0+$0x0] =	vst.idx.msk $0xffff, v48  }
0x10b: {  	v63 =	vand.u32 $0x7F, v40;
	v40 =	vshll.u32 v40, $0x7;
	v48 =	vor.u32 s18, v17;
	[tilespmem:v50+s0+$0x0] =	vst.idx.msk $0xffff, v51  }
0x10c: {  	v43 =	vor.u32 v63, v33;
	[tilespmem:v49+s0+$0x0] =	vst.idx.msk $0xffff, v55;
	v50 =	vor.u32 s5, v8;
	v55 =	vand.u32 $0x7F, v48;
	v51 =	vld.idx.msk [tilespmem:v54+s14+$0x0], $0xffff  }
0x10d: {  	v53 =	vld.idx.msk [tilespmem:v53+s14+$0x0], $0xffff;
	v54 =	vor.u32 s16, v12;
	v60 =	vand.u32 $0x7F, v50;
	v55 =	vor.u32 v55, v33  }
0x10e: {  	v63 =	vand.u32 $0x6F, v54;
	v49 =	vor.u32 v60, v26;
	v60 =	vshll.u32 v54, $0x7  }
0x10f: {  	[tilespmem:v35+s0+$0x0] =	vst.idx.msk $0xffff, v38;
	v54 =	vld.idx.msk [tilespmem:v57+s14+$0x0], $0xffff;
	v35 =	vor.u32 v21, v40;
	v57 =	vshll.u32 v50, $0x7;
	v50 =	vor.u32 s5, v9  }
0x110: {  	v44 =	vor.u32 v63, v27;
	v63 =	vor.u32 s16, v13;
	v41 =	vor.u32 v23, v60;
	v36 =	vld.idx.msk [tilespmem:v36+s14+$0x0], $0xffff  }
0x111: {  	v38 =	vor.u32 v23, v57;
	v57 =	vshll.u32 v50, $0x7;
	v60 =	vand.u32 $0x6F, v63;
	[tilespmem:v37+s0+$0x0] =	vst.idx.msk $0xffff, v51  }
0x112: {  	v63 =	vshll.u32 v63, $0x7;
	[tilespmem:v56+s0+$0x0] =	vst.idx.msk $0xffff, v53;
	v42 =	vor.u32 v60, v27;
	v60 =	vand.u32 $0x7F, v50;
	v51 =	vld.idx.msk [tilespmem:v43+s14+$0x0], $0xffff  }
0x113: {  	v40 =	vor.u32 v23, v63;
	v37 =	vor.u32 s16, v11;
	v56 =	vor.u32 v60, v26;
	v49 =	vld.idx.msk [tilespmem:v49+s14+$0x0], $0xffff  }
0x114: {  	v60 =	vor.u32 s16, v14;
	v63 =	vand.u32 $0x6F, v37;
	v37 =	vshll.u32 v37, $0x7;
	[tilespmem:v52+s0+$0x0] =	vst.idx.msk $0xffff, v54  }
0x115: {  	v52 =	vor.u32 s16, v15;
	v54 =	vshll.u32 v48, $0x7;
	v48 =	vor.u32 s18, v18;
	[tilespmem:v32+s0+$0x0] =	vst.idx.msk $0xffff, v36;
	v53 =	vld.idx.msk [tilespmem:v39+s14+$0x0], $0xffff  }
0x116: {  	v43 =	vor.u32 v63, v27;
	v37 =	vor.u32 v23, v37;
	v63 =	vand.u32 $0x6F, v60;
	v34 =	vld.idx.msk [tilespmem:v34+s14+$0x0], $0xffff  }
0x117: {  	v32 =	vshll.u32 v60, $0x7;
	v60 =	vand.u32 $0x6F, v52;
	v39 =	vor.u32 v63, v27;
	[tilespmem:v35+s0+$0x0] =	vst.idx.msk $0xffff, v51  }
0x118: {  	v35 =	vor.u32 v23, v32;
	v32 =	vor.u32 v21, v54;
	[tilespmem:v38+s0+$0x0] =	vst.idx.msk $0xffff, v49;
	v51 =	vld.idx.msk [tilespmem:v55+s14+$0x0], $0xffff  }
0x119: {  	v49 =	vor.u32 s5, v10;
	v38 =	vor.u32 v60, v27;
	v55 =	vand.u32 $0x7F, v48;
	v54 =	vld.idx.msk [tilespmem:v56+s14+$0x0], $0xffff  }
0x11a: {  	v63 =	vand.u32 $0x7F, v49;
	[tilespmem:v58+s0+$0x0] =	vst.idx.msk $0xffff, v53;
	v50 =	vor.u32 v55, v33;
	v55 =	vor.u32 v23, v57  }
0x11b: {  	v49 =	vshll.u32 v49, $0x7;
	[tilespmem:v31+s0+$0x0] =	vst.idx.msk $0xffff, v34;
	v31 =	vshll.u32 v52, $0x7;
	v52 =	vor.u32 v63, v26;
	v47 =	vld.idx.msk [tilespmem:v47+s14+$0x0], $0xffff  }
0x11c: {  	v57 =	vshll.u32 v48, $0x7;
	v30 =	vld.idx.msk [tilespmem:v30+s14+$0x0], $0xffff;
	v34 =	vor.u32 v23, v31;
	v31 =	vor.u32 s16, v16  }
0x11d: {  	v49 =	vor.u32 v23, v49;
	v48 =	vor.u32 v21, v57;
	v60 =	vand.u32 $0x6F, v31  }
0x11e: {  	v31 =	vshll.u32 v31, $0x7;
	v36 =	vor.u32 v60, v27;
	[tilespmem:v32+s0+$0x0] =	vst.idx.msk $0xffff, v51;
	v51 =	vor.u32 s18, v19  }
0x11f: {  	v53 =	vor.u32 s16, v17;
	v31 =	vor.u32 v23, v31;
	v50 =	vld.idx.msk [tilespmem:v50+s14+$0x0], $0xffff;
	[tilespmem:v55+s0+$0x0] =	vst.idx.msk $0xffff, v54;
	v58 =	vand.u32 $0x7F, v51  }
0x120: {  	v63 =	vand.u32 $0x6F, v53;
	v55 =	vor.u32 s5, v12;
	[tilespmem:v61+s0+$0x0] =	vst.idx.msk $0xffff, v47;
	v52 =	vld.idx.msk [tilespmem:v52+s14+$0x0], $0xffff;
	v60 =	vor.u32 v58, v33  }
0x121: {  	v32 =	vor.u32 v63, v27;
	[tilespmem:v28+s0+$0x0] =	vst.idx.msk $0xffff, v30;
	v28 =	vand.u32 $0x7F, v55;
	v57 =	vld.idx.msk [tilespmem:v62+s14+$0x0], $0xffff  }
0x122: {  	v61 =	vor.u32 s16, v18;
	v56 =	vld.idx.msk [tilespmem:v29+s14+$0x0], $0xffff;
	v29 =	vshll.u32 v53, $0x7;
	v53 =	vor.u32 v28, v26  }
0x123: {  	v47 =	vshll.u32 v61, $0x7;
	v62 =	vor.u32 s16, v19;
	v28 =	vand.u32 $0x6F, v61  }
0x124: {  	v55 =	vshll.u32 v55, $0x7;
	v30 =	vor.u32 v23, v29;
	v29 =	vor.u32 v28, v27;
	[tilespmem:v48+s0+$0x0] =	vst.idx.msk $0xffff, v50  }
0x125: {  	v28 =	vor.u32 v23, v47;
	v47 =	vor.u32 s18, v20;
	v48 =	vld.idx.msk [tilespmem:v60+s14+$0x0], $0xffff;
	v60 =	vshll.u32 v51, $0x7  }
0x126: {  	v63 =	vand.u32 $0x6F, v62;
	v61 =	vand.u32 $0x7F, v47;
	[tilespmem:v49+s0+$0x0] =	vst.idx.msk $0xffff, v52;
	v50 =	vor.u32 v21, v60  }
0x127: {  	v62 =	vshll.u32 v62, $0x7;
	v52 =	vor.u32 v61, v33;
	[tilespmem:v59+s0+$0x0] =	vst.idx.msk $0xffff, v57;
	v54 =	vld.idx.msk [tilespmem:v53+s14+$0x0], $0xffff;
	v53 =	vor.u32 s5, v13  }
0x128: {  	v55 =	vor.u32 v23, v55;
	v51 =	vor.u32 v63, v27;
	[tilespmem:v46+s0+$0x0] =	vst.idx.msk $0xffff, v56;
	v63 =	vand.u32 $0x7F, v53  }
0x129: {  	s11 =	sshll.u32 s10, $0x1;
	v33 =	vor.u32 s16, v20;
	v49 =	vld.idx.msk [tilespmem:v45+s14+$0x0], $0xffff;
	v45 =	vor.u32 v23, v62;
	v46 =	vor.u32 v63, v26  }
.LBB2_7:
0x12a: {  	s13 =	sadd.s32 $0x2, s13;
	v44 =	vld.idx.msk [tilespmem:v44+s14+$0x0], $0xffff;
	v56 =	vand.u32 $0x6F, v33;
	v57 =	vshll.u32 v33, $0x7;
	s15 =	sadd.s32 $0x20, s15;
	v33 =	vmov v51  }
0x12b: {  	s17 =	sand.u32 $0x30, s13;
	s16 =	sand.u32 $0xE0, s15;
	p2 =	slt.u32 s13, $0x3E;
	v27 =	vor.u32 v56, v27;
	v51 =	vor.u32 v23, v57;
	[tilespmem:v50+s0+$0x0] =	vst.idx.msk $0xffff, v48  }
0x12c: {  	v47 =	vshll.u32 v47, $0x7;
	v50 =	vor.u32 s5, v11;
	v48 =	vor.u32 s17, v1;
	s17 =	sor.u32 $0x10, s16;
	v52 =	vld.idx.msk [tilespmem:v52+s14+$0x0], $0xffff  }
0x12d: {  	v47 =	vor.u32 v21, v47;
	v21 =	vmovc v23;
	v56 =	vmov s17;
	v57 =	vor.u32 s17, v1;
	[tilespmem:v55+s0+$0x0] =	vst.idx.msk $0xffff, v54;
	v23 =	vmovc v48  }
0x12e: {  	v53 =	vshll.u32 v53, $0x7;
	v54 =	vand.u32 $0x7F, v50;
	v48 =	vshll.u32 v23, $0x8;
	v46 =	vld.idx.msk [tilespmem:v46+s14+$0x0], $0xffff;
	[tilespmem:v22+s0+$0x0] =	vst.idx.msk $0xffff, v49;
	v22 =	vmovc v45  }
0x12f: {  	v49 =	vor.u32 v21, v53;
	v45 =	vand.u32 $0x3800, v48;
	v48 =	vshll.u32 v56, $0x3;
	v53 =	vld.idx.msk [tilespmem:v25+s14+$0x0], $0xffff;
	v25 =	vmovc v27  }
0x130: {  	v27 =	vor.u32 v5, v45;
	v45 =	vand.u32 $0x400, v48;
	[tilespmem:v41+s0+$0x0] =	vst.idx.msk $0xffff, v44;
	v41 =	vor.u32 v54, v26  }
0x131: {  	v44 =	vmov s16;
	v48 =	vand.u32 $0x7F, v57;
	v45 =	vor.u32 v45, v27;
	v42 =	vld.idx.msk [tilespmem:v42+s14+$0x0], $0xffff  }
0x132: {  	v54 =	vor.u32 s16, v1;
	v44 =	vshll.u32 v44, $0x3;
	v48 =	vor.u32 v48, v45;
	[tilespmem:v47+s0+$0x0] =	vst.idx.msk $0xffff, v52  }
0x133: {  	v47 =	vand.u32 $0x6F, v54;
	v44 =	vand.u32 $0x400, v44;
	v52 =	vshll.u32 v54, $0x7  }
0x134: {  	v27 =	vor.u32 v44, v27;
	v44 =	vor.u32 v23, v52;
	v52 =	vor.u32 s16, v6;
	[tilespmem:v49+s0+$0x0] =	vst.idx.msk $0xffff, v46  }
0x135: {  	v46 =	vor.u32 v47, v27;
	v47 =	vshll.u32 v50, $0x7;
	v49 =	vor.u32 s5, v14;
	v41 =	vld.idx.msk [tilespmem:v41+s14+$0x0], $0xffff;
	[tilespmem:v24+s0+$0x0] =	vst.idx.msk $0xffff, v53  }
0x136: {  	v50 =	vand.u32 $0x6F, v52;
	v47 =	vor.u32 v21, v47;
	v53 =	vand.u32 $0x7F, v49;
	v24 =	vmovc v51  }
0x137: {  	v54 =	vor.u32 s17, v6;
	v51 =	vshll.u32 v57, $0x7;
	v48 =	vld.idx.msk [tilespmem:v48+s14+$0x0], $0xffff;
	[tilespmem:v40+s0+$0x0] =	vst.idx.msk $0xffff, v42;
	v40 =	vor.u32 v53, v26  }
0x138: {  	v42 =	vor.u32 v50, v27;
	v50 =	vor.u32 v23, v51;
	v51 =	vand.u32 $0x7F, v54;
	v43 =	vld.idx.msk [tilespmem:v43+s14+$0x0], $0xffff  }
0x139: {  	v52 =	vshll.u32 v52, $0x7;
	v53 =	vor.u32 s16, v7;
	v51 =	vor.u32 v51, v45  }
0x13a: {  	v52 =	vor.u32 v23, v52;
	v55 =	vand.u32 $0x6F, v53;
	v53 =	vshll.u32 v53, $0x7;
	v46 =	vld.idx.msk [tilespmem:v46+s14+$0x0], $0xffff  }
0x13b: {  	v56 =	vor.u32 s16, v8;
	v55 =	vor.u32 v55, v27;
	v53 =	vor.u32 v23, v53;
	[tilespmem:v47+s0+$0x0] =	vst.idx.msk $0xffff, v41  }
0x13c: {  	v41 =	vand.u32 $0x6F, v56;
	v47 =	vshll.u32 v49, $0x7;
	v49 =	vor.u32 s5, v15;
	v40 =	vld.idx.msk [tilespmem:v40+s14+$0x0], $0xffff  }
0x13d: {  	v57 =	vor.u32 v41, v27;
	v41 =	vor.u32 v21, v47;
	v47 =	vand.u32 $0x7F, v49;
	[tilespmem:v50+s0+$0x0] =	vst.idx.msk $0xffff, v48  }
0x13e: {  	v48 =	vshll.u32 v54, $0x7;
	v50 =	vld.idx.msk [tilespmem:v51+s14+$0x0], $0xffff;
	v51 =	vor.u32 s17, v7;
	[tilespmem:v37+s0+$0x0] =	vst.idx.msk $0xffff, v43;
	v37 =	vor.u32 v47, v26  }
0x13f: {  	v43 =	vshll.u32 v56, $0x7;
	v54 =	vor.u32 v23, v48;
	v47 =	vand.u32 $0x7F, v51;
	v39 =	vld.idx.msk [tilespmem:v39+s14+$0x0], $0xffff  }
0x140: {  	v56 =	vor.u32 v23, v43;
	v43 =	vor.u32 s16, v9;
	[tilespmem:v44+s0+$0x0] =	vst.idx.msk $0xffff, v46;
	v44 =	vor.u32 v47, v45  }
0x141: {  	v58 =	vor.u32 s16, v10;
	v46 =	vand.u32 $0x6F, v43;
	v43 =	vshll.u32 v43, $0x7;
	v42 =	vld.idx.msk [tilespmem:v42+s14+$0x0], $0xffff  }
0x142: {  	v59 =	vor.u32 v46, v27;
	v48 =	vor.u32 v23, v43;
	v43 =	vand.u32 $0x6F, v58;
	[tilespmem:v41+s0+$0x0] =	vst.idx.msk $0xffff, v40  }
0x143: {  	v47 =	vor.u32 v43, v27;
	v40 =	vshll.u32 v49, $0x7;
	v43 =	vor.u32 s5, v16;
	v37 =	vld.idx.msk [tilespmem:v37+s14+$0x0], $0xffff  }
0x144: {  	v41 =	vshll.u32 v58, $0x7;
	v40 =	vor.u32 v21, v40;
	v46 =	vand.u32 $0x7F, v43;
	[tilespmem:v54+s0+$0x0] =	vst.idx.msk $0xffff, v50  }
0x145: {  	v50 =	vor.u32 s17, v8;
	v49 =	vld.idx.msk [tilespmem:v44+s14+$0x0], $0xffff;
	v44 =	vshll.u32 v51, $0x7;
	[tilespmem:v35+s0+$0x0] =	vst.idx.msk $0xffff, v39;
	v35 =	vor.u32 v46, v26  }
0x146: {  	v39 =	vor.u32 s16, v12;
	v51 =	vor.u32 v23, v44;
	v44 =	vand.u32 $0x7F, v50;
	v38 =	vld.idx.msk [tilespmem:v38+s14+$0x0], $0xffff  }
0x147: {  	v46 =	vor.u32 v23, v41;
	v41 =	vand.u32 $0x6F, v39;
	[tilespmem:v52+s0+$0x0] =	vst.idx.msk $0xffff, v42;
	v52 =	vor.u32 v44, v45  }
0x148: {  	v39 =	vshll.u32 v39, $0x7;
	v44 =	vor.u32 v41, v27;
	v42 =	vor.u32 s16, v13;
	v54 =	vld.idx.msk [tilespmem:v55+s14+$0x0], $0xffff  }
0x149: {  	v41 =	vor.u32 v23, v39;
	v39 =	vand.u32 $0x6F, v42;
	v55 =	vshll.u32 v42, $0x7;
	[tilespmem:v40+s0+$0x0] =	vst.idx.msk $0xffff, v37  }
0x14a: {  	v58 =	vor.u32 s5, v17;
	v42 =	vor.u32 v39, v27;
	v37 =	vshll.u32 v43, $0x7;
	v35 =	vld.idx.msk [tilespmem:v35+s14+$0x0], $0xffff  }
0x14b: {  	v39 =	vor.u32 s16, v11;
	[tilespmem:v51+s0+$0x0] =	vst.idx.msk $0xffff, v49;
	v49 =	vor.u32 v21, v37;
	v37 =	vand.u32 $0x7F, v58  }
0x14c: {  	v43 =	vshll.u32 v50, $0x7;
	v50 =	vor.u32 s17, v9;
	v51 =	vld.idx.msk [tilespmem:v52+s14+$0x0], $0xffff;
	[tilespmem:v34+s0+$0x0] =	vst.idx.msk $0xffff, v38;
	v34 =	vor.u32 v37, v26  }
0x14d: {  	v40 =	vor.u32 v23, v55;
	v38 =	vor.u32 v23, v43;
	v37 =	vand.u32 $0x7F, v50;
	v36 =	vld.idx.msk [tilespmem:v36+s14+$0x0], $0xffff  }
0x14e: {  	v43 =	vand.u32 $0x6F, v39;
	v39 =	vshll.u32 v39, $0x7;
	v52 =	vor.u32 v37, v45;
	[tilespmem:v53+s0+$0x0] =	vst.idx.msk $0xffff, v54  }
0x14f: {  	v43 =	vor.u32 v43, v27;
	v37 =	vor.u32 v23, v39;
	v39 =	vor.u32 s16, v14;
	v53 =	vld.idx.msk [tilespmem:v57+s14+$0x0], $0xffff  }
0x150: {  	v54 =	vand.u32 $0x6F, v39;
	v55 =	vshll.u32 v39, $0x7;
	v57 =	vor.u32 s16, v15;
	[tilespmem:v49+s0+$0x0] =	vst.idx.msk $0xffff, v35  }
0x151: {  	v39 =	vor.u32 v54, v27;
	v54 =	vor.u32 s5, v18;
	v49 =	vld.idx.msk [tilespmem:v34+s14+$0x0], $0xffff;
	v34 =	vshll.u32 v58, $0x7  }
0x152: {  	v35 =	vor.u32 v23, v55;
	[tilespmem:v38+s0+$0x0] =	vst.idx.msk $0xffff, v51;
	v51 =	vor.u32 v21, v34;
	v34 =	vand.u32 $0x7F, v54  }
0x153: {  	v38 =	vshll.u32 v50, $0x7;
	v50 =	vor.u32 s17, v10;
	v52 =	vld.idx.msk [tilespmem:v52+s14+$0x0], $0xffff;
	[tilespmem:v31+s0+$0x0] =	vst.idx.msk $0xffff, v36;
	v31 =	vor.u32 v34, v26  }
0x154: {  	v34 =	vand.u32 $0x6F, v57;
	v55 =	vor.u32 v23, v38;
	v36 =	vand.u32 $0x7F, v50;
	v32 =	vld.idx.msk [tilespmem:v32+s14+$0x0], $0xffff  }
0x155: {  	v38 =	vor.u32 v34, v27;
	v34 =	vshll.u32 v57, $0x7;
	[tilespmem:v56+s0+$0x0] =	vst.idx.msk $0xffff, v53;
	v53 =	vor.u32 v36, v45  }
0x156: {  	v57 =	vor.u32 s16, v17;
	v34 =	vor.u32 v23, v34;
	v36 =	vor.u32 s16, v16;
	v56 =	vld.idx.msk [tilespmem:v59+s14+$0x0], $0xffff  }
0x157: {  	v60 =	vand.u32 $0x6F, v57;
	v58 =	vand.u32 $0x6F, v36;
	v59 =	vshll.u32 v36, $0x7;
	[tilespmem:v51+s0+$0x0] =	vst.idx.msk $0xffff, v49  }
0x158: {  	v36 =	vor.u32 v58, v27;
	v51 =	vshll.u32 v54, $0x7;
	v54 =	vor.u32 s5, v19;
	v49 =	vld.idx.msk [tilespmem:v31+s14+$0x0], $0xffff  }
0x159: {  	v31 =	vor.u32 v23, v59;
	v51 =	vor.u32 v21, v51;
	[tilespmem:v55+s0+$0x0] =	vst.idx.msk $0xffff, v52;
	v52 =	vand.u32 $0x7F, v54  }
0x15a: {  	v50 =	vshll.u32 v50, $0x7;
	v55 =	vor.u32 s17, v12;
	v53 =	vld.idx.msk [tilespmem:v53+s14+$0x0], $0xffff;
	[tilespmem:v30+s0+$0x0] =	vst.idx.msk $0xffff, v32;
	v52 =	vor.u32 v52, v26  }
0x15b: {  	v50 =	vor.u32 v23, v50;
	v32 =	vor.u32 v60, v27;
	v30 =	vand.u32 $0x7F, v55;
	v58 =	vld.idx.msk [tilespmem:v29+s14+$0x0], $0xffff  }
0x15c: {  	v29 =	vshll.u32 v57, $0x7;
	[tilespmem:v48+s0+$0x0] =	vst.idx.msk $0xffff, v56;
	v48 =	vor.u32 s16, v18;
	v56 =	vor.u32 v30, v45  }
0x15d: {  	v30 =	vor.u32 v23, v29;
	v57 =	vld.idx.msk [tilespmem:v47+s14+$0x0], $0xffff;
	v29 =	vand.u32 $0x6F, v48;
	v47 =	vshll.u32 v48, $0x7  }
0x15e: {  	v60 =	vor.u32 s16, v19;
	v29 =	vor.u32 v29, v27;
	v59 =	vor.u32 v23, v47;
	[tilespmem:v51+s0+$0x0] =	vst.idx.msk $0xffff, v49  }
.Ltmp6:
0x15f: {  	v49 =	vand.u32 $0x6F, v60;
	v47 =	vor.u32 s5, v20;
	s5 =	smov.u32 s17;
	v48 =	vld.idx.msk [tilespmem:v52+s14+$0x0], $0xffff;
	v52 =	vshll.u32 v54, $0x7;
	(pc) =	sbr.rel @p2 .LBB2_7-.Ltmp6, $4  }
0x160: {  	v51 =	vor.u32 v49, v27;
	v49 =	vand.u32 $0x7F, v47;
	[tilespmem:v50+s0+$0x0] =	vst.idx.msk $0xffff, v53;
	v50 =	vor.u32 v21, v52  }
0x161: {  	v55 =	vshll.u32 v55, $0x7;
	v53 =	vor.u32 s5, v13;
	v52 =	vor.u32 v49, v26;
	v54 =	vld.idx.msk [tilespmem:v56+s14+$0x0], $0xffff;
	[tilespmem:v28+s0+$0x0] =	vst.idx.msk $0xffff, v58  }
0x162: {  	v55 =	vor.u32 v23, v55;
	v26 =	vmovc v45;
	v56 =	vshll.u32 v60, $0x7;
	v58 =	vand.u32 $0x7F, v53;
	v28 =	vmovc v59;
	v49 =	vld.idx.msk [tilespmem:v33+s14+$0x0], $0xffff  }
0x163: {  	v45 =	vor.u32 v23, v56;
	v33 =	vor.u32 s16, v20;
	[tilespmem:v46+s0+$0x0] =	vst.idx.msk $0xffff, v57;
	v46 =	vor.u32 v58, v26  }
0x164: {  	_ =	sdelay $0x3  }
0x165: {  	v44 =	vld.idx.msk [tilespmem:v44+s14+$0x0], $0xffff;
	_ =	sdelay $0x3  }
0x166: {  	v56 =	vor.u32 s5, v11;
	v53 =	vshll.u32 v53, $0x7;
	[tilespmem:v55+s0+$0x0] =	vst.idx.msk $0xffff, v54  }
0x167: {  	v63 =	vand.u32 $0x7F, v56;
	v53 =	vor.u32 v23, v53;
	v46 =	vld.idx.msk [tilespmem:v46+s14+$0x0], $0xffff;
	[tilespmem:v41+s0+$0x0] =	vst.idx.msk $0xffff, v44  }
0x168: {  	v55 =	vor.u32 v63, v26;
	v42 =	vld.idx.msk [tilespmem:v42+s14+$0x0], $0xffff;
	_ =	sdelay $0x3  }
0x169: {  	v57 =	vor.u32 s5, v14;
	v56 =	vshll.u32 v56, $0x7;
	[tilespmem:v53+s0+$0x0] =	vst.idx.msk $0xffff, v46  }
0x16a: {  	v58 =	vand.u32 $0x7F, v57;
	v44 =	vor.u32 v23, v56;
	v41 =	vld.idx.msk [tilespmem:v55+s14+$0x0], $0xffff;
	[tilespmem:v40+s0+$0x0] =	vst.idx.msk $0xffff, v42  }
0x16b: {  	v59 =	vor.u32 v58, v26;
	v42 =	vld.idx.msk [tilespmem:v43+s14+$0x0], $0xffff;
	_ =	sdelay $0x3  }
0x16c: {  	v61 =	vor.u32 s5, v15;
	v60 =	vshll.u32 v57, $0x7;
	[tilespmem:v44+s0+$0x0] =	vst.idx.msk $0xffff, v41  }
0x16d: {  	v62 =	vand.u32 $0x7F, v61;
	v41 =	vor.u32 v23, v60;
	v40 =	vld.idx.msk [tilespmem:v59+s14+$0x0], $0xffff;
	[tilespmem:v37+s0+$0x0] =	vst.idx.msk $0xffff, v42  }
0x16e: {  	v63 =	vor.u32 v62, v26;
	v39 =	vld.idx.msk [tilespmem:v39+s14+$0x0], $0xffff;
	_ =	sdelay $0x3  }
0x16f: {  	v46 =	vor.u32 s5, v16;
	v44 =	vshll.u32 v61, $0x7;
	[tilespmem:v41+s0+$0x0] =	vst.idx.msk $0xffff, v40  }
0x170: {  	v53 =	vand.u32 $0x7F, v46;
	v40 =	vor.u32 v23, v44;
	v37 =	vld.idx.msk [tilespmem:v63+s14+$0x0], $0xffff;
	[tilespmem:v35+s0+$0x0] =	vst.idx.msk $0xffff, v39  }
0x171: {  	v54 =	vor.u32 v53, v26;
	v38 =	vld.idx.msk [tilespmem:v38+s14+$0x0], $0xffff;
	_ =	sdelay $0x3  }
0x172: {  	v56 =	vor.u32 s5, v17;
	v55 =	vshll.u32 v46, $0x7;
	[tilespmem:v40+s0+$0x0] =	vst.idx.msk $0xffff, v37  }
0x173: {  	v57 =	vand.u32 $0x7F, v56;
	v37 =	vor.u32 v23, v55;
	v35 =	vld.idx.msk [tilespmem:v54+s14+$0x0], $0xffff;
	[tilespmem:v34+s0+$0x0] =	vst.idx.msk $0xffff, v38  }
0x174: {  	v58 =	vor.u32 v57, v26;
	v36 =	vld.idx.msk [tilespmem:v36+s14+$0x0], $0xffff;
	_ =	sdelay $0x3  }
0x175: {  	v60 =	vor.u32 s5, v18;
	v59 =	vshll.u32 v56, $0x7;
	[tilespmem:v37+s0+$0x0] =	vst.idx.msk $0xffff, v35  }
0x176: {  	v61 =	vand.u32 $0x7F, v60;
	v35 =	vor.u32 v23, v59;
	v34 =	vld.idx.msk [tilespmem:v58+s14+$0x0], $0xffff;
	[tilespmem:v31+s0+$0x0] =	vst.idx.msk $0xffff, v36  }
0x177: {  	v31 =	vor.u32 v61, v26;
	v32 =	vld.idx.msk [tilespmem:v32+s14+$0x0], $0xffff;
	_ =	sdelay $0x3  }
0x178: {  	v62 =	vshll.u32 v60, $0x7;
	v63 =	vor.u32 s5, v19;
	[tilespmem:v35+s0+$0x0] =	vst.idx.msk $0xffff, v34  }
0x179: {  	v40 =	vand.u32 $0x7F, v63;
	v34 =	vor.u32 v23, v62;
	v31 =	vld.idx.msk [tilespmem:v31+s14+$0x0], $0xffff;
	[tilespmem:v30+s0+$0x0] =	vst.idx.msk $0xffff, v32  }
0x17a: {  	v30 =	vor.u32 v40, v26;
	v29 =	vld.idx.msk [tilespmem:v29+s14+$0x0], $0xffff;
	_ =	sdelay $0x3  }
0x17b: {  	v41 =	vor.u32 s5, v20;
	[tilespmem:v34+s0+$0x0] =	vst.idx.msk $0xffff, v31;
	v31 =	vshll.u32 v63, $0x7  }
0x17c: {  	v42 =	vand.u32 $0x7F, v41;
	v30 =	vld.idx.msk [tilespmem:v30+s14+$0x0], $0xffff;
	v31 =	vor.u32 v23, v31;
	[tilespmem:v28+s0+$0x0] =	vst.idx.msk $0xffff, v29  }
0x17d: {  	v26 =	vor.u32 v42, v26;
	v28 =	vand.u32 $0x6F, v33;
	v29 =	vld.idx.msk [tilespmem:v51+s14+$0x0], $0xffff  }
0x17e: {  	v27 =	vor.u32 v28, v27  }
0x17f: {  	[tilespmem:v22+s0+$0x0] =	vst.idx.msk $0xffff, v49  }
0x180: {  	[tilespmem:v50+s0+$0x0] =	vst.idx.msk $0xffff, v48;
	v22 =	vld.idx.msk [tilespmem:v25+s14+$0x0], $0xffff;
	v28 =	vshll.u32 v47, $0x7  }
0x181: {  	v43 =	vld.idx.msk [tilespmem:v52+s14+$0x0], $0xffff;
	v25 =	vshll.u32 v41, $0x7;
	v21 =	vor.u32 v21, v28;
	[tilespmem:v31+s0+$0x0] =	vst.idx.msk $0xffff, v30  }
0x182: {  	v25 =	vor.u32 v23, v25;
	v28 =	vshll.u32 v33, $0x7;
	v26 =	vld.idx.msk [tilespmem:v26+s14+$0x0], $0xffff;
	[tilespmem:v45+s0+$0x0] =	vst.idx.msk $0xffff, v29  }
0x183: {  	v23 =	vor.u32 v23, v28;
	v27 =	vld.idx.msk [tilespmem:v27+s14+$0x0], $0xffff;
	_ =	sdelay $0x1  }
0x184: {  	[tilespmem:v24+s0+$0x0] =	vst.idx.msk $0xffff, v22  }
0x185: {  	[tilespmem:v21+s0+$0x0] =	vst.idx.msk $0xffff, v43  }
0x186: {  	s16 =	sshll.u32 s10, $0x8;
	[tilespmem:v25+s0+$0x0] =	vst.idx.msk $0xffff, v26  }
0x187: {  	s13 =	sand.u32 $0x3FFFFF00, s16;
	[tilespmem:v23+s0+$0x0] =	vst.idx.msk $0xffff, v27  }
0x188: {  	v21 =	vld [tilespmem:s13+$0x80]  }
0x189: {  	v0 =	vld [tilespmem:$0x1FFE0];
	_ =	sdelay $0x4  }
0x18a: {  	v22 =	vadd.s32 v0, v21  }
0x18b: {  	[tilespmem:$0x400] =	vst v22  }
0x18c: {  	v23 =	vld [tilespmem:s13+$0x90];
	_ =	sdelay $0x4  }
0x18d: {  	v23 =	vadd.s32 v0, v23  }
0x18e: {  	[tilespmem:$0x410] =	vst v23  }
0x18f: {  	v23 =	vld [tilespmem:s13+$0xA0];
	_ =	sdelay $0x1  }
0x190: {  	v2 =	vld [tilespmem:$0x1FFF0];
	_ =	sdelay $0x1  }
0x191: {  	v22 =	vshll.u32 v22, $0x1  }
0x192: {  	v21 =	vand.u32 $0x7, v21;
	v22 =	vand.u32 $0xFFFFFFF0, v22;
	v23 =	vadd.s32 v0, v23  }
0x193: {  	v21 =	vor.u32 v21, v22;
	[tilespmem:$0x420] =	vst v23  }
0x194: {  	v23 =	vperm.xlane v21, v2;
	v22 =	vld [tilespmem:s13+$0xB0];
	_ =	sdelay $0x1  }
0x195: {  	v21 =	vperm.xlane v21, v4;
	v23 =	vadd.s32 v3, v23;
	_ =	sdelay $0x1  }
0x196: {  	v21 =	vadd.s32 v3, v21  }
0x197: {  	v22 =	vadd.s32 v0, v22  }
0x198: {  	s15 =	simm.s32 $0x0;
	[tilespmem:$0x430] =	vst v22  }
0x199: {  	[tilespmem:s14], [sflag:$0x1] =	stream.indirect_vreg.gather [hbm4b:s1+s15], $0x80, v23, vm0, $0xb8;
	[tilespmem:$0x1F380] =	vst v63  }
0x19a: {  	s17 =	simm.s32 $0xD00  }
0x19b: {  	[tilespmem:s17], [sflag:$0x1] =	stream.indirect_vreg.gather [hbm4b:s1+s15], $0x80, v21, vm0, $0xb8;
	[tilespmem:$0x1F380] =	vst v63  }
0x19c: {  	v21 =	vld [tilespmem:$0x410];
	_ =	sdelay $0x4  }
0x19d: {  	v22 =	vshll.u32 v21, $0x1  }
0x19e: {  	v21 =	vand.u32 $0x7, v21;
	v22 =	vand.u32 $0xFFFFFFF0, v22  }
0x19f: {  	v21 =	vor.u32 v21, v22  }
0x1a0: {  	v22 =	vperm.xlane v21, v2;
	_ =	sdelay $0x1  }
0x1a1: {  	v21 =	vperm.xlane v21, v4;
	v22 =	vadd.s32 v3, v22;
	_ =	sdelay $0x1  }
0x1a2: {  	v21 =	vadd.s32 v3, v21;
	_ =	sdelay $0x1  }
0x1a3: {  	s18 =	simm.s32 $0x1500  }
0x1a4: {  	[tilespmem:s18], [sflag:$0x1] =	stream.indirect_vreg.gather [hbm4b:s1+s15], $0x80, v22, vm0, $0xb8;
	[tilespmem:$0x1F380] =	vst v63  }
0x1a5: {  	s19 =	simm.s32 $0x1D00  }
0x1a6: {  	[tilespmem:s19], [sflag:$0x1] =	stream.indirect_vreg.gather [hbm4b:s1+s15], $0x80, v21, vm0, $0xb8;
	[tilespmem:$0x1F380] =	vst v63  }
0x1a7: {  	v21 =	vld [tilespmem:$0x420];
	_ =	sdelay $0x4  }
0x1a8: {  	v22 =	vshll.u32 v21, $0x1  }
0x1a9: {  	v21 =	vand.u32 $0x7, v21;
	v22 =	vand.u32 $0xFFFFFFF0, v22  }
0x1aa: {  	v21 =	vor.u32 v21, v22  }
0x1ab: {  	v22 =	vperm.xlane v21, v2;
	_ =	sdelay $0x1  }
0x1ac: {  	v21 =	vperm.xlane v21, v4;
	v22 =	vadd.s32 v3, v22;
	_ =	sdelay $0x1  }
0x1ad: {  	v21 =	vadd.s32 v3, v21;
	_ =	sdelay $0x1  }
0x1ae: {  	s16 =	simm.s32 $0x2500  }
0x1af: {  	[tilespmem:s16], [sflag:$0x1] =	stream.indirect_vreg.gather [hbm4b:s1+s15], $0x80, v22, vm0, $0xb8;
	[tilespmem:$0x1F380] =	vst v63  }
0x1b0: {  	s17 =	simm.s32 $0x2D00  }
0x1b1: {  	[tilespmem:s17], [sflag:$0x1] =	stream.indirect_vreg.gather [hbm4b:s1+s15], $0x80, v21, vm0, $0xb8;
	[tilespmem:$0x1F380] =	vst v63  }
0x1b2: {  	v21 =	vld [tilespmem:$0x430];
	_ =	sdelay $0x4  }
0x1b3: {  	v22 =	vshll.u32 v21, $0x1  }
0x1b4: {  	v21 =	vand.u32 $0x7, v21;
	v22 =	vand.u32 $0xFFFFFFF0, v22  }
0x1b5: {  	s18 =	simm.s32 $0x0;
	v22 =	vor.u32 v21, v22  }
0x1b6: {  	s16 =	sand.u32 $0x30, s18;
	v23 =	vperm.xlane v22, v2  }
0x1b7: {  	v24 =	vmov s16  }
0x1b8: {  	s19 =	sand.u32 $0xE0, s15;
	v21 =	vmul.u32 $0x100, v1;
	v22 =	vperm.xlane v22, v4;
	v23 =	vadd.s32 v3, v23  }
0x1b9: {  	v24 =	vshll.u32 v24, $0x8;
	s17 =	sor.u32 $0x10, s19  }
0x1ba: {  	v25 =	vmov s17;
	v24 =	vor.u32 v21, v24;
	v22 =	vadd.s32 v3, v22  }
0x1bb: {  	v27 =	vmov s19;
	v25 =	vshll.u32 v25, $0x3;
	v24 =	vand.u32 $0x3800, v24  }
0x1bc: {  	v26 =	vor.u32 s17, v1;
	v25 =	vand.u32 $0x400, v25;
	v24 =	vor.u32 v5, v24  }
0x1bd: {  	v30 =	vor.u32 v25, v24;
	v25 =	vshll.u32 v27, $0x3;
	[tilespmem:s20], [sflag:$0x1] =	stream.indirect_vreg.gather [hbm4b:s1+s15], $0x80, v23, vm0, $0xb8;
	v23 =	vand.u32 $0x7F, v26;
	[tilespmem:$0x1F380] =	vst v63  }
0x1be: {  	v27 =	vor.u32 s19, v1;
	v28 =	vor.u32 v23, v30;
	v23 =	vand.u32 $0x400, v25  }
0x1bf: {  	[tilespmem:s21], [sflag:$0x1] =	stream.indirect_vreg.gather [hbm4b:s1+s15], $0x80, v22, vm0, $0xb8;
	v22 =	vand.u32 $0x6F, v27;
	v25 =	vor.u32 v23, v24;
	[tilespmem:$0x1F380] =	vst v63  }
0x1c0: {  	v29 =	vor.u32 s19, v6;
	_ =	swait.ge [sflag:s6], $0x4000;
	v24 =	vor.u32 v22, v25  }
0x1c1: {  	v46 =	vor.u32 s19, v7;
	v47 =	vor.u32 s19, v8;
	v22 =	vor.u32 $0x40, v1;
	[sflag:s6] =	ssyncset.done $0x0  }
0x1c2: {  	v31 =	vor.u32 s17, v6;
	v26 =	vshll.u32 v26, $0x7;
	v23 =	vor.u32 s16, v22;
	[sflag:s6] =	ssyncadd.s32 $0xFFFFC000  }
0x1c3: {  	v50 =	vor.u32 s19, v9;
	v44 =	vand.u32 $0x7F, v31;
	v26 =	vor.u32 v23, v26;
	v28 =	vld.idx.msk [tilespmem:v28+s22+$0x0], $0xffff  }
0x1c4: {  	v51 =	vor.u32 s19, v10;
	v32 =	vor.u32 v44, v30;
	v27 =	vshll.u32 v27, $0x7  }
0x1c5: {  	v55 =	vor.u32 s19, v12;
	v56 =	vor.u32 s19, v13;
	v27 =	vor.u32 v23, v27;
	v24 =	vld.idx.msk [tilespmem:v24+s22+$0x0], $0xffff  }
0x1c6: {  	v63 =	vor.u32 s19, v11;
	v45 =	vand.u32 $0x6F, v29;
	v29 =	vshll.u32 v29, $0x7  }
0x1c7: {  	v48 =	vand.u32 $0x6F, v46;
	v34 =	vshll.u32 v46, $0x7;
	v33 =	vor.u32 v45, v25  }
0x1c8: {  	v35 =	vshll.u32 v47, $0x7;
	v49 =	vor.u32 s17, v7;
	v31 =	vshll.u32 v31, $0x7;
	[tilespmem:v26+s0+$0x0] =	vst.idx.msk $0xffff, v28  }
0x1c9: {  	v38 =	vshll.u32 v50, $0x7;
	v28 =	vor.u32 v23, v31;
	v31 =	vand.u32 $0x7F, v49;
	v32 =	vld.idx.msk [tilespmem:v32+s22+$0x0], $0xffff  }
0x1ca: {  	v52 =	vand.u32 $0x6F, v51;
	v54 =	vshll.u32 v51, $0x7;
	[tilespmem:v27+s0+$0x0] =	vst.idx.msk $0xffff, v24;
	v24 =	vor.u32 v31, v30  }
0x1cb: {  	v57 =	vshll.u32 v55, $0x7;
	v58 =	vand.u32 $0x6F, v56;
	v40 =	vand.u32 $0x6F, v63  }
0x1cc: {  	v41 =	vshll.u32 v63, $0x7;
	v46 =	vor.u32 s19, v14;
	v29 =	vor.u32 v23, v29;
	v33 =	vld.idx.msk [tilespmem:v33+s22+$0x0], $0xffff  }
0x1cd: {  	v53 =	vor.u32 s17, v8;
	v61 =	vor.u32 s17, v9;
	v36 =	vor.u32 v48, v25  }
0x1ce: {  	v51 =	vor.u32 s17, v11;
	v37 =	vshll.u32 v49, $0x7;
	v60 =	vshll.u32 v53, $0x7;
	[tilespmem:v28+s0+$0x0] =	vst.idx.msk $0xffff, v32  }
0x1cf: {  	v62 =	vand.u32 $0x7F, v61;
	v37 =	vor.u32 v23, v37;
	v28 =	vand.u32 $0x7F, v53;
	v24 =	vld.idx.msk [tilespmem:v24+s22+$0x0], $0xffff  }
0x1d0: {  	v43 =	vor.u32 v52, v25;
	v34 =	vor.u32 v23, v34;
	v28 =	vor.u32 v28, v30  }
0x1d1: {  	v52 =	vand.u32 $0x6F, v46;
	v42 =	vor.u32 v23, v38;
	v44 =	vor.u32 v23, v54;
	[tilespmem:v29+s0+$0x0] =	vst.idx.msk $0xffff, v33  }
0x1d2: {  	v45 =	vor.u32 v23, v57;
	v41 =	vor.u32 v23, v41;
	v26 =	vand.u32 $0x6F, v47;
	v59 =	vld.idx.msk [tilespmem:v36+s22+$0x0], $0xffff  }
0x1d3: {  	v54 =	vshll.u32 v61, $0x7;
	v47 =	vor.u32 v58, v25;
	v26 =	vor.u32 v26, v25  }
0x1d4: {  	v49 =	vor.u32 v40, v25;
	v40 =	vor.u32 v52, v25;
	v31 =	vand.u32 $0x6F, v50;
	[tilespmem:v37+s0+$0x0] =	vst.idx.msk $0xffff, v24  }
0x1d5: {  	s16 =	simm.s32 $0x20;
	v27 =	vor.u32 v23, v35;
	v35 =	vor.u32 v23, v60;
	v31 =	vor.u32 v31, v25;
	v28 =	vld.idx.msk [tilespmem:v28+s22+$0x0], $0xffff  }
0x1d6: {  	s18 =	sand.u32 $0xE0, s16;
	v32 =	vshll.u32 v56, $0x7;
	v53 =	vshll.u32 v46, $0x7;
	v24 =	vor.u32 v62, v30  }
0x1d7: {  	s5 =	sor.u32 $0x10, s18;
	v56 =	vor.u32 s19, v15;
	v48 =	vor.u32 v23, v32;
	v32 =	vor.u32 v23, v54;
	[tilespmem:v34+s0+$0x0] =	vst.idx.msk $0xffff, v59  }
0x1d8: {  	v38 =	vor.u32 v23, v53;
	v58 =	vand.u32 $0x6F, v56;
	v54 =	vor.u32 s5, v1;
	v26 =	vld.idx.msk [tilespmem:v26+s22+$0x0], $0xffff  }
0x1d9: {  	v29 =	vand.u32 $0x6F, v55;
	v55 =	vor.u32 s17, v10;
	v39 =	vor.u32 v58, v25  }
0x1da: {  	v29 =	vor.u32 v29, v25;
	v57 =	vand.u32 $0x7F, v55;
	v33 =	vshll.u32 v55, $0x7;
	[tilespmem:v35+s0+$0x0] =	vst.idx.msk $0xffff, v28  }
0x1db: {  	v62 =	vor.u32 s19, v17;
	v59 =	vor.u32 s19, v16;
	v34 =	vshll.u32 v56, $0x7;
	v24 =	vld.idx.msk [tilespmem:v24+s22+$0x0], $0xffff  }
0x1dc: {  	v56 =	vand.u32 $0x6F, v62;
	v60 =	vand.u32 $0x6F, v59;
	v28 =	vor.u32 v57, v30  }
0x1dd: {  	v61 =	vshll.u32 v59, $0x7;
	v36 =	vor.u32 v60, v25;
	v60 =	vor.u32 s17, v13;
	[tilespmem:v27+s0+$0x0] =	vst.idx.msk $0xffff, v26  }
0x1de: {  	v37 =	vor.u32 v23, v34;
	v34 =	vor.u32 v23, v61;
	v50 =	vshll.u32 v60, $0x7;
	v63 =	vld.idx.msk [tilespmem:v31+s22+$0x0], $0xffff  }
0x1df: {  	v57 =	vshll.u32 v62, $0x7;
	v35 =	vor.u32 v56, v25;
	v26 =	vor.u32 s17, v12  }
0x1e0: {  	v50 =	vor.u32 v23, v50;
	v27 =	vor.u32 v23, v33;
	v31 =	vand.u32 $0x7F, v26;
	[tilespmem:v32+s0+$0x0] =	vst.idx.msk $0xffff, v24  }
0x1e1: {  	v33 =	vor.u32 v23, v57;
	v58 =	vor.u32 v31, v30;
	v31 =	vor.u32 s19, v18;
	v28 =	vld.idx.msk [tilespmem:v28+s22+$0x0], $0xffff  }
0x1e2: {  	v57 =	vmov s5;
	v26 =	vshll.u32 v26, $0x7;
	v59 =	vand.u32 $0x6F, v31  }
0x1e3: {  	v31 =	vshll.u32 v31, $0x7;
	v24 =	vor.u32 s19, v19;
	v32 =	vor.u32 v59, v25;
	[tilespmem:v42+s0+$0x0] =	vst.idx.msk $0xffff, v63  }
0x1e4: {  	v31 =	vor.u32 v23, v31;
	v59 =	vshll.u32 v57, $0x3;
	v57 =	vor.u32 s5, v6;
	v43 =	vld.idx.msk [tilespmem:v43+s22+$0x0], $0xffff  }
0x1e5: {  	v61 =	vand.u32 $0x6F, v24;
	v24 =	vshll.u32 v24, $0x7;
	v42 =	vor.u32 v23, v26  }
0x1e6: {  	s15 =	simm.s32 $0x2;
	v26 =	vand.u32 $0x7F, v60;
	v46 =	vor.u32 v61, v25;
	v24 =	vor.u32 v23, v24;
	[tilespmem:v27+s0+$0x0] =	vst.idx.msk $0xffff, v28  }
0x1e7: {  	v60 =	vmov s18;
	v52 =	vor.u32 v26, v30;
	v26 =	vor.u32 s19, v20;
	s19 =	sand.u32 $0x30, s15;
	v28 =	vld.idx.msk [tilespmem:v58+s22+$0x0], $0xffff  }
0x1e8: {  	v61 =	vand.u32 $0x7F, v54;
	v54 =	vshll.u32 v54, $0x7;
	v27 =	vmov s19  }
0x1e9: {  	v62 =	vand.u32 $0x6F, v26;
	v63 =	vshll.u32 v26, $0x7;
	v27 =	vshll.u32 v27, $0x8;
	[tilespmem:v44+s0+$0x0] =	vst.idx.msk $0xffff, v43  }
0x1ea: {  	v26 =	vor.u32 v62, v25;
	v25 =	vor.u32 v23, v63;
	v27 =	vor.u32 v21, v27;
	v29 =	vld.idx.msk [tilespmem:v29+s22+$0x0], $0xffff  }
0x1eb: {  	v62 =	vshll.u32 v60, $0x3;
	v58 =	vand.u32 $0x7F, v51;
	v27 =	vand.u32 $0x3800, v27  }
0x1ec: {  	v43 =	vor.u32 v58, v30;
	v53 =	vor.u32 v5, v27;
	v27 =	vand.u32 $0x400, v59;
	[tilespmem:v42+s0+$0x0] =	vst.idx.msk $0xffff, v28  }
0x1ed: {  	v58 =	vor.u32 s18, v7;
	v59 =	vor.u32 s18, v8;
	v27 =	vor.u32 v27, v53;
	v44 =	vld.idx.msk [tilespmem:v52+s22+$0x0], $0xffff  }
0x1ee: {  	v28 =	vor.u32 s18, v1;
	v42 =	vand.u32 $0x400, v62;
	v62 =	vor.u32 s18, v6  }
0x1ef: {  	v52 =	vor.u32 v61, v27;
	v63 =	vand.u32 $0x6F, v28;
	v60 =	vshll.u32 v28, $0x7;
	[tilespmem:v45+s0+$0x0] =	vst.idx.msk $0xffff, v29  }
0x1f0: {  	v28 =	vor.u32 v42, v53;
	v42 =	vor.u32 s17, v14;
	v55 =	vshll.u32 v62, $0x7;
	v47 =	vld.idx.msk [tilespmem:v47+s22+$0x0], $0xffff  }
0x1f1: {  	v29 =	vshll.u32 v51, $0x7;
	v45 =	vor.u32 v63, v28;
	v61 =	vand.u32 $0x7F, v42  }
0x1f2: {  	v63 =	vand.u32 $0x7F, v57;
	v42 =	vshll.u32 v42, $0x7;
	v53 =	vor.u32 v23, v29;
	[tilespmem:v50+s0+$0x0] =	vst.idx.msk $0xffff, v44  }
0x1f3: {  	v51 =	vor.u32 v61, v30;
	v29 =	vor.u32 s19, v22;
	v42 =	vor.u32 v23, v42;
	v43 =	vld.idx.msk [tilespmem:v43+s22+$0x0], $0xffff  }
0x1f4: {  	v61 =	vshll.u32 v57, $0x7;
	v44 =	vor.u32 v29, v60;
	v50 =	vor.u32 v29, v54  }
0x1f5: {  	v57 =	vor.u32 s5, v7;
	v60 =	vand.u32 $0x6F, v62;
	v54 =	vor.u32 v63, v27;
	[tilespmem:v48+s0+$0x0] =	vst.idx.msk $0xffff, v47;
	v47 =	vld.idx.msk [tilespmem:v52+s22+$0x0], $0xffff  }
0x1f6: {  	v62 =	vshll.u32 v59, $0x7;
	v63 =	vor.u32 s18, v9;
	v56 =	vor.u32 v60, v28;
	v49 =	vld.idx.msk [tilespmem:v49+s22+$0x0], $0xffff  }
0x1f7: {  	v45 =	vld.idx.msk [tilespmem:v45+s22+$0x0], $0xffff;
	v48 =	vor.u32 v29, v55;
	v52 =	vor.u32 s17, v15;
	v55 =	vand.u32 $0x6F, v58  }
0x1f8: {  	v58 =	vshll.u32 v58, $0x7;
	v60 =	vand.u32 $0x7F, v52;
	v55 =	vor.u32 v55, v28;
	[tilespmem:v53+s0+$0x0] =	vst.idx.msk $0xffff, v43  }
0x1f9: {  	v60 =	vor.u32 v60, v30;
	v43 =	vor.u32 v29, v58;
	v58 =	vand.u32 $0x6F, v59;
	v51 =	vld.idx.msk [tilespmem:v51+s22+$0x0], $0xffff  }
0x1fa: {  	v53 =	vor.u32 v29, v61;
	v61 =	vand.u32 $0x7F, v57;
	[tilespmem:v50+s0+$0x0] =	vst.idx.msk $0xffff, v47;
	v47 =	vor.u32 v58, v28  }
0x1fb: {  	v59 =	vand.u32 $0x6F, v63;
	v58 =	vor.u32 v61, v27;
	v50 =	vor.u32 s18, v10;
	v54 =	vld.idx.msk [tilespmem:v54+s22+$0x0], $0xffff;
	[tilespmem:v41+s0+$0x0] =	vst.idx.msk $0xffff, v49  }
0x1fc: {  	[tilespmem:v44+s0+$0x0] =	vst.idx.msk $0xffff, v45;
	v61 =	vshll.u32 v52, $0x7;
	v52 =	vor.u32 s17, v16;
	v59 =	vor.u32 v59, v28;
	v40 =	vld.idx.msk [tilespmem:v40+s22+$0x0], $0xffff  }
0x1fd: {  	v56 =	vld.idx.msk [tilespmem:v56+s22+$0x0], $0xffff;
	v49 =	vor.u32 v29, v62;
	v44 =	vor.u32 v23, v61;
	v62 =	vand.u32 $0x7F, v52  }
0x1fe: {  	v41 =	vshll.u32 v63, $0x7;
	v63 =	vshll.u32 v57, $0x7;
	v57 =	vor.u32 s5, v8;
	[tilespmem:v42+s0+$0x0] =	vst.idx.msk $0xffff, v51  }
0x1ff: {  	v45 =	vor.u32 v62, v30;
	v42 =	vand.u32 $0x6F, v50;
	v51 =	vld.idx.msk [tilespmem:v60+s22+$0x0], $0xffff;
	v60 =	vor.u32 v29, v41  }
0x200: {  	v61 =	vand.u32 $0x7F, v57;
	[tilespmem:v53+s0+$0x0] =	vst.idx.msk $0xffff, v54;
	v53 =	vor.u32 v42, v28;
	v41 =	vor.u32 v29, v63  }
0x201: {  	v50 =	vshll.u32 v50, $0x7;
	v42 =	vor.u32 v61, v27;
	v54 =	vld.idx.msk [tilespmem:v58+s22+$0x0], $0xffff;
	v58 =	vor.u32 s18, v12;
	[tilespmem:v38+s0+$0x0] =	vst.idx.msk $0xffff, v40  }
0x202: {  	[tilespmem:v48+s0+$0x0] =	vst.idx.msk $0xffff, v56;
	v61 =	vor.u32 v29, v50;
	v50 =	vor.u32 s17, v17;
	v62 =	vand.u32 $0x6F, v58;
	v39 =	vld.idx.msk [tilespmem:v39+s22+$0x0], $0xffff  }
0x203: {  	v63 =	vshll.u32 v58, $0x7;
	v58 =	vshll.u32 v52, $0x7;
	v52 =	vld.idx.msk [tilespmem:v55+s22+$0x0], $0xffff;
	v55 =	vor.u32 s18, v13  }
0x204: {  	v48 =	vor.u32 v62, v28;
	v38 =	vor.u32 v23, v58;
	v62 =	vand.u32 $0x7F, v50  }
0x205: {  	v58 =	vshll.u32 v57, $0x7;
	v57 =	vor.u32 s18, v11;
	v50 =	vshll.u32 v50, $0x7  }
0x206: {  	[tilespmem:v44+s0+$0x0] =	vst.idx.msk $0xffff, v51;
	v44 =	vor.u32 v29, v63;
	v63 =	vand.u32 $0x6F, v55;
	v51 =	vor.u32 v62, v30  }
0x207: {  	v62 =	vshll.u32 v55, $0x7;
	v55 =	vor.u32 v29, v58;
	v56 =	vld.idx.msk [tilespmem:v45+s22+$0x0], $0xffff;
	[tilespmem:v41+s0+$0x0] =	vst.idx.msk $0xffff, v54;
	v54 =	vor.u32 s5, v9  }
0x208: {  	v58 =	vand.u32 $0x6F, v57;
	v45 =	vor.u32 v63, v28;
	v63 =	vand.u32 $0x7F, v54;
	[tilespmem:v37+s0+$0x0] =	vst.idx.msk $0xffff, v39  }
0x209: {  	v41 =	vld.idx.msk [tilespmem:v42+s22+$0x0], $0xffff;
	v42 =	vor.u32 v29, v62;
	[tilespmem:v43+s0+$0x0] =	vst.idx.msk $0xffff, v52;
	v37 =	vshll.u32 v57, $0x7;
	v52 =	vor.u32 s18, v14  }
0x20a: {  	v43 =	vor.u32 v58, v28;
	v57 =	vor.u32 s17, v18;
	v39 =	vor.u32 v63, v27;
	v36 =	vld.idx.msk [tilespmem:v36+s22+$0x0], $0xffff  }
0x20b: {  	v58 =	vshll.u32 v54, $0x7;
	v47 =	vld.idx.msk [tilespmem:v47+s22+$0x0], $0xffff;
	v40 =	vor.u32 v29, v37;
	v37 =	vor.u32 v23, v50  }
0x20c: {  	v62 =	vand.u32 $0x7F, v57;
	v63 =	vand.u32 $0x6F, v52;
	v52 =	vshll.u32 v52, $0x7;
	[tilespmem:v38+s0+$0x0] =	vst.idx.msk $0xffff, v56  }
0x20d: {  	v58 =	vor.u32 v29, v58;
	v56 =	vor.u32 v62, v30;
	v38 =	vor.u32 v29, v52;
	v50 =	vld.idx.msk [tilespmem:v51+s22+$0x0], $0xffff  }
0x20e: {  	[tilespmem:v55+s0+$0x0] =	vst.idx.msk $0xffff, v41;
	v41 =	vor.u32 v63, v28;
	v51 =	vor.u32 s5, v10;
	v55 =	vor.u32 s18, v15  }
0x20f: {  	v54 =	vld.idx.msk [tilespmem:v39+s22+$0x0], $0xffff;
	v62 =	vand.u32 $0x7F, v51;
	[tilespmem:v34+s0+$0x0] =	vst.idx.msk $0xffff, v36;
	v63 =	vand.u32 $0x6F, v55;
	v55 =	vshll.u32 v55, $0x7  }
0x210: {  	[tilespmem:v49+s0+$0x0] =	vst.idx.msk $0xffff, v47;
	v47 =	vor.u32 s18, v16;
	v51 =	vshll.u32 v51, $0x7;
	v36 =	vor.u32 v62, v27;
	v52 =	vld.idx.msk [tilespmem:v35+s22+$0x0], $0xffff  }
0x211: {  	v39 =	vor.u32 v63, v28;
	v49 =	vld.idx.msk [tilespmem:v59+s22+$0x0], $0xffff;
	v35 =	vor.u32 v29, v55;
	v59 =	vshll.u32 v57, $0x7  }
0x212: {  	v62 =	vand.u32 $0x6F, v47;
	v47 =	vshll.u32 v47, $0x7;
	[tilespmem:v37+s0+$0x0] =	vst.idx.msk $0xffff, v50;
	v50 =	vor.u32 s17, v19  }
0x213: {  	v51 =	vor.u32 v29, v51;
	v55 =	vld.idx.msk [tilespmem:v56+s22+$0x0], $0xffff;
	v56 =	vor.u32 v23, v59;
	v63 =	vand.u32 $0x7F, v50  }
0x214: {  	v34 =	vor.u32 v29, v47;
	[tilespmem:v58+s0+$0x0] =	vst.idx.msk $0xffff, v54;
	v59 =	vor.u32 s5, v12;
	v54 =	vor.u32 v63, v30  }
0x215: {  	v57 =	vor.u32 s18, v17;
	v37 =	vor.u32 v62, v28;
	v58 =	vld.idx.msk [tilespmem:v36+s22+$0x0], $0xffff;
	[tilespmem:v33+s0+$0x0] =	vst.idx.msk $0xffff, v52;
	v52 =	vand.u32 $0x7F, v59  }
0x216: {  	v47 =	vshll.u32 v57, $0x7;
	v36 =	vand.u32 $0x6F, v57;
	[tilespmem:v60+s0+$0x0] =	vst.idx.msk $0xffff, v49;
	v62 =	vld.idx.msk [tilespmem:v32+s22+$0x0], $0xffff;
	v52 =	vor.u32 v52, v27  }
0x217: {  	v49 =	vor.u32 s18, v18;
	v57 =	vor.u32 s18, v19;
	v36 =	vor.u32 v36, v28;
	v60 =	vld.idx.msk [tilespmem:v53+s22+$0x0], $0xffff  }
0x218: {  	v32 =	vor.u32 v29, v47;
	v53 =	vshll.u32 v50, $0x7;
	v47 =	vor.u32 s17, v20;
	[tilespmem:v56+s0+$0x0] =	vst.idx.msk $0xffff, v55  }
0x219: {  	v50 =	vand.u32 $0x6F, v49;
	v63 =	vor.u32 v23, v53;
	v53 =	vand.u32 $0x7F, v47;
	v56 =	vld.idx.msk [tilespmem:v54+s22+$0x0], $0xffff  }
0x21a: {  	v49 =	vshll.u32 v49, $0x7;
	v33 =	vor.u32 v50, v28;
	[tilespmem:v51+s0+$0x0] =	vst.idx.msk $0xffff, v58;
	v51 =	vor.u32 v53, v30  }
0x21b: {  	v30 =	vor.u32 v29, v49;
	v58 =	vshll.u32 v59, $0x7;
	v53 =	vld.idx.msk [tilespmem:v52+s22+$0x0], $0xffff;
	v52 =	vor.u32 s5, v13;
	[tilespmem:v31+s0+$0x0] =	vst.idx.msk $0xffff, v62  }
0x21c: {  	v31 =	vand.u32 $0x6F, v57;
	v54 =	vor.u32 v29, v58;
	[tilespmem:v61+s0+$0x0] =	vst.idx.msk $0xffff, v60;
	v59 =	vand.u32 $0x7F, v52  }
0x21d: {  	v62 =	vshll.u32 v57, $0x7;
	v50 =	vld.idx.msk [tilespmem:v46+s22+$0x0], $0xffff;
	v31 =	vor.u32 v31, v28;
	v55 =	vor.u32 v59, v27  }
0x21e: {  	v49 =	vld.idx.msk [tilespmem:v48+s22+$0x0], $0xffff;
	v46 =	vor.u32 v29, v62;
	v48 =	vor.u32 s18, v20;
	[tilespmem:v63+s0+$0x0] =	vst.idx.msk $0xffff, v56  }
.LBB2_9:
0x21f: {  	s15 =	sadd.s32 $0x2, s15;
	v56 =	vand.u32 $0x6F, v48;
	v48 =	vshll.u32 v48, $0x7;
	s16 =	sadd.s32 $0x20, s16;
	v51 =	vld.idx.msk [tilespmem:v51+s22+$0x0], $0xffff;
	v47 =	vshll.u32 v47, $0x7  }
0x220: {  	s19 =	sand.u32 $0x30, s15;
	s17 =	sand.u32 $0xE0, s16;
	p2 =	slt.u32 s15, $0x3E;
	v28 =	vor.u32 v56, v28;
	v48 =	vor.u32 v29, v48;
	v47 =	vor.u32 v23, v47;
	v23 =	vmovc v29  }
0x221: {  	v29 =	vmov s19;
	s18 =	sor.u32 $0x10, s17;
	[tilespmem:v54+s0+$0x0] =	vst.idx.msk $0xffff, v53;
	v53 =	vor.u32 s5, v11  }
0x222: {  	v52 =	vshll.u32 v52, $0x7;
	v29 =	vshll.u32 v29, $0x8;
	v54 =	vmov s18;
	v55 =	vld.idx.msk [tilespmem:v55+s22+$0x0], $0xffff;
	[tilespmem:v24+s0+$0x0] =	vst.idx.msk $0xffff, v50;
	v24 =	vmovc v46  }
0x223: {  	v50 =	vor.u32 v23, v52;
	v46 =	vand.u32 $0x7F, v53;
	v29 =	vor.u32 v21, v29;
	v52 =	vld.idx.msk [tilespmem:v26+s22+$0x0], $0xffff;
	v26 =	vmovc v28  }
0x224: {  	v28 =	vand.u32 $0x3800, v29;
	v29 =	vshll.u32 v54, $0x3;
	[tilespmem:v44+s0+$0x0] =	vst.idx.msk $0xffff, v49;
	v44 =	vor.u32 v46, v27  }
0x225: {  	v49 =	vor.u32 s18, v1;
	v28 =	vor.u32 v5, v28;
	v29 =	vand.u32 $0x400, v29;
	v45 =	vld.idx.msk [tilespmem:v45+s22+$0x0], $0xffff;
	[tilespmem:v47+s0+$0x0] =	vst.idx.msk $0xffff, v51  }
0x226: {  	v47 =	vmov s17;
	v51 =	vand.u32 $0x7F, v49;
	v46 =	vor.u32 v29, v28  }
0x227: {  	v29 =	vor.u32 s17, v1;
	v47 =	vshll.u32 v47, $0x3;
	v51 =	vor.u32 v51, v46  }
0x228: {  	v54 =	vand.u32 $0x6F, v29;
	v47 =	vand.u32 $0x400, v47;
	v56 =	vshll.u32 v29, $0x7;
	[tilespmem:v50+s0+$0x0] =	vst.idx.msk $0xffff, v55  }
0x229: {  	v29 =	vshll.u32 v53, $0x7;
	v28 =	vor.u32 v47, v28;
	v47 =	vor.u32 s5, v14;
	v44 =	vld.idx.msk [tilespmem:v44+s22+$0x0], $0xffff;
	[tilespmem:v25+s0+$0x0] =	vst.idx.msk $0xffff, v52  }
0x22a: {  	v50 =	vor.u32 v54, v28;
	v52 =	vor.u32 v23, v29;
	v29 =	vand.u32 $0x7F, v47;
	v25 =	vmovc v48  }
0x22b: {  	v48 =	vor.u32 s17, v6;
	[tilespmem:v42+s0+$0x0] =	vst.idx.msk $0xffff, v45;
	v42 =	vor.u32 v29, v27  }
0x22c: {  	v49 =	vshll.u32 v49, $0x7;
	v29 =	vor.u32 s19, v22;
	v45 =	vld.idx.msk [tilespmem:v51+s22+$0x0], $0xffff;
	v51 =	vor.u32 s18, v6  }
0x22d: {  	v53 =	vor.u32 v29, v56;
	v49 =	vor.u32 v29, v49;
	v54 =	vand.u32 $0x7F, v51;
	v43 =	vld.idx.msk [tilespmem:v43+s22+$0x0], $0xffff  }
0x22e: {  	v55 =	vand.u32 $0x6F, v48;
	v48 =	vshll.u32 v48, $0x7;
	v54 =	vor.u32 v54, v46  }
0x22f: {  	v57 =	vor.u32 s17, v8;
	v55 =	vor.u32 v55, v28;
	v56 =	vor.u32 s17, v7;
	v50 =	vld.idx.msk [tilespmem:v50+s22+$0x0], $0xffff;
	[tilespmem:v52+s0+$0x0] =	vst.idx.msk $0xffff, v44  }
0x230: {  	v47 =	vshll.u32 v47, $0x7;
	v44 =	vor.u32 v29, v48;
	v48 =	vor.u32 s5, v15;
	v42 =	vld.idx.msk [tilespmem:v42+s22+$0x0], $0xffff  }
0x231: {  	v47 =	vor.u32 v23, v47;
	v52 =	vand.u32 $0x6F, v56;
	v58 =	vand.u32 $0x7F, v48  }
0x232: {  	v56 =	vshll.u32 v56, $0x7;
	v52 =	vor.u32 v52, v28;
	[tilespmem:v49+s0+$0x0] =	vst.idx.msk $0xffff, v45;
	v45 =	vor.u32 v58, v27  }
0x233: {  	v51 =	vshll.u32 v51, $0x7;
	v56 =	vor.u32 v29, v56;
	v49 =	vld.idx.msk [tilespmem:v54+s22+$0x0], $0xffff;
	v54 =	vor.u32 s18, v7;
	[tilespmem:v40+s0+$0x0] =	vst.idx.msk $0xffff, v43  }
0x234: {  	v40 =	vand.u32 $0x6F, v57;
	v43 =	vor.u32 v29, v51;
	v51 =	vand.u32 $0x7F, v54;
	v41 =	vld.idx.msk [tilespmem:v41+s22+$0x0], $0xffff  }
0x235: {  	v40 =	vor.u32 v40, v28;
	[tilespmem:v53+s0+$0x0] =	vst.idx.msk $0xffff, v50;
	v50 =	vshll.u32 v57, $0x7;
	v51 =	vor.u32 v51, v46  }
0x236: {  	v57 =	vor.u32 s17, v10;
	v53 =	vld.idx.msk [tilespmem:v55+s22+$0x0], $0xffff;
	v50 =	vor.u32 v29, v50;
	v55 =	vor.u32 s17, v9;
	[tilespmem:v47+s0+$0x0] =	vst.idx.msk $0xffff, v42  }
0x237: {  	v58 =	vor.u32 s5, v16;
	v47 =	vshll.u32 v48, $0x7;
	v42 =	vand.u32 $0x6F, v55;
	v45 =	vld.idx.msk [tilespmem:v45+s22+$0x0], $0xffff  }
0x238: {  	v59 =	vor.u32 v42, v28;
	v42 =	vor.u32 v23, v47;
	v47 =	vand.u32 $0x7F, v58  }
0x239: {  	v48 =	vshll.u32 v55, $0x7;
	v55 =	vand.u32 $0x6F, v57;
	[tilespmem:v43+s0+$0x0] =	vst.idx.msk $0xffff, v49;
	v43 =	vor.u32 v47, v27  }
0x23a: {  	v47 =	vor.u32 v29, v48;
	v48 =	vshll.u32 v54, $0x7;
	v54 =	vor.u32 s18, v8;
	v51 =	vld.idx.msk [tilespmem:v51+s22+$0x0], $0xffff;
	[tilespmem:v38+s0+$0x0] =	vst.idx.msk $0xffff, v41  }
0x23b: {  	v55 =	vor.u32 v55, v28;
	v38 =	vor.u32 v29, v48;
	v41 =	vand.u32 $0x7F, v54;
	v39 =	vld.idx.msk [tilespmem:v39+s22+$0x0], $0xffff  }
0x23c: {  	v49 =	vor.u32 s17, v12;
	v41 =	vor.u32 v41, v46;
	[tilespmem:v44+s0+$0x0] =	vst.idx.msk $0xffff, v53;
	v44 =	vshll.u32 v57, $0x7  }
0x23d: {  	v53 =	vshll.u32 v49, $0x7;
	v52 =	vld.idx.msk [tilespmem:v52+s22+$0x0], $0xffff;
	v48 =	vor.u32 v29, v44;
	v44 =	vand.u32 $0x6F, v49;
	[tilespmem:v42+s0+$0x0] =	vst.idx.msk $0xffff, v45  }
0x23e: {  	v57 =	vor.u32 s5, v17;
	v42 =	vshll.u32 v58, $0x7;
	v49 =	vor.u32 v44, v28;
	v43 =	vld.idx.msk [tilespmem:v43+s22+$0x0], $0xffff  }
0x23f: {  	v58 =	vor.u32 s17, v13;
	v60 =	vor.u32 v23, v42;
	v42 =	vand.u32 $0x7F, v57  }
0x240: {  	v44 =	vor.u32 v29, v53;
	v45 =	vand.u32 $0x6F, v58;
	[tilespmem:v38+s0+$0x0] =	vst.idx.msk $0xffff, v51;
	v38 =	vor.u32 v42, v27  }
0x241: {  	v45 =	vor.u32 v45, v28;
	v42 =	vshll.u32 v54, $0x7;
	v51 =	vor.u32 s18, v9;
	v41 =	vld.idx.msk [tilespmem:v41+s22+$0x0], $0xffff;
	[tilespmem:v35+s0+$0x0] =	vst.idx.msk $0xffff, v39  }
0x242: {  	v35 =	vshll.u32 v58, $0x7;
	v39 =	vor.u32 v29, v42;
	v53 =	vand.u32 $0x7F, v51;
	v37 =	vld.idx.msk [tilespmem:v37+s22+$0x0], $0xffff  }
0x243: {  	v42 =	vor.u32 v29, v35;
	v35 =	vor.u32 s17, v11;
	[tilespmem:v56+s0+$0x0] =	vst.idx.msk $0xffff, v52;
	v52 =	vor.u32 v53, v46  }
0x244: {  	v54 =	vor.u32 s17, v14;
	v53 =	vld.idx.msk [tilespmem:v40+s22+$0x0], $0xffff;
	v40 =	vand.u32 $0x6F, v35;
	v35 =	vshll.u32 v35, $0x7;
	[tilespmem:v60+s0+$0x0] =	vst.idx.msk $0xffff, v43  }
0x245: {  	v43 =	vor.u32 v40, v28;
	v56 =	vld.idx.msk [tilespmem:v38+s22+$0x0], $0xffff;
	v38 =	vshll.u32 v57, $0x7;
	v57 =	vor.u32 s5, v18  }
0x246: {  	v40 =	vor.u32 v29, v35;
	v35 =	vor.u32 v23, v38;
	v38 =	vand.u32 $0x7F, v57  }
0x247: {  	v58 =	vand.u32 $0x6F, v54;
	v54 =	vshll.u32 v54, $0x7;
	[tilespmem:v39+s0+$0x0] =	vst.idx.msk $0xffff, v41;
	v60 =	vor.u32 v38, v27  }
0x248: {  	v41 =	vor.u32 v58, v28;
	v38 =	vshll.u32 v51, $0x7;
	v51 =	vor.u32 s18, v10;
	v52 =	vld.idx.msk [tilespmem:v52+s22+$0x0], $0xffff;
	[tilespmem:v34+s0+$0x0] =	vst.idx.msk $0xffff, v37  }
0x249: {  	v34 =	vor.u32 s17, v15;
	v58 =	vor.u32 v29, v38;
	v37 =	vand.u32 $0x7F, v51;
	v36 =	vld.idx.msk [tilespmem:v36+s22+$0x0], $0xffff  }
0x24a: {  	v38 =	vor.u32 v29, v54;
	v39 =	vand.u32 $0x6F, v34;
	[tilespmem:v50+s0+$0x0] =	vst.idx.msk $0xffff, v53;
	v50 =	vor.u32 v37, v46  }
0x24b: {  	v54 =	vor.u32 s17, v16;
	v34 =	vshll.u32 v34, $0x7;
	v39 =	vor.u32 v39, v28;
	v53 =	vld.idx.msk [tilespmem:v59+s22+$0x0], $0xffff;
	[tilespmem:v35+s0+$0x0] =	vst.idx.msk $0xffff, v56  }
0x24c: {  	v35 =	vor.u32 v29, v34;
	v34 =	vshll.u32 v57, $0x7;
	v57 =	vor.u32 s5, v19;
	v56 =	vld.idx.msk [tilespmem:v60+s22+$0x0], $0xffff  }
0x24d: {  	v37 =	vand.u32 $0x6F, v54;
	v59 =	vor.u32 v23, v34;
	v34 =	vand.u32 $0x7F, v57  }
0x24e: {  	v54 =	vshll.u32 v54, $0x7;
	v37 =	vor.u32 v37, v28;
	[tilespmem:v58+s0+$0x0] =	vst.idx.msk $0xffff, v52;
	v52 =	vor.u32 v34, v27  }
0x24f: {  	v51 =	vshll.u32 v51, $0x7;
	v60 =	vor.u32 s18, v12;
	v58 =	vor.u32 s17, v17;
	v50 =	vld.idx.msk [tilespmem:v50+s22+$0x0], $0xffff;
	[tilespmem:v32+s0+$0x0] =	vst.idx.msk $0xffff, v36  }
0x250: {  	v51 =	vor.u32 v29, v51;
	v34 =	vor.u32 v29, v54;
	v32 =	vand.u32 $0x7F, v60;
	v54 =	vld.idx.msk [tilespmem:v33+s22+$0x0], $0xffff  }
0x251: {  	v33 =	vand.u32 $0x6F, v58;
	[tilespmem:v47+s0+$0x0] =	vst.idx.msk $0xffff, v53;
	v47 =	vshll.u32 v58, $0x7;
	v53 =	vor.u32 v32, v46  }
0x252: {  	v61 =	vor.u32 s17, v19;
	v36 =	vor.u32 v33, v28;
	v58 =	vor.u32 s17, v18;
	v55 =	vld.idx.msk [tilespmem:v55+s22+$0x0], $0xffff;
	[tilespmem:v59+s0+$0x0] =	vst.idx.msk $0xffff, v56  }
0x253: {  	v33 =	vshll.u32 v57, $0x7;
	v32 =	vor.u32 v29, v47;
	v47 =	vor.u32 s5, v20;
	s5 =	smov.u32 s18;
	v56 =	vld.idx.msk [tilespmem:v52+s22+$0x0], $0xffff  }
0x254: {  	v57 =	vor.u32 v23, v33;
	v52 =	vand.u32 $0x6F, v58;
	v59 =	vand.u32 $0x7F, v47  }
.Ltmp7:
0x255: {  	v58 =	vshll.u32 v58, $0x7;
	v33 =	vor.u32 v52, v28;
	[tilespmem:v51+s0+$0x0] =	vst.idx.msk $0xffff, v50;
	v51 =	vor.u32 v59, v27;
	(pc) =	sbr.rel @p2 .LBB2_9-.Ltmp7, $4  }
0x256: {  	v0 =	vshll.u32 v60, $0x7;
	v52 =	vor.u32 s5, v13;
	v53 =	vld.idx.msk [tilespmem:v53+s22+$0x0], $0xffff;
	[tilespmem:v30+s0+$0x0] =	vst.idx.msk $0xffff, v54;
	v30 =	vor.u32 v29, v58  }
0x257: {  	v59 =	vand.u32 $0x7F, v52;
	v27 =	vmovc v46;
	v58 =	vand.u32 $0x6F, v61;
	v54 =	vor.u32 v29, v0;
	v50 =	vld.idx.msk [tilespmem:v31+s22+$0x0], $0xffff  }
0x258: {  	v46 =	vshll.u32 v61, $0x7;
	v31 =	vor.u32 v58, v28;
	[tilespmem:v48+s0+$0x0] =	vst.idx.msk $0xffff, v55;
	v55 =	vor.u32 v59, v27  }
0x259: {  	v46 =	vor.u32 v29, v46;
	v48 =	vor.u32 s17, v20;
	v49 =	vld.idx.msk [tilespmem:v49+s22+$0x0], $0xffff;
	[tilespmem:v57+s0+$0x0] =	vst.idx.msk $0xffff, v56  }
0x25a: {  	_ =	sdelay $0x3  }
0x25b: {  	v62 =	vor.u32 s5, v11;
	v52 =	vshll.u32 v52, $0x7;
	[tilespmem:v54+s0+$0x0] =	vst.idx.msk $0xffff, v53  }
0x25c: {  	v52 =	vor.u32 v29, v52;
	v63 =	vand.u32 $0x7F, v62;
	v54 =	vld.idx.msk [tilespmem:v55+s22+$0x0], $0xffff;
	[tilespmem:v44+s0+$0x0] =	vst.idx.msk $0xffff, v49  }
0x25d: {  	v56 =	vor.u32 v63, v27;
	v45 =	vld.idx.msk [tilespmem:v45+s22+$0x0], $0xffff;
	_ =	sdelay $0x3  }
0x25e: {  	v58 =	vor.u32 s5, v14;
	v57 =	vshll.u32 v62, $0x7;
	[tilespmem:v52+s0+$0x0] =	vst.idx.msk $0xffff, v54  }
0x25f: {  	v59 =	vand.u32 $0x7F, v58;
	v49 =	vor.u32 v29, v57;
	v44 =	vld.idx.msk [tilespmem:v56+s22+$0x0], $0xffff;
	[tilespmem:v42+s0+$0x0] =	vst.idx.msk $0xffff, v45  }
0x260: {  	v60 =	vor.u32 v59, v27;
	v43 =	vld.idx.msk [tilespmem:v43+s22+$0x0], $0xffff;
	_ =	sdelay $0x3  }
0x261: {  	v61 =	vshll.u32 v58, $0x7;
	v62 =	vor.u32 s5, v15;
	[tilespmem:v49+s0+$0x0] =	vst.idx.msk $0xffff, v44  }
0x262: {  	v63 =	vand.u32 $0x7F, v62;
	v44 =	vor.u32 v29, v61;
	v42 =	vld.idx.msk [tilespmem:v60+s22+$0x0], $0xffff;
	[tilespmem:v40+s0+$0x0] =	vst.idx.msk $0xffff, v43  }
0x263: {  	v49 =	vor.u32 v63, v27;
	v41 =	vld.idx.msk [tilespmem:v41+s22+$0x0], $0xffff;
	_ =	sdelay $0x3  }
0x264: {  	v53 =	vor.u32 s5, v16;
	v52 =	vshll.u32 v62, $0x7;
	[tilespmem:v44+s0+$0x0] =	vst.idx.msk $0xffff, v42  }
0x265: {  	v54 =	vand.u32 $0x7F, v53;
	v42 =	vor.u32 v29, v52;
	v40 =	vld.idx.msk [tilespmem:v49+s22+$0x0], $0xffff;
	[tilespmem:v38+s0+$0x0] =	vst.idx.msk $0xffff, v41  }
0x266: {  	v55 =	vor.u32 v54, v27;
	v39 =	vld.idx.msk [tilespmem:v39+s22+$0x0], $0xffff;
	_ =	sdelay $0x3  }
0x267: {  	v57 =	vor.u32 s5, v17;
	v56 =	vshll.u32 v53, $0x7;
	[tilespmem:v42+s0+$0x0] =	vst.idx.msk $0xffff, v40  }
0x268: {  	v58 =	vand.u32 $0x7F, v57;
	v40 =	vor.u32 v29, v56;
	v38 =	vld.idx.msk [tilespmem:v55+s22+$0x0], $0xffff;
	[tilespmem:v35+s0+$0x0] =	vst.idx.msk $0xffff, v39  }
0x269: {  	v59 =	vor.u32 v58, v27;
	v37 =	vld.idx.msk [tilespmem:v37+s22+$0x0], $0xffff;
	_ =	sdelay $0x3  }
0x26a: {  	v61 =	vor.u32 s5, v18;
	v60 =	vshll.u32 v57, $0x7;
	[tilespmem:v40+s0+$0x0] =	vst.idx.msk $0xffff, v38  }
0x26b: {  	v62 =	vand.u32 $0x7F, v61;
	v38 =	vor.u32 v29, v60;
	v35 =	vld.idx.msk [tilespmem:v59+s22+$0x0], $0xffff;
	[tilespmem:v34+s0+$0x0] =	vst.idx.msk $0xffff, v37  }
0x26c: {  	v63 =	vor.u32 v62, v27;
	v36 =	vld.idx.msk [tilespmem:v36+s22+$0x0], $0xffff;
	_ =	sdelay $0x3  }
0x26d: {  	v41 =	vor.u32 s5, v19;
	v40 =	vshll.u32 v61, $0x7;
	[tilespmem:v38+s0+$0x0] =	vst.idx.msk $0xffff, v35  }
0x26e: {  	v42 =	vand.u32 $0x7F, v41;
	v35 =	vor.u32 v29, v40;
	v34 =	vld.idx.msk [tilespmem:v63+s22+$0x0], $0xffff;
	[tilespmem:v32+s0+$0x0] =	vst.idx.msk $0xffff, v36  }
0x26f: {  	v43 =	vor.u32 v42, v27;
	v33 =	vld.idx.msk [tilespmem:v33+s22+$0x0], $0xffff;
	_ =	sdelay $0x3  }
0x270: {  	v45 =	vor.u32 s5, v20;
	v44 =	vshll.u32 v41, $0x7;
	[tilespmem:v35+s0+$0x0] =	vst.idx.msk $0xffff, v34  }
0x271: {  	v49 =	vand.u32 $0x7F, v45;
	v34 =	vor.u32 v29, v44;
	v32 =	vld.idx.msk [tilespmem:v43+s22+$0x0], $0xffff;
	[tilespmem:v30+s0+$0x0] =	vst.idx.msk $0xffff, v33  }
0x272: {  	v27 =	vor.u32 v49, v27;
	v30 =	vand.u32 $0x6F, v48;
	v31 =	vld.idx.msk [tilespmem:v31+s22+$0x0], $0xffff  }
0x273: {  	v28 =	vor.u32 v30, v28  }
0x274: {  	[tilespmem:v24+s0+$0x0] =	vst.idx.msk $0xffff, v50  }
0x275: {  	v24 =	vld.idx.msk [tilespmem:v26+s22+$0x0], $0xffff;
	v30 =	vshll.u32 v47, $0x7  }
0x276: {  	v26 =	vshll.u32 v45, $0x7;
	v52 =	vld.idx.msk [tilespmem:v51+s22+$0x0], $0xffff;
	v23 =	vor.u32 v23, v30;
	[tilespmem:v34+s0+$0x0] =	vst.idx.msk $0xffff, v32  }
0x277: {  	v26 =	vor.u32 v29, v26;
	v30 =	vshll.u32 v48, $0x7;
	v27 =	vld.idx.msk [tilespmem:v27+s22+$0x0], $0xffff;
	[tilespmem:v46+s0+$0x0] =	vst.idx.msk $0xffff, v31  }
0x278: {  	v29 =	vor.u32 v29, v30;
	v28 =	vld.idx.msk [tilespmem:v28+s22+$0x0], $0xffff;
	_ =	sdelay $0x1  }
0x279: {  	[tilespmem:v25+s0+$0x0] =	vst.idx.msk $0xffff, v24  }
0x27a: {  	[tilespmem:v23+s0+$0x0] =	vst.idx.msk $0xffff, v52  }
0x27b: {  	[tilespmem:v26+s0+$0x0] =	vst.idx.msk $0xffff, v27  }
0x27c: {  	[tilespmem:v29+s0+$0x0] =	vst.idx.msk $0xffff, v28  }
0x27d: {  	v23 =	vld [tilespmem:s13+$0xC0]  }
0x27e: {  	v0 =	vld [tilespmem:$0x1FFE0];
	_ =	sdelay $0x4  }
0x27f: {  	v24 =	vadd.s32 v0, v23  }
0x280: {  	[tilespmem:$0x480] =	vst v24  }
0x281: {  	v25 =	vld [tilespmem:s13+$0xD0];
	_ =	sdelay $0x4  }
0x282: {  	v25 =	vadd.s32 v0, v25  }
0x283: {  	[tilespmem:$0x490] =	vst v25  }
0x284: {  	v25 =	vld [tilespmem:s13+$0xE0];
	_ =	sdelay $0x1  }
0x285: {  	v2 =	vld [tilespmem:$0x1FFF0];
	_ =	sdelay $0x1  }
0x286: {  	v24 =	vshll.u32 v24, $0x1  }
0x287: {  	v23 =	vand.u32 $0x7, v23;
	v24 =	vand.u32 $0xFFFFFFF0, v24;
	v25 =	vadd.s32 v0, v25  }
0x288: {  	v23 =	vor.u32 v23, v24;
	[tilespmem:$0x4A0] =	vst v25  }
0x289: {  	v25 =	vperm.xlane v23, v2;
	v24 =	vld [tilespmem:s13+$0xF0];
	_ =	sdelay $0x1  }
0x28a: {  	v23 =	vperm.xlane v23, v4;
	v25 =	vadd.s32 v3, v25;
	_ =	sdelay $0x1  }
0x28b: {  	v23 =	vadd.s32 v3, v23  }
0x28c: {  	v24 =	vadd.s32 v0, v24  }
0x28d: {  	[tilespmem:$0x4B0] =	vst v24  }
0x28e: {  	[tilespmem:s22], [sflag:$0x2] =	stream.indirect_vreg.gather [hbm4b:s1+s4], $0x80, v25, vm0, $0xb8;
	[tilespmem:$0x1F380] =	vst v63  }
0x28f: {  	_ = 	snop  }
0x290: {  	[tilespmem:s23], [sflag:$0x2] =	stream.indirect_vreg.gather [hbm4b:s1+s4], $0x80, v23, vm0, $0xb8;
	[tilespmem:$0x1F380] =	vst v63  }
0x291: {  	v23 =	vld [tilespmem:$0x490];
	_ =	sdelay $0x4  }
0x292: {  	v24 =	vshll.u32 v23, $0x1  }
0x293: {  	v23 =	vand.u32 $0x7, v23;
	v24 =	vand.u32 $0xFFFFFFF0, v24  }
0x294: {  	v23 =	vor.u32 v23, v24  }
0x295: {  	v24 =	vperm.xlane v23, v2;
	_ =	sdelay $0x1  }
0x296: {  	v23 =	vperm.xlane v23, v4;
	v24 =	vadd.s32 v3, v24;
	_ =	sdelay $0x1  }
0x297: {  	v23 =	vadd.s32 v3, v23;
	_ =	sdelay $0x2  }
0x298: {  	[tilespmem:s24], [sflag:$0x2] =	stream.indirect_vreg.gather [hbm4b:s1+s4], $0x80, v24, vm0, $0xb8;
	[tilespmem:$0x1F380] =	vst v63  }
0x299: {  	_ = 	snop  }
0x29a: {  	[tilespmem:s25], [sflag:$0x2] =	stream.indirect_vreg.gather [hbm4b:s1+s4], $0x80, v23, vm0, $0xb8;
	[tilespmem:$0x1F380] =	vst v63  }
0x29b: {  	v23 =	vld [tilespmem:$0x4A0];
	_ =	sdelay $0x4  }
0x29c: {  	v24 =	vshll.u32 v23, $0x1  }
0x29d: {  	v23 =	vand.u32 $0x7, v23;
	v24 =	vand.u32 $0xFFFFFFF0, v24  }
0x29e: {  	v23 =	vor.u32 v23, v24  }
0x29f: {  	v24 =	vperm.xlane v23, v2;
	_ =	sdelay $0x1  }
0x2a0: {  	v23 =	vperm.xlane v23, v4;
	v24 =	vadd.s32 v3, v24;
	_ =	sdelay $0x1  }
0x2a1: {  	v23 =	vadd.s32 v3, v23;
	_ =	sdelay $0x2  }
0x2a2: {  	[tilespmem:s26], [sflag:$0x2] =	stream.indirect_vreg.gather [hbm4b:s1+s4], $0x80, v24, vm0, $0xb8;
	[tilespmem:$0x1F380] =	vst v63  }
0x2a3: {  	_ = 	snop  }
0x2a4: {  	[tilespmem:s28], [sflag:$0x2] =	stream.indirect_vreg.gather [hbm4b:s1+s4], $0x80, v23, vm0, $0xb8;
	[tilespmem:$0x1F380] =	vst v63  }
0x2a5: {  	v23 =	vld [tilespmem:$0x4B0];
	_ =	sdelay $0x4  }
0x2a6: {  	v24 =	vshll.u32 v23, $0x1  }
0x2a7: {  	v23 =	vand.u32 $0x7, v23;
	v24 =	vand.u32 $0xFFFFFFF0, v24  }
0x2a8: {  	v23 =	vor.u32 v23, v24  }
0x2a9: {  	v24 =	vperm.xlane v23, v2;
	_ =	sdelay $0x1  }
0x2aa: {  	v23 =	vperm.xlane v23, v4;
	v24 =	vadd.s32 v3, v24;
	_ =	sdelay $0x1  }
0x2ab: {  	v23 =	vadd.s32 v3, v23  }
0x2ac: {  	s18 =	sshll.u32 s10, $0xB;
	s15 =	simm.s32 $0x0  }
0x2ad: {  	s16 =	simm.s32 $0x0;
	s17 =	sadd.s32 s9, s18;
	s19 =	sand.u32 $0xE0, s15  }
0x2ae: {  	[tilespmem:s29], [sflag:$0x2] =	stream.indirect_vreg.gather [hbm4b:s1+s4], $0x80, v24, vm0, $0xb8;
	[tilespmem:$0x1F380] =	vst v63  }
0x2af: {  	s16 =	sand.u32 $0x30, s16;
	s18 =	sshrl.u32 s17, $0x3;
	s17 =	sor.u32 $0x10, s19  }
0x2b0: {  	[tilespmem:s30], [sflag:$0x2] =	stream.indirect_vreg.gather [hbm4b:s1+s4], $0x80, v23, vm0, $0xb8;
	v23 =	vor.u32 s16, v1;
	[tilespmem:$0x1F380] =	vst v63  }
0x2b1: {  	s15 =	sadd.s32 s3, s18;
	v54 =	vor.u32 s19, v7;
	v24 =	vmov s17;
	v25 =	vshll.u32 v23, $0x8  }
0x2b2: {  	v26 =	vor.u32 s17, v1;
	v24 =	vshll.u32 v24, $0x3;
	[hbm4b:s15+s12] =	stream.strided.scatter [tilespmem:s0], [sflag:$0x3], $0x8000, s7, s12, $0x38;
	v25 =	vand.u32 $0x3800, v25;
	[tilespmem:$0x1F380] =	vst v63  }
0x2b3: {  	v27 =	vmov s19;
	v24 =	vand.u32 $0x400, v24;
	s15 =	simm.s32 @!p1 $0x4;
	v25 =	vor.u32 v5, v25  }
0x2b4: {  	v27 =	vshll.u32 v27, $0x3;
	v28 =	vand.u32 $0x7F, v26;
	_ =	swait.ge @!p1 [sflag:s15], $0x8000;
	v35 =	vor.u32 v24, v25  }
0x2b5: {  	v27 =	vand.u32 $0x400, v27;
	[sflag:s15] =	ssyncset.done @!p1 $0x0;
	v24 =	vor.u32 s19, v1;
	v28 =	vor.u32 v28, v35  }
0x2b6: {  	v56 =	vand.u32 $0x6F, v54;
	v25 =	vor.u32 v27, v25;
	[sflag:s15] =	ssyncadd.s32 @!p1 $0xFFFF8000;
	v29 =	vand.u32 $0x6F, v24  }
0x2b7: {  	v41 =	vor.u32 s19, v12;
	v55 =	vor.u32 s19, v8;
	_ =	swait.ge [sflag:s31], $0x4000;
	v29 =	vor.u32 v29, v25  }
0x2b8: {  	v57 =	vand.u32 $0x6F, v55;
	v60 =	vor.u32 s19, v9;
	v61 =	vor.u32 s19, v10;
	[sflag:s31] =	ssyncset.done $0x0  }
0x2b9: {  	v59 =	vor.u32 s17, v7;
	v31 =	vor.u32 s17, v6;
	v26 =	vshll.u32 v26, $0x7;
	[sflag:s31] =	ssyncadd.s32 $0xFFFFC000  }
0x2ba: {  	v62 =	vand.u32 $0x6F, v60;
	v53 =	vand.u32 $0x7F, v31;
	v26 =	vor.u32 v23, v26;
	v28 =	vld.idx.msk [tilespmem:v28+s14+$0x0], $0xffff  }
0x2bb: {  	v27 =	vor.u32 s19, v6;
	v24 =	vshll.u32 v24, $0x7;
	v32 =	vor.u32 v53, v35  }
0x2bc: {  	v40 =	vor.u32 s17, v8;
	v30 =	vand.u32 $0x6F, v27;
	v24 =	vor.u32 v23, v24;
	v29 =	vld.idx.msk [tilespmem:v29+s14+$0x0], $0xffff  }
0x2bd: {  	v63 =	vand.u32 $0x6F, v61;
	v42 =	vand.u32 $0x7F, v40;
	v30 =	vor.u32 v30, v25  }
0x2be: {  	v33 =	vshll.u32 v54, $0x7;
	v47 =	vor.u32 s19, v13;
	v34 =	vshll.u32 v55, $0x7  }
0x2bf: {  	v31 =	vshll.u32 v31, $0x7;
	v33 =	vor.u32 v23, v33;
	v36 =	vor.u32 v56, v25;
	[tilespmem:v26+s8+$0x0] =	vst.idx.msk $0xffff, v28  }
0x2c0: {  	v58 =	vor.u32 v57, v25;
	v26 =	vor.u32 v23, v31;
	v28 =	vand.u32 $0x7F, v59;
	v32 =	vld.idx.msk [tilespmem:v32+s14+$0x0], $0xffff  }
0x2c1: {  	v27 =	vshll.u32 v27, $0x7;
	v44 =	vor.u32 v62, v25;
	v28 =	vor.u32 v28, v35;
	[tilespmem:v24+s8+$0x0] =	vst.idx.msk $0xffff, v29  }
0x2c2: {  	v46 =	vor.u32 v63, v25;
	v56 =	vor.u32 s19, v15;
	v27 =	vor.u32 v23, v27;
	v30 =	vld.idx.msk [tilespmem:v30+s14+$0x0], $0xffff  }
0x2c3: {  	v62 =	vor.u32 s17, v12;
	v31 =	vor.u32 v23, v34;
	v34 =	vshll.u32 v60, $0x7  }
0x2c4: {  	v60 =	vor.u32 s19, v16;
	v45 =	vor.u32 v23, v34;
	v24 =	vshll.u32 v61, $0x7  }
0x2c5: {  	v29 =	vshll.u32 v59, $0x7;
	v49 =	vor.u32 v23, v24;
	v24 =	vand.u32 $0x6F, v41;
	[tilespmem:v26+s8+$0x0] =	vst.idx.msk $0xffff, v32  }
0x2c6: {  	v29 =	vor.u32 v23, v29;
	v50 =	vor.u32 v24, v25;
	v24 =	vshll.u32 v41, $0x7;
	v28 =	vld.idx.msk [tilespmem:v28+s14+$0x0], $0xffff  }
0x2c7: {  	v51 =	vor.u32 v23, v24;
	v24 =	vand.u32 $0x6F, v47;
	v26 =	vor.u32 v42, v35;
	[tilespmem:v27+s8+$0x0] =	vst.idx.msk $0xffff, v30  }
0x2c8: {  	v34 =	vshll.u32 v40, $0x7;
	v52 =	vor.u32 v24, v25;
	v24 =	vor.u32 s19, v11;
	v53 =	vld.idx.msk [tilespmem:v36+s14+$0x0], $0xffff  }
0x2c9: {  	v32 =	vshll.u32 v47, $0x7;
	v55 =	vand.u32 $0x6F, v24;
	v24 =	vshll.u32 v24, $0x7  }
0x2ca: {  	v27 =	vor.u32 s17, v9;
	v41 =	vor.u32 v23, v32;
	v30 =	vor.u32 v23, v34  }
0x2cb: {  	v42 =	vor.u32 v55, v25;
	v39 =	vor.u32 v23, v24;
	v54 =	vand.u32 $0x7F, v27;
	[tilespmem:v29+s8+$0x0] =	vst.idx.msk $0xffff, v28  }
0x2cc: {  	v32 =	vshll.u32 v60, $0x7;
	v28 =	vor.u32 v54, v35;
	v29 =	vor.u32 s19, v14;
	v26 =	vld.idx.msk [tilespmem:v26+s14+$0x0], $0xffff  }
0x2cd: {  	v24 =	vand.u32 $0x6F, v29;
	v29 =	vshll.u32 v29, $0x7;
	[tilespmem:v33+s8+$0x0] =	vst.idx.msk $0xffff, v53;
	v33 =	vor.u32 v23, v32  }
0x2ce: {  	v40 =	vor.u32 v24, v25;
	v37 =	vor.u32 v23, v29;
	v29 =	vand.u32 $0x6F, v56  }
0x2cf: {  	v24 =	vshll.u32 v27, $0x7;
	v27 =	vor.u32 s17, v10;
	v38 =	vor.u32 v29, v25;
	v29 =	vld.idx.msk [tilespmem:v58+s14+$0x0], $0xffff  }
0x2d0: {  	v24 =	vor.u32 v23, v24;
	v57 =	vand.u32 $0x7F, v27;
	v58 =	vshll.u32 v56, $0x7  }
0x2d1: {  	v27 =	vshll.u32 v27, $0x7;
	v59 =	vor.u32 v57, v35;
	v34 =	vor.u32 v23, v58;
	[tilespmem:v30+s8+$0x0] =	vst.idx.msk $0xffff, v26  }
0x2d2: {  	v63 =	vor.u32 v23, v27;
	v27 =	vand.u32 $0x7F, v62;
	v58 =	vor.u32 s19, v19;
	v28 =	vld.idx.msk [tilespmem:v28+s14+$0x0], $0xffff  }
0x2d3: {  	s16 =	simm.s32 $0x20;
	v57 =	vor.u32 v27, v35;
	v26 =	vor.u32 s19, v17;
	v30 =	vand.u32 $0x6F, v60  }
0x2d4: {  	s18 =	sand.u32 $0xE0, s16;
	v61 =	vand.u32 $0x6F, v26;
	v26 =	vshll.u32 v26, $0x7;
	[tilespmem:v31+s8+$0x0] =	vst.idx.msk $0xffff, v29;
	v29 =	vor.u32 s19, v18  }
0x2d5: {  	s5 =	sor.u32 $0x10, s18;
	v36 =	vor.u32 v30, v25;
	v30 =	vor.u32 v23, v26;
	v27 =	vld.idx.msk [tilespmem:v44+s14+$0x0], $0xffff;
	v26 =	vand.u32 $0x6F, v29  }
0x2d6: {  	v53 =	vor.u32 s5, v1;
	v31 =	vor.u32 v26, v25;
	v26 =	vand.u32 $0x6F, v58  }
0x2d7: {  	v32 =	vor.u32 v61, v25;
	v61 =	vmov s18;
	v47 =	vor.u32 v26, v25;
	[tilespmem:v24+s8+$0x0] =	vst.idx.msk $0xffff, v28  }
0x2d8: {  	v26 =	vshll.u32 v58, $0x7;
	v24 =	vshll.u32 v29, $0x7;
	v29 =	vor.u32 s17, v13;
	v28 =	vld.idx.msk [tilespmem:v59+s14+$0x0], $0xffff  }
0x2d9: {  	v48 =	vor.u32 v23, v24;
	v24 =	vshll.u32 v62, $0x7;
	v59 =	vand.u32 $0x7F, v29  }
0x2da: {  	v29 =	vshll.u32 v29, $0x7;
	v62 =	vand.u32 $0x7F, v53;
	v43 =	vor.u32 v23, v24;
	[tilespmem:v45+s8+$0x0] =	vst.idx.msk $0xffff, v27  }
0x2db: {  	s15 =	simm.s32 $0x2;
	v24 =	vor.u32 v23, v26;
	v26 =	vor.u32 s19, v20;
	v44 =	vor.u32 v59, v35;
	v45 =	vld.idx.msk [tilespmem:v46+s14+$0x0], $0xffff  }
0x2dc: {  	s19 =	sand.u32 $0x30, s15;
	v27 =	vand.u32 $0x6F, v26;
	v26 =	vshll.u32 v26, $0x7;
	v46 =	vor.u32 s17, v11  }
0x2dd: {  	v27 =	vor.u32 v27, v25;
	v26 =	vor.u32 v23, v26;
	v25 =	vor.u32 s19, v1;
	[tilespmem:v63+s8+$0x0] =	vst.idx.msk $0xffff, v28  }
0x2de: {  	v56 =	vand.u32 $0x7F, v46;
	v46 =	vshll.u32 v46, $0x7;
	v60 =	vshll.u32 v25, $0x8;
	v54 =	vld.idx.msk [tilespmem:v57+s14+$0x0], $0xffff  }
0x2df: {  	v46 =	vor.u32 v23, v46;
	v28 =	vmov s5;
	v55 =	vand.u32 $0x3800, v60  }
0x2e0: {  	v63 =	vor.u32 s18, v1;
	v28 =	vshll.u32 v28, $0x3;
	v57 =	vor.u32 v23, v29;
	[tilespmem:v49+s8+$0x0] =	vst.idx.msk $0xffff, v45  }
0x2e1: {  	v29 =	vor.u32 v5, v55;
	v55 =	vor.u32 v56, v35;
	v60 =	vand.u32 $0x6F, v63;
	v50 =	vld.idx.msk [tilespmem:v50+s14+$0x0], $0xffff  }
0x2e2: {  	v56 =	vor.u32 s17, v14;
	v28 =	vand.u32 $0x400, v28;
	v45 =	vshll.u32 v61, $0x3  }
0x2e3: {  	v61 =	vshll.u32 v63, $0x7;
	v59 =	vand.u32 $0x7F, v56;
	v28 =	vor.u32 v28, v29;
	[tilespmem:v43+s8+$0x0] =	vst.idx.msk $0xffff, v54  }
0x2e4: {  	v63 =	vshll.u32 v53, $0x7;
	v45 =	vand.u32 $0x400, v45;
	v49 =	vor.u32 v62, v28;
	v44 =	vld.idx.msk [tilespmem:v44+s14+$0x0], $0xffff  }
0x2e5: {  	v29 =	vor.u32 v45, v29;
	v45 =	vor.u32 v25, v61;
	v62 =	vor.u32 s18, v6  }
0x2e6: {  	v58 =	vand.u32 $0x6F, v62;
	v61 =	vshll.u32 v62, $0x7;
	v62 =	vor.u32 s18, v7;
	[tilespmem:v51+s8+$0x0] =	vst.idx.msk $0xffff, v50  }
0x2e7: {  	v53 =	vor.u32 v59, v35;
	v43 =	vor.u32 v60, v29;
	v54 =	vshll.u32 v62, $0x7;
	v52 =	vld.idx.msk [tilespmem:v52+s14+$0x0], $0xffff  }
0x2e8: {  	v58 =	vor.u32 v58, v29;
	v54 =	vor.u32 v25, v54;
	v51 =	vor.u32 s5, v6  }
0x2e9: {  	v56 =	vshll.u32 v56, $0x7;
	v50 =	vor.u32 v25, v63;
	v60 =	vand.u32 $0x7F, v51;
	v49 =	vld.idx.msk [tilespmem:v49+s14+$0x0], $0xffff;
	[tilespmem:v57+s8+$0x0] =	vst.idx.msk $0xffff, v44  }
0x2ea: {  	v63 =	vand.u32 $0x6F, v62;
	v51 =	vshll.u32 v51, $0x7;
	v57 =	vor.u32 v60, v28;
	v55 =	vld.idx.msk [tilespmem:v55+s14+$0x0], $0xffff  }
0x2eb: {  	v59 =	vor.u32 v63, v29;
	v51 =	vor.u32 v25, v51;
	v60 =	vor.u32 s18, v8  }
0x2ec: {  	v62 =	vor.u32 s17, v15;
	v43 =	vld.idx.msk [tilespmem:v43+s14+$0x0], $0xffff;
	v44 =	vor.u32 v25, v61;
	v61 =	vand.u32 $0x6F, v60;
	[tilespmem:v41+s8+$0x0] =	vst.idx.msk $0xffff, v52  }
0x2ed: {  	v60 =	vshll.u32 v60, $0x7;
	v41 =	vor.u32 v61, v29;
	v52 =	vor.u32 v23, v56;
	v42 =	vld.idx.msk [tilespmem:v42+s14+$0x0], $0xffff  }
0x2ee: {  	v56 =	vand.u32 $0x7F, v62;
	v61 =	vor.u32 s5, v7;
	v60 =	vor.u32 v25, v60;
	[tilespmem:v50+s8+$0x0] =	vst.idx.msk $0xffff, v49  }
0x2ef: {  	v50 =	vor.u32 s18, v10;
	v57 =	vld.idx.msk [tilespmem:v57+s14+$0x0], $0xffff;
	[tilespmem:v46+s8+$0x0] =	vst.idx.msk $0xffff, v55;
	v55 =	vand.u32 $0x7F, v61;
	v46 =	vor.u32 s18, v9  }
0x2f0: {  	v56 =	vor.u32 v56, v35;
	v53 =	vld.idx.msk [tilespmem:v53+s14+$0x0], $0xffff;
	v55 =	vor.u32 v55, v28;
	v63 =	vand.u32 $0x6F, v46  }
0x2f1: {  	[tilespmem:v45+s8+$0x0] =	vst.idx.msk $0xffff, v43;
	v43 =	vshll.u32 v50, $0x7;
	v46 =	vshll.u32 v46, $0x7;
	v49 =	vor.u32 v63, v29  }
0x2f2: {  	v63 =	vor.u32 v25, v46;
	v46 =	vand.u32 $0x6F, v50;
	[tilespmem:v39+s8+$0x0] =	vst.idx.msk $0xffff, v42;
	v42 =	vor.u32 s17, v16;
	v50 =	vld.idx.msk [tilespmem:v58+s14+$0x0], $0xffff  }
0x2f3: {  	v0 =	vor.u32 v46, v29;
	v46 =	vshll.u32 v62, $0x7;
	v40 =	vld.idx.msk [tilespmem:v40+s14+$0x0], $0xffff;
	v45 =	vand.u32 $0x7F, v42  }
0x2f4: {  	v62 =	vshll.u32 v61, $0x7;
	v61 =	vor.u32 v25, v43;
	v42 =	vshll.u32 v42, $0x7;
	[tilespmem:v51+s8+$0x0] =	vst.idx.msk $0xffff, v57  }
0x2f5: {  	v39 =	vor.u32 v23, v46;
	v45 =	vor.u32 v45, v35;
	[tilespmem:v52+s8+$0x0] =	vst.idx.msk $0xffff, v53;
	v55 =	vld.idx.msk [tilespmem:v55+s14+$0x0], $0xffff  }
0x2f6: {  	v58 =	vor.u32 v25, v62;
	v52 =	vor.u32 s5, v8;
	v53 =	vld.idx.msk [tilespmem:v56+s14+$0x0], $0xffff;
	v56 =	vor.u32 s18, v12  }
0x2f7: {  	v46 =	vand.u32 $0x7F, v52;
	[tilespmem:v44+s8+$0x0] =	vst.idx.msk $0xffff, v50;
	v50 =	vor.u32 s17, v17;
	v57 =	vand.u32 $0x6F, v56  }
0x2f8: {  	v51 =	vor.u32 v46, v28;
	v62 =	vshll.u32 v56, $0x7;
	v56 =	vor.u32 s18, v13;
	[tilespmem:v37+s8+$0x0] =	vst.idx.msk $0xffff, v40  }
0x2f9: {  	v37 =	vor.u32 v23, v42;
	v46 =	vor.u32 v57, v29;
	v43 =	vor.u32 v25, v62;
	v38 =	vld.idx.msk [tilespmem:v38+s14+$0x0], $0xffff  }
0x2fa: {  	v62 =	vand.u32 $0x6F, v56;
	v40 =	vshll.u32 v56, $0x7;
	v56 =	vld.idx.msk [tilespmem:v59+s14+$0x0], $0xffff;
	v59 =	vand.u32 $0x7F, v50  }
0x2fb: {  	v44 =	vor.u32 v62, v29;
	v62 =	vshll.u32 v52, $0x7;
	v52 =	vor.u32 s5, v9;
	[tilespmem:v58+s8+$0x0] =	vst.idx.msk $0xffff, v55  }
0x2fc: {  	v57 =	vor.u32 v59, v35;
	v42 =	vor.u32 v25, v40;
	v59 =	vand.u32 $0x7F, v52;
	[tilespmem:v39+s8+$0x0] =	vst.idx.msk $0xffff, v53  }
0x2fd: {  	v40 =	vor.u32 v25, v62;
	v39 =	vor.u32 s18, v11;
	v58 =	vor.u32 v59, v28;
	v53 =	vld.idx.msk [tilespmem:v45+s14+$0x0], $0xffff  }
0x2fe: {  	v59 =	vor.u32 s18, v14;
	v51 =	vld.idx.msk [tilespmem:v51+s14+$0x0], $0xffff;
	v62 =	vand.u32 $0x6F, v39;
	v39 =	vshll.u32 v39, $0x7  }
0x2ff: {  	[tilespmem:v34+s8+$0x0] =	vst.idx.msk $0xffff, v38;
	v45 =	vor.u32 v62, v29;
	v39 =	vor.u32 v25, v39;
	v62 =	vand.u32 $0x6F, v59  }
0x300: {  	[tilespmem:v54+s8+$0x0] =	vst.idx.msk $0xffff, v56;
	v34 =	vshll.u32 v59, $0x7;
	v56 =	vshll.u32 v50, $0x7;
	v50 =	vor.u32 s17, v18;
	v36 =	vld.idx.msk [tilespmem:v36+s14+$0x0], $0xffff  }
0x301: {  	v54 =	vor.u32 s18, v15;
	v55 =	vld.idx.msk [tilespmem:v41+s14+$0x0], $0xffff;
	v41 =	vor.u32 v62, v29;
	v59 =	vand.u32 $0x7F, v50  }
0x302: {  	v62 =	vshll.u32 v52, $0x7;
	v38 =	vand.u32 $0x6F, v54;
	v52 =	vor.u32 v59, v35;
	[tilespmem:v37+s8+$0x0] =	vst.idx.msk $0xffff, v53  }
0x303: {  	v37 =	vor.u32 v25, v34;
	v34 =	vor.u32 v23, v56;
	[tilespmem:v40+s8+$0x0] =	vst.idx.msk $0xffff, v51;
	v51 =	vor.u32 s5, v10  }
0x304: {  	v40 =	vor.u32 v38, v29;
	v53 =	vld.idx.msk [tilespmem:v57+s14+$0x0], $0xffff;
	v57 =	vor.u32 v25, v62;
	v62 =	vand.u32 $0x7F, v51  }
0x305: {  	v59 =	vshll.u32 v54, $0x7;
	v56 =	vld.idx.msk [tilespmem:v58+s14+$0x0], $0xffff;
	v51 =	vshll.u32 v51, $0x7;
	[tilespmem:v33+s8+$0x0] =	vst.idx.msk $0xffff, v36;
	v54 =	vor.u32 v62, v28  }
0x306: {  	[tilespmem:v60+s8+$0x0] =	vst.idx.msk $0xffff, v55;
	v36 =	vor.u32 v25, v59;
	v60 =	vor.u32 s18, v16;
	v55 =	vor.u32 s18, v17;
	v32 =	vld.idx.msk [tilespmem:v32+s14+$0x0], $0xffff  }
0x307: {  	v51 =	vor.u32 v25, v51;
	v59 =	vor.u32 s18, v19;
	v62 =	vand.u32 $0x6F, v60  }
0x308: {  	v49 =	vld.idx.msk [tilespmem:v49+s14+$0x0], $0xffff;
	v33 =	vshll.u32 v60, $0x7;
	v58 =	vand.u32 $0x6F, v55;
	v60 =	vshll.u32 v50, $0x7  }
0x309: {  	v38 =	vor.u32 v62, v29;
	v33 =	vor.u32 v25, v33;
	[tilespmem:v34+s8+$0x0] =	vst.idx.msk $0xffff, v53;
	v53 =	vor.u32 s17, v19  }
0x30a: {  	v50 =	vor.u32 v23, v60;
	[tilespmem:v57+s8+$0x0] =	vst.idx.msk $0xffff, v56;
	v57 =	vor.u32 s5, v12;
	v52 =	vld.idx.msk [tilespmem:v52+s14+$0x0], $0xffff;
	v62 =	vand.u32 $0x7F, v53  }
0x30b: {  	v60 =	vor.u32 s18, v18;
	v54 =	vld.idx.msk [tilespmem:v54+s14+$0x0], $0xffff;
	v56 =	vor.u32 v62, v35;
	[tilespmem:v30+s8+$0x0] =	vst.idx.msk $0xffff, v32;
	v30 =	vand.u32 $0x7F, v57  }
0x30c: {  	v34 =	vor.u32 v58, v29;
	v58 =	vld.idx.msk [tilespmem:v31+s14+$0x0], $0xffff;
	v31 =	vshll.u32 v55, $0x7;
	v55 =	vor.u32 v30, v28  }
0x30d: {  	[tilespmem:v63+s8+$0x0] =	vst.idx.msk $0xffff, v49;
	v49 =	vshll.u32 v60, $0x7;
	v62 =	vand.u32 $0x6F, v59;
	v63 =	vshll.u32 v53, $0x7  }
0x30e: {  	v0 =	vld.idx.msk [tilespmem:v0+s14+$0x0], $0xffff;
	v30 =	vand.u32 $0x6F, v60;
	v53 =	vor.u32 v62, v29;
	v32 =	vor.u32 v25, v31  }
0x30f: {  	v31 =	vor.u32 v30, v29;
	v30 =	vor.u32 v25, v49;
	v49 =	vor.u32 s17, v20;
	[tilespmem:v50+s8+$0x0] =	vst.idx.msk $0xffff, v52  }
0x310: {  	v57 =	vshll.u32 v57, $0x7;
	v60 =	vand.u32 $0x7F, v49;
	[tilespmem:v51+s8+$0x0] =	vst.idx.msk $0xffff, v54;
	v52 =	vor.u32 v23, v63;
	v50 =	vld.idx.msk [tilespmem:v56+s14+$0x0], $0xffff  }
0x311: {  	v62 =	vshll.u32 v59, $0x7;
	v54 =	vor.u32 v60, v35;
	v56 =	vld.idx.msk [tilespmem:v55+s14+$0x0], $0xffff;
	v55 =	vor.u32 s5, v13  }
0x312: {  	v57 =	vor.u32 v25, v57;
	v35 =	vor.u32 s18, v20;
	[tilespmem:v48+s8+$0x0] =	vst.idx.msk $0xffff, v58;
	v63 =	vand.u32 $0x7F, v55  }
0x313: {  	s11 =	sor.u32 $0x1, s11;
	[tilespmem:v61+s8+$0x0] =	vst.idx.msk $0xffff, v0;
	v51 =	vld.idx.msk [tilespmem:v47+s14+$0x0], $0xffff;
	v47 =	vor.u32 v25, v62;
	v48 =	vor.u32 v63, v28  }
.LBB2_11:
0x314: {  	s15 =	sadd.s32 $0x2, s15;
	v0 =	vld.idx.msk [tilespmem:v46+s14+$0x0], $0xffff;
	v46 =	vand.u32 $0x6F, v35;
	v58 =	vshll.u32 v35, $0x7;
	s16 =	sadd.s32 $0x20, s16;
	v35 =	vmov v53  }
0x315: {  	s18 =	sand.u32 $0x30, s15;
	s17 =	sand.u32 $0xE0, s16;
	p1 =	slt.u32 s15, $0x3E;
	v29 =	vor.u32 v46, v29;
	v46 =	vor.u32 v25, v58;
	[tilespmem:v52+s8+$0x0] =	vst.idx.msk $0xffff, v50  }
0x316: {  	v49 =	vshll.u32 v49, $0x7;
	v52 =	vor.u32 s5, v11;
	v50 =	vor.u32 s18, v1;
	s18 =	sor.u32 $0x10, s17;
	v53 =	vld.idx.msk [tilespmem:v54+s14+$0x0], $0xffff  }
0x317: {  	v49 =	vor.u32 v23, v49;
	v23 =	vmovc v25;
	v54 =	vmov s18;
	v58 =	vor.u32 s18, v1;
	[tilespmem:v57+s8+$0x0] =	vst.idx.msk $0xffff, v56;
	v25 =	vmovc v50  }
0x318: {  	v55 =	vshll.u32 v55, $0x7;
	v56 =	vand.u32 $0x7F, v52;
	v50 =	vshll.u32 v25, $0x8;
	v48 =	vld.idx.msk [tilespmem:v48+s14+$0x0], $0xffff;
	[tilespmem:v24+s8+$0x0] =	vst.idx.msk $0xffff, v51;
	v24 =	vmovc v47  }
0x319: {  	v51 =	vor.u32 v23, v55;
	v47 =	vand.u32 $0x3800, v50;
	v50 =	vshll.u32 v54, $0x3;
	v54 =	vld.idx.msk [tilespmem:v27+s14+$0x0], $0xffff;
	v27 =	vmovc v29  }
0x31a: {  	v29 =	vor.u32 v5, v47;
	v47 =	vand.u32 $0x400, v50;
	[tilespmem:v43+s8+$0x0] =	vst.idx.msk $0xffff, v0;
	v0 =	vor.u32 v56, v28  }
0x31b: {  	v43 =	vmov s17;
	v50 =	vand.u32 $0x7F, v58;
	v47 =	vor.u32 v47, v29;
	v44 =	vld.idx.msk [tilespmem:v44+s14+$0x0], $0xffff  }
0x31c: {  	v55 =	vor.u32 s17, v1;
	v43 =	vshll.u32 v43, $0x3;
	v50 =	vor.u32 v50, v47;
	[tilespmem:v49+s8+$0x0] =	vst.idx.msk $0xffff, v53  }
0x31d: {  	v49 =	vand.u32 $0x6F, v55;
	v43 =	vand.u32 $0x400, v43;
	v53 =	vshll.u32 v55, $0x7  }
0x31e: {  	v29 =	vor.u32 v43, v29;
	v43 =	vor.u32 v25, v53;
	v53 =	vor.u32 s17, v6;
	[tilespmem:v51+s8+$0x0] =	vst.idx.msk $0xffff, v48  }
0x31f: {  	v48 =	vor.u32 v49, v29;
	v49 =	vshll.u32 v52, $0x7;
	v51 =	vor.u32 s5, v14;
	v0 =	vld.idx.msk [tilespmem:v0+s14+$0x0], $0xffff;
	[tilespmem:v26+s8+$0x0] =	vst.idx.msk $0xffff, v54  }
0x320: {  	v52 =	vand.u32 $0x6F, v53;
	v49 =	vor.u32 v23, v49;
	v54 =	vand.u32 $0x7F, v51;
	v26 =	vmovc v46  }
0x321: {  	v55 =	vor.u32 s18, v6;
	v46 =	vld.idx.msk [tilespmem:v50+s14+$0x0], $0xffff;
	v50 =	vshll.u32 v58, $0x7;
	[tilespmem:v42+s8+$0x0] =	vst.idx.msk $0xffff, v44;
	v42 =	vor.u32 v54, v28  }
0x322: {  	v44 =	vor.u32 v52, v29;
	v52 =	vand.u32 $0x7F, v55;
	v50 =	vor.u32 v25, v50;
	v45 =	vld.idx.msk [tilespmem:v45+s14+$0x0], $0xffff  }
0x323: {  	v53 =	vshll.u32 v53, $0x7;
	v54 =	vor.u32 s17, v7;
	v52 =	vor.u32 v52, v47  }
0x324: {  	v53 =	vor.u32 v25, v53;
	v56 =	vand.u32 $0x6F, v54;
	v54 =	vshll.u32 v54, $0x7;
	v48 =	vld.idx.msk [tilespmem:v48+s14+$0x0], $0xffff  }
0x325: {  	v57 =	vor.u32 s17, v8;
	v56 =	vor.u32 v56, v29;
	v54 =	vor.u32 v25, v54;
	[tilespmem:v49+s8+$0x0] =	vst.idx.msk $0xffff, v0  }
0x326: {  	v0 =	vand.u32 $0x6F, v57;
	v49 =	vshll.u32 v51, $0x7;
	v51 =	vor.u32 s5, v15;
	v42 =	vld.idx.msk [tilespmem:v42+s14+$0x0], $0xffff  }
0x327: {  	v0 =	vor.u32 v0, v29;
	[tilespmem:v50+s8+$0x0] =	vst.idx.msk $0xffff, v46;
	v46 =	vor.u32 v23, v49;
	v49 =	vand.u32 $0x7F, v51  }
0x328: {  	v50 =	vshll.u32 v55, $0x7;
	v55 =	vor.u32 s18, v7;
	v52 =	vld.idx.msk [tilespmem:v52+s14+$0x0], $0xffff;
	[tilespmem:v39+s8+$0x0] =	vst.idx.msk $0xffff, v45;
	v39 =	vor.u32 v49, v28  }
0x329: {  	v45 =	vshll.u32 v57, $0x7;
	v57 =	vor.u32 v25, v50;
	v49 =	vand.u32 $0x7F, v55;
	v41 =	vld.idx.msk [tilespmem:v41+s14+$0x0], $0xffff  }
0x32a: {  	v58 =	vor.u32 v25, v45;
	v45 =	vor.u32 v49, v47;
	[tilespmem:v43+s8+$0x0] =	vst.idx.msk $0xffff, v48;
	v43 =	vor.u32 s17, v9  }
0x32b: {  	v59 =	vor.u32 s17, v10;
	v44 =	vld.idx.msk [tilespmem:v44+s14+$0x0], $0xffff;
	v48 =	vand.u32 $0x6F, v43;
	v43 =	vshll.u32 v43, $0x7  }
0x32c: {  	v60 =	vor.u32 v48, v29;
	v50 =	vor.u32 v25, v43;
	v43 =	vand.u32 $0x6F, v59;
	[tilespmem:v46+s8+$0x0] =	vst.idx.msk $0xffff, v42  }
0x32d: {  	v42 =	vshll.u32 v51, $0x7;
	v51 =	vor.u32 s5, v16;
	v49 =	vor.u32 v43, v29;
	v39 =	vld.idx.msk [tilespmem:v39+s14+$0x0], $0xffff  }
0x32e: {  	v43 =	vshll.u32 v59, $0x7;
	v42 =	vor.u32 v23, v42;
	v46 =	vand.u32 $0x7F, v51;
	[tilespmem:v57+s8+$0x0] =	vst.idx.msk $0xffff, v52  }
0x32f: {  	v48 =	vshll.u32 v55, $0x7;
	v52 =	vor.u32 s18, v8;
	v45 =	vld.idx.msk [tilespmem:v45+s14+$0x0], $0xffff;
	[tilespmem:v37+s8+$0x0] =	vst.idx.msk $0xffff, v41;
	v37 =	vor.u32 v46, v28  }
0x330: {  	v55 =	vor.u32 v25, v48;
	v41 =	vor.u32 s17, v12;
	v46 =	vand.u32 $0x7F, v52;
	v40 =	vld.idx.msk [tilespmem:v40+s14+$0x0], $0xffff  }
0x331: {  	v48 =	vor.u32 v25, v43;
	v43 =	vand.u32 $0x6F, v41;
	[tilespmem:v53+s8+$0x0] =	vst.idx.msk $0xffff, v44;
	v53 =	vor.u32 v46, v47  }
0x332: {  	v41 =	vshll.u32 v41, $0x7;
	v46 =	vor.u32 v43, v29;
	v44 =	vor.u32 s17, v13;
	v56 =	vld.idx.msk [tilespmem:v56+s14+$0x0], $0xffff  }
0x333: {  	v43 =	vor.u32 v25, v41;
	v41 =	vand.u32 $0x6F, v44;
	v57 =	vshll.u32 v44, $0x7;
	[tilespmem:v42+s8+$0x0] =	vst.idx.msk $0xffff, v39  }
0x334: {  	v44 =	vor.u32 v41, v29;
	v39 =	vshll.u32 v51, $0x7;
	v51 =	vor.u32 s5, v17;
	v37 =	vld.idx.msk [tilespmem:v37+s14+$0x0], $0xffff  }
0x335: {  	v41 =	vor.u32 s17, v11;
	[tilespmem:v55+s8+$0x0] =	vst.idx.msk $0xffff, v45;
	v55 =	vor.u32 v23, v39;
	v39 =	vand.u32 $0x7F, v51  }
0x336: {  	v45 =	vshll.u32 v52, $0x7;
	v52 =	vor.u32 s18, v9;
	v53 =	vld.idx.msk [tilespmem:v53+s14+$0x0], $0xffff;
	[tilespmem:v36+s8+$0x0] =	vst.idx.msk $0xffff, v40;
	v36 =	vor.u32 v39, v28  }
0x337: {  	v42 =	vor.u32 v25, v57;
	v40 =	vor.u32 v25, v45;
	v39 =	vand.u32 $0x7F, v52;
	v38 =	vld.idx.msk [tilespmem:v38+s14+$0x0], $0xffff  }
0x338: {  	v45 =	vand.u32 $0x6F, v41;
	v41 =	vshll.u32 v41, $0x7;
	[tilespmem:v54+s8+$0x0] =	vst.idx.msk $0xffff, v56;
	v54 =	vor.u32 v39, v47  }
0x339: {  	v45 =	vor.u32 v45, v29;
	v39 =	vor.u32 v25, v41;
	v41 =	vor.u32 s17, v14;
	v0 =	vld.idx.msk [tilespmem:v0+s14+$0x0], $0xffff  }
0x33a: {  	v59 =	vor.u32 s17, v15;
	v56 =	vand.u32 $0x6F, v41;
	v57 =	vshll.u32 v41, $0x7;
	[tilespmem:v55+s8+$0x0] =	vst.idx.msk $0xffff, v37  }
0x33b: {  	v41 =	vor.u32 v56, v29;
	v55 =	vld.idx.msk [tilespmem:v36+s14+$0x0], $0xffff;
	v36 =	vshll.u32 v51, $0x7;
	v51 =	vor.u32 s5, v18  }
0x33c: {  	v37 =	vor.u32 v25, v57;
	[tilespmem:v40+s8+$0x0] =	vst.idx.msk $0xffff, v53;
	v53 =	vor.u32 v23, v36;
	v36 =	vand.u32 $0x7F, v51  }
0x33d: {  	v40 =	vshll.u32 v52, $0x7;
	v52 =	vor.u32 s18, v10;
	v54 =	vld.idx.msk [tilespmem:v54+s14+$0x0], $0xffff;
	[tilespmem:v33+s8+$0x0] =	vst.idx.msk $0xffff, v38;
	v33 =	vor.u32 v36, v28  }
0x33e: {  	v36 =	vand.u32 $0x6F, v59;
	v56 =	vor.u32 v25, v40;
	v38 =	vand.u32 $0x7F, v52;
	v34 =	vld.idx.msk [tilespmem:v34+s14+$0x0], $0xffff  }
0x33f: {  	v40 =	vor.u32 v36, v29;
	v57 =	vor.u32 v38, v47;
	[tilespmem:v58+s8+$0x0] =	vst.idx.msk $0xffff, v0;
	v0 =	vshll.u32 v59, $0x7  }
0x340: {  	v59 =	vor.u32 s17, v17;
	v58 =	vld.idx.msk [tilespmem:v60+s14+$0x0], $0xffff;
	v36 =	vor.u32 v25, v0;
	v0 =	vor.u32 s17, v16  }
0x341: {  	v60 =	vand.u32 $0x6F, v59;
	v38 =	vand.u32 $0x6F, v0;
	v0 =	vshll.u32 v0, $0x7;
	[tilespmem:v53+s8+$0x0] =	vst.idx.msk $0xffff, v55  }
0x342: {  	v51 =	vshll.u32 v51, $0x7;
	v55 =	vor.u32 s5, v19;
	v38 =	vor.u32 v38, v29;
	v53 =	vld.idx.msk [tilespmem:v33+s14+$0x0], $0xffff  }
0x343: {  	v33 =	vor.u32 v25, v0;
	v0 =	vor.u32 v23, v51;
	v51 =	vand.u32 $0x7F, v55;
	[tilespmem:v56+s8+$0x0] =	vst.idx.msk $0xffff, v54  }
0x344: {  	v52 =	vshll.u32 v52, $0x7;
	v51 =	vor.u32 v51, v28;
	v54 =	vld.idx.msk [tilespmem:v57+s14+$0x0], $0xffff;
	v57 =	vor.u32 s18, v12;
	[tilespmem:v32+s8+$0x0] =	vst.idx.msk $0xffff, v34  }
0x345: {  	v52 =	vor.u32 v25, v52;
	v34 =	vor.u32 v60, v29;
	v32 =	vand.u32 $0x7F, v57;
	v60 =	vld.idx.msk [tilespmem:v31+s14+$0x0], $0xffff  }
0x346: {  	v31 =	vshll.u32 v59, $0x7;
	[tilespmem:v50+s8+$0x0] =	vst.idx.msk $0xffff, v58;
	v50 =	vor.u32 s17, v18;
	v56 =	vor.u32 v32, v47  }
0x347: {  	v32 =	vor.u32 v25, v31;
	v58 =	vld.idx.msk [tilespmem:v49+s14+$0x0], $0xffff;
	v31 =	vand.u32 $0x6F, v50;
	v49 =	vshll.u32 v50, $0x7  }
0x348: {  	v61 =	vor.u32 s17, v19;
	v31 =	vor.u32 v31, v29;
	v59 =	vor.u32 v25, v49;
	[tilespmem:v0+s8+$0x0] =	vst.idx.msk $0xffff, v53  }
.Ltmp8:
0x349: {  	v0 =	vand.u32 $0x6F, v61;
	v49 =	vor.u32 s5, v20;
	s5 =	smov.u32 s18;
	v50 =	vld.idx.msk [tilespmem:v51+s14+$0x0], $0xffff;
	v51 =	vshll.u32 v55, $0x7;
	(pc) =	sbr.rel @p1 .LBB2_11-.Ltmp8, $4  }
0x34a: {  	v53 =	vor.u32 v0, v29;
	v0 =	vand.u32 $0x7F, v49;
	[tilespmem:v52+s8+$0x0] =	vst.idx.msk $0xffff, v54;
	v52 =	vor.u32 v23, v51  }
0x34b: {  	v55 =	vor.u32 s5, v13;
	v51 =	vshll.u32 v57, $0x7;
	v54 =	vor.u32 v0, v28;
	v56 =	vld.idx.msk [tilespmem:v56+s14+$0x0], $0xffff;
	[tilespmem:v30+s8+$0x0] =	vst.idx.msk $0xffff, v60  }
0x34c: {  	v0 =	vshll.u32 v61, $0x7;
	v28 =	vmovc v47;
	v57 =	vor.u32 v25, v51;
	v60 =	vand.u32 $0x7F, v55;
	v30 =	vmovc v59;
	v51 =	vld.idx.msk [tilespmem:v35+s14+$0x0], $0xffff  }
0x34d: {  	v47 =	vor.u32 v25, v0;
	v35 =	vor.u32 s17, v20;
	[tilespmem:v48+s8+$0x0] =	vst.idx.msk $0xffff, v58;
	v48 =	vor.u32 v60, v28  }
0x34e: {  	_ =	sdelay $0x3  }
0x34f: {  	v0 =	vld.idx.msk [tilespmem:v46+s14+$0x0], $0xffff;
	_ =	sdelay $0x3  }
0x350: {  	v63 =	vor.u32 s5, v11;
	v55 =	vshll.u32 v55, $0x7;
	[tilespmem:v57+s8+$0x0] =	vst.idx.msk $0xffff, v56  }
0x351: {  	v60 =	vand.u32 $0x7F, v63;
	v55 =	vor.u32 v25, v55;
	v48 =	vld.idx.msk [tilespmem:v48+s14+$0x0], $0xffff;
	[tilespmem:v43+s8+$0x0] =	vst.idx.msk $0xffff, v0  }
0x352: {  	v0 =	vor.u32 v60, v28;
	v43 =	vld.idx.msk [tilespmem:v44+s14+$0x0], $0xffff;
	_ =	sdelay $0x3  }
0x353: {  	v62 =	vor.u32 s5, v14;
	v61 =	vshll.u32 v63, $0x7;
	[tilespmem:v55+s8+$0x0] =	vst.idx.msk $0xffff, v48  }
0x354: {  	v63 =	vand.u32 $0x7F, v62;
	v44 =	vor.u32 v25, v61;
	v0 =	vld.idx.msk [tilespmem:v0+s14+$0x0], $0xffff;
	[tilespmem:v42+s8+$0x0] =	vst.idx.msk $0xffff, v43  }
0x355: {  	v55 =	vor.u32 v63, v28;
	v43 =	vld.idx.msk [tilespmem:v45+s14+$0x0], $0xffff;
	_ =	sdelay $0x3  }
0x356: {  	v56 =	vor.u32 s5, v15;
	[tilespmem:v44+s8+$0x0] =	vst.idx.msk $0xffff, v0;
	v0 =	vshll.u32 v62, $0x7  }
0x357: {  	v57 =	vand.u32 $0x7F, v56;
	v42 =	vld.idx.msk [tilespmem:v55+s14+$0x0], $0xffff;
	v0 =	vor.u32 v25, v0;
	[tilespmem:v39+s8+$0x0] =	vst.idx.msk $0xffff, v43  }
0x358: {  	v58 =	vor.u32 v57, v28;
	v41 =	vld.idx.msk [tilespmem:v41+s14+$0x0], $0xffff;
	_ =	sdelay $0x3  }
0x359: {  	v59 =	vor.u32 s5, v16;
	[tilespmem:v0+s8+$0x0] =	vst.idx.msk $0xffff, v42;
	v0 =	vshll.u32 v56, $0x7  }
0x35a: {  	v60 =	vand.u32 $0x7F, v59;
	v39 =	vld.idx.msk [tilespmem:v58+s14+$0x0], $0xffff;
	v0 =	vor.u32 v25, v0;
	[tilespmem:v37+s8+$0x0] =	vst.idx.msk $0xffff, v41  }
0x35b: {  	v61 =	vor.u32 v60, v28;
	v40 =	vld.idx.msk [tilespmem:v40+s14+$0x0], $0xffff;
	_ =	sdelay $0x3  }
0x35c: {  	v62 =	vor.u32 s5, v17;
	[tilespmem:v0+s8+$0x0] =	vst.idx.msk $0xffff, v39;
	v0 =	vshll.u32 v59, $0x7  }
0x35d: {  	v63 =	vand.u32 $0x7F, v62;
	v37 =	vld.idx.msk [tilespmem:v61+s14+$0x0], $0xffff;
	v0 =	vor.u32 v25, v0;
	[tilespmem:v36+s8+$0x0] =	vst.idx.msk $0xffff, v40  }
0x35e: {  	v41 =	vor.u32 v63, v28;
	v38 =	vld.idx.msk [tilespmem:v38+s14+$0x0], $0xffff;
	_ =	sdelay $0x3  }
0x35f: {  	v42 =	vor.u32 s5, v18;
	[tilespmem:v0+s8+$0x0] =	vst.idx.msk $0xffff, v37;
	v0 =	vshll.u32 v62, $0x7  }
0x360: {  	v43 =	vand.u32 $0x7F, v42;
	v36 =	vld.idx.msk [tilespmem:v41+s14+$0x0], $0xffff;
	v0 =	vor.u32 v25, v0;
	[tilespmem:v33+s8+$0x0] =	vst.idx.msk $0xffff, v38  }
0x361: {  	v44 =	vor.u32 v43, v28;
	v34 =	vld.idx.msk [tilespmem:v34+s14+$0x0], $0xffff;
	_ =	sdelay $0x3  }
0x362: {  	v45 =	vor.u32 s5, v19;
	[tilespmem:v0+s8+$0x0] =	vst.idx.msk $0xffff, v36;
	v0 =	vshll.u32 v42, $0x7  }
0x363: {  	v46 =	vand.u32 $0x7F, v45;
	v33 =	vld.idx.msk [tilespmem:v44+s14+$0x0], $0xffff;
	v0 =	vor.u32 v25, v0;
	[tilespmem:v32+s8+$0x0] =	vst.idx.msk $0xffff, v34  }
0x364: {  	v48 =	vor.u32 v46, v28;
	v31 =	vld.idx.msk [tilespmem:v31+s14+$0x0], $0xffff;
	_ =	sdelay $0x3  }
0x365: {  	v55 =	vor.u32 s5, v20;
	[tilespmem:v0+s8+$0x0] =	vst.idx.msk $0xffff, v33;
	v0 =	vshll.u32 v45, $0x7  }
0x366: {  	v56 =	vand.u32 $0x7F, v55;
	v32 =	vld.idx.msk [tilespmem:v48+s14+$0x0], $0xffff;
	v0 =	vor.u32 v25, v0;
	[tilespmem:v30+s8+$0x0] =	vst.idx.msk $0xffff, v31  }
0x367: {  	v57 =	vand.u32 $0x6F, v35;
	v58 =	vor.u32 v56, v28;
	v31 =	vld.idx.msk [tilespmem:v53+s14+$0x0], $0xffff  }
0x368: {  	v29 =	vor.u32 v57, v29  }
0x369: {  	[tilespmem:v24+s8+$0x0] =	vst.idx.msk $0xffff, v51  }
0x36a: {  	[tilespmem:v52+s8+$0x0] =	vst.idx.msk $0xffff, v50;
	v24 =	vld.idx.msk [tilespmem:v27+s14+$0x0], $0xffff;
	v59 =	vshll.u32 v49, $0x7  }
0x36b: {  	v60 =	vld.idx.msk [tilespmem:v54+s14+$0x0], $0xffff;
	v23 =	vor.u32 v23, v59;
	[tilespmem:v0+s8+$0x0] =	vst.idx.msk $0xffff, v32;
	v0 =	vshll.u32 v55, $0x7  }
0x36c: {  	v61 =	vshll.u32 v35, $0x7;
	v28 =	vld.idx.msk [tilespmem:v58+s14+$0x0], $0xffff;
	v0 =	vor.u32 v25, v0;
	[tilespmem:v47+s8+$0x0] =	vst.idx.msk $0xffff, v31  }
0x36d: {  	p1 =	sgt.u32 s11, $0x6;
	v62 =	vor.u32 v25, v61;
	v63 =	vld.idx.msk [tilespmem:v29+s14+$0x0], $0xffff  }
.Ltmp9:
0x36e: {  	_ = 	snop;
	(pc) =	sbr.rel @p1 .LBB2_14-.Ltmp9, $4  }
0x36f: {  	[tilespmem:v26+s8+$0x0] =	vst.idx.msk $0xffff, v24  }
0x370: {  	[tilespmem:v23+s8+$0x0] =	vst.idx.msk $0xffff, v60  }
0x371: {  	[tilespmem:v0+s8+$0x0] =	vst.idx.msk $0xffff, v28  }
0x372: {  	[tilespmem:v62+s8+$0x0] =	vst.idx.msk $0xffff, v63  }
0x373: {  	v0 =	vld [tilespmem:s13+$0x100]  }
0x374: {  	v2 =	vld [tilespmem:$0x1FFE0];
	_ =	sdelay $0x4  }
0x375: {  	v23 =	vadd.s32 v2, v0  }
0x376: {  	[tilespmem:$0x400] =	vst v23  }
0x377: {  	v24 =	vld [tilespmem:s13+$0x110];
	_ =	sdelay $0x4  }
0x378: {  	v24 =	vadd.s32 v2, v24  }
0x379: {  	[tilespmem:$0x410] =	vst v24  }
0x37a: {  	v24 =	vld [tilespmem:s13+$0x120];
	_ =	sdelay $0x1  }
0x37b: {  	v25 =	vld [tilespmem:$0x1FFF0];
	_ =	sdelay $0x1  }
0x37c: {  	v23 =	vshll.u32 v23, $0x1  }
0x37d: {  	v0 =	vand.u32 $0x7, v0;
	v23 =	vand.u32 $0xFFFFFFF0, v23;
	v24 =	vadd.s32 v2, v24  }
0x37e: {  	v0 =	vor.u32 v0, v23;
	[tilespmem:$0x420] =	vst v24  }
0x37f: {  	v63 =	vperm.xlane v0, v25;
	v23 =	vld [tilespmem:s13+$0x130];
	_ =	sdelay $0x1  }
0x380: {  	v0 =	vperm.xlane v0, v4;
	v24 =	vadd.s32 v3, v63;
	_ =	sdelay $0x1  }
0x381: {  	v0 =	vadd.s32 v3, v0  }
0x382: {  	v23 =	vadd.s32 v2, v23  }
0x383: {  	[tilespmem:$0x430] =	vst v23  }
0x384: {  	[tilespmem:s14], [sflag:$0x1] =	stream.indirect_vreg.gather [hbm4b:s1+s4], $0x80, v24, vm0, $0xb8;
	[tilespmem:$0x1F380] =	vst v63  }
0x385: {  	s5 =	simm.s32 $0xD00  }
0x386: {  	[tilespmem:s5], [sflag:$0x1] =	stream.indirect_vreg.gather [hbm4b:s1+s4], $0x80, v0, vm0, $0xb8;
	[tilespmem:$0x1F380] =	vst v63  }
0x387: {  	v0 =	vld [tilespmem:$0x410];
	_ =	sdelay $0x4  }
0x388: {  	v23 =	vshll.u32 v0, $0x1  }
0x389: {  	v0 =	vand.u32 $0x7, v0;
	v23 =	vand.u32 $0xFFFFFFF0, v23  }
0x38a: {  	v0 =	vor.u32 v0, v23  }
0x38b: {  	v23 =	vperm.xlane v0, v25;
	_ =	sdelay $0x1  }
0x38c: {  	v0 =	vperm.xlane v0, v4;
	v23 =	vadd.s32 v3, v23;
	_ =	sdelay $0x1  }
0x38d: {  	v0 =	vadd.s32 v3, v0;
	_ =	sdelay $0x1  }
0x38e: {  	s16 =	simm.s32 $0x1500  }
0x38f: {  	[tilespmem:s16], [sflag:$0x1] =	stream.indirect_vreg.gather [hbm4b:s1+s4], $0x80, v23, vm0, $0xb8;
	[tilespmem:$0x1F380] =	vst v63  }
0x390: {  	s17 =	simm.s32 $0x1D00  }
0x391: {  	[tilespmem:s17], [sflag:$0x1] =	stream.indirect_vreg.gather [hbm4b:s1+s4], $0x80, v0, vm0, $0xb8;
	[tilespmem:$0x1F380] =	vst v63  }
0x392: {  	v0 =	vld [tilespmem:$0x420];
	_ =	sdelay $0x4  }
0x393: {  	v23 =	vshll.u32 v0, $0x1  }
0x394: {  	v0 =	vand.u32 $0x7, v0;
	v23 =	vand.u32 $0xFFFFFFF0, v23  }
0x395: {  	v0 =	vor.u32 v0, v23  }
0x396: {  	v23 =	vperm.xlane v0, v25;
	_ =	sdelay $0x1  }
0x397: {  	v0 =	vperm.xlane v0, v4;
	v23 =	vadd.s32 v3, v23;
	_ =	sdelay $0x1  }
0x398: {  	v0 =	vadd.s32 v3, v0;
	_ =	sdelay $0x1  }
0x399: {  	s18 =	simm.s32 $0x2500  }
0x39a: {  	[tilespmem:s18], [sflag:$0x1] =	stream.indirect_vreg.gather [hbm4b:s1+s4], $0x80, v23, vm0, $0xb8;
	[tilespmem:$0x1F380] =	vst v63  }
0x39b: {  	s19 =	simm.s32 $0x2D00  }
0x39c: {  	[tilespmem:s19], [sflag:$0x1] =	stream.indirect_vreg.gather [hbm4b:s1+s4], $0x80, v0, vm0, $0xb8;
	[tilespmem:$0x1F380] =	vst v63  }
0x39d: {  	v0 =	vld [tilespmem:$0x430];
	_ =	sdelay $0x4  }
0x39e: {  	v23 =	vshll.u32 v0, $0x1  }
0x39f: {  	v0 =	vand.u32 $0x7, v0;
	v23 =	vand.u32 $0xFFFFFFF0, v23  }
0x3a0: {  	v0 =	vor.u32 v0, v23  }
0x3a1: {  	v23 =	vperm.xlane v0, v25;
	_ =	sdelay $0x1  }
0x3a2: {  	v0 =	vperm.xlane v0, v4;
	v23 =	vadd.s32 v3, v23;
	_ =	sdelay $0x1  }
0x3a3: {  	v0 =	vadd.s32 v3, v0;
	_ =	sdelay $0x2  }
0x3a4: {  	[tilespmem:s20], [sflag:$0x1] =	stream.indirect_vreg.gather [hbm4b:s1+s4], $0x80, v23, vm0, $0xb8;
	[tilespmem:$0x1F380] =	vst v63  }
0x3a5: {  	_ = 	snop  }
0x3a6: {  	[tilespmem:s21], [sflag:$0x1] =	stream.indirect_vreg.gather [hbm4b:s1+s4], $0x80, v0, vm0, $0xb8;
	[tilespmem:$0x1F380] =	vst v63  }
.LBB2_14:
0x3a7: {  	s5 =	simm.s32 $0x0  }
0x3a8: {  	s15 =	simm.s32 $0x0;
	s16 =	sand.u32 $0x30, s5  }
0x3a9: {  	s19 =	sand.u32 $0xE0, s15;
	v0 =	vmov s16  }
0x3aa: {  	v23 =	vmov s19;
	s17 =	sor.u32 $0x10, s19;
	v0 =	vshll.u32 v0, $0x8  }
0x3ab: {  	v25 =	vor.u32 s19, v1;
	v24 =	vmov s17;
	v0 =	vor.u32 v21, v0  }
0x3ac: {  	v26 =	vor.u32 s17, v1;
	v24 =	vshll.u32 v24, $0x3;
	v0 =	vand.u32 $0x3800, v0  }
0x3ad: {  	v23 =	vshll.u32 v23, $0x3;
	v24 =	vand.u32 $0x400, v24;
	v0 =	vor.u32 v5, v0  }
0x3ae: {  	v27 =	vand.u32 $0x7F, v26;
	v23 =	vand.u32 $0x400, v23;
	v36 =	vor.u32 v24, v0  }
0x3af: {  	v28 =	vand.u32 $0x6F, v25;
	v24 =	vor.u32 v23, v0;
	v27 =	vor.u32 v27, v36  }
0x3b0: {  	v0 =	vshll.u32 v25, $0x7;
	v25 =	vor.u32 v28, v24  }
0x3b1: {  	_ =	swait.ge [sflag:s6], $0x4000;
	v29 =	vor.u32 s19, v6  }
0x3b2: {  	[sflag:s6] =	ssyncset.done $0x0;
	v30 =	vor.u32 s17, v6;
	v26 =	vshll.u32 v26, $0x7;
	v23 =	vand.u32 $0x6F, v29  }
0x3b3: {  	[sflag:s6] =	ssyncadd.s32 $0xFFFFC000;
	v28 =	vshll.u32 v29, $0x7;
	v29 =	vor.u32 v23, v24;
	v23 =	vor.u32 s16, v22  }
0x3b4: {  	v31 =	vand.u32 $0x7F, v30;
	v26 =	vor.u32 v23, v26;
	v27 =	vld.idx.msk [tilespmem:v27+s22+$0x0], $0xffff  }
0x3b5: {  	v31 =	vor.u32 v31, v36;
	v0 =	vor.u32 v23, v0;
	v25 =	vld.idx.msk [tilespmem:v25+s22+$0x0], $0xffff  }
0x3b6: {  	v32 =	vor.u32 s19, v7;
	v34 =	vor.u32 s19, v8;
	v37 =	vor.u32 s19, v9  }
0x3b7: {  	v38 =	vor.u32 s19, v10;
	v41 =	vor.u32 s19, v12;
	v48 =	vor.u32 s19, v11  }
0x3b8: {  	v58 =	vor.u32 s19, v16;
	v54 =	vor.u32 s19, v19;
	v60 =	vor.u32 s19, v20  }
0x3b9: {  	v33 =	vand.u32 $0x6F, v32;
	v61 =	vor.u32 s17, v7;
	v30 =	vshll.u32 v30, $0x7;
	[tilespmem:v26+s8+$0x0] =	vst.idx.msk $0xffff, v27  }
0x3ba: {  	v32 =	vshll.u32 v32, $0x7;
	v30 =	vor.u32 v23, v30;
	v26 =	vand.u32 $0x7F, v61;
	[tilespmem:v0+s8+$0x0] =	vst.idx.msk $0xffff, v25;
	v31 =	vld.idx.msk [tilespmem:v31+s22+$0x0], $0xffff  }
0x3bb: {  	v35 =	vand.u32 $0x6F, v34;
	v28 =	vor.u32 v23, v28;
	v26 =	vor.u32 v26, v36;
	v29 =	vld.idx.msk [tilespmem:v29+s22+$0x0], $0xffff  }
0x3bc: {  	v34 =	vshll.u32 v34, $0x7;
	v62 =	vand.u32 $0x6F, v37;
	v33 =	vor.u32 v33, v24  }
0x3bd: {  	v37 =	vshll.u32 v37, $0x7;
	v63 =	vand.u32 $0x6F, v38;
	v40 =	vshll.u32 v38, $0x7  }
0x3be: {  	v45 =	vor.u32 s17, v8;
	v46 =	vand.u32 $0x6F, v41;
	v55 =	vand.u32 $0x6F, v48  }
0x3bf: {  	v42 =	vor.u32 v35, v24;
	v43 =	vor.u32 v62, v24;
	v35 =	vshll.u32 v61, $0x7;
	[tilespmem:v30+s8+$0x0] =	vst.idx.msk $0xffff, v31  }
0x3c0: {  	v59 =	vand.u32 $0x6F, v54;
	v0 =	vor.u32 v23, v35;
	v25 =	vand.u32 $0x7F, v45;
	[tilespmem:v28+s8+$0x0] =	vst.idx.msk $0xffff, v29;
	v26 =	vld.idx.msk [tilespmem:v26+s22+$0x0], $0xffff  }
0x3c1: {  	v47 =	vor.u32 v63, v24;
	v32 =	vor.u32 v23, v32;
	v25 =	vor.u32 v25, v36;
	v33 =	vld.idx.msk [tilespmem:v33+s22+$0x0], $0xffff  }
0x3c2: {  	v50 =	vor.u32 v46, v24;
	v30 =	vshll.u32 v41, $0x7;
	v31 =	vor.u32 s19, v13  }
0x3c3: {  	v44 =	vor.u32 v23, v37;
	v51 =	vor.u32 v23, v30;
	v30 =	vand.u32 $0x6F, v31  }
0x3c4: {  	s16 =	simm.s32 $0x20;
	v49 =	vor.u32 v23, v40;
	v31 =	vshll.u32 v31, $0x7;
	v52 =	vor.u32 v30, v24  }
0x3c5: {  	s18 =	sand.u32 $0xE0, s16;
	v40 =	vor.u32 v23, v31;
	v30 =	vshll.u32 v45, $0x7;
	v31 =	vor.u32 s17, v9;
	[tilespmem:v0+s8+$0x0] =	vst.idx.msk $0xffff, v26  }
0x3c6: {  	s5 =	sor.u32 $0x10, s18;
	v62 =	vor.u32 s18, v1;
	v30 =	vor.u32 v23, v30;
	v56 =	vand.u32 $0x7F, v31;
	[tilespmem:v32+s8+$0x0] =	vst.idx.msk $0xffff, v33;
	v25 =	vld.idx.msk [tilespmem:v25+s22+$0x0], $0xffff  }
0x3c7: {  	v63 =	vor.u32 s5, v1;
	v27 =	vor.u32 v23, v34;
	v29 =	vor.u32 v56, v36;
	v42 =	vld.idx.msk [tilespmem:v42+s22+$0x0], $0xffff  }
0x3c8: {  	v61 =	vmov s18;
	v28 =	vshll.u32 v48, $0x7;
	v0 =	vor.u32 s19, v14  }
0x3c9: {  	v38 =	vor.u32 v23, v28;
	v28 =	vand.u32 $0x6F, v0;
	v0 =	vshll.u32 v0, $0x7  }
0x3ca: {  	v39 =	vor.u32 v28, v24;
	v37 =	vor.u32 v23, v0;
	v0 =	vshll.u32 v31, $0x7  }
0x3cb: {  	v28 =	vor.u32 s17, v10;
	v0 =	vor.u32 v23, v0;
	[tilespmem:v30+s8+$0x0] =	vst.idx.msk $0xffff, v25;
	v25 =	vand.u32 $0x6F, v58  }
0x3cc: {  	v26 =	vor.u32 s19, v15;
	v31 =	vand.u32 $0x7F, v28;
	[tilespmem:v27+s8+$0x0] =	vst.idx.msk $0xffff, v42;
	v34 =	vor.u32 v25, v24;
	v25 =	vld.idx.msk [tilespmem:v29+s22+$0x0], $0xffff  }
0x3cd: {  	v57 =	vand.u32 $0x6F, v26;
	v26 =	vshll.u32 v26, $0x7;
	v31 =	vor.u32 v31, v36;
	v43 =	vld.idx.msk [tilespmem:v43+s22+$0x0], $0xffff  }
0x3ce: {  	v41 =	vor.u32 v55, v24;
	v32 =	vor.u32 v23, v26;
	v26 =	vor.u32 s19, v17  }
0x3cf: {  	v56 =	vor.u32 s17, v11;
	v45 =	vand.u32 $0x6F, v26;
	v28 =	vshll.u32 v28, $0x7  }
0x3d0: {  	v26 =	vshll.u32 v26, $0x7;
	v48 =	vor.u32 v45, v24;
	v30 =	vshll.u32 v58, $0x7  }
0x3d1: {  	v45 =	vor.u32 v23, v26;
	v33 =	vor.u32 v23, v30;
	v29 =	vor.u32 s17, v12;
	[tilespmem:v0+s8+$0x0] =	vst.idx.msk $0xffff, v25  }
0x3d2: {  	v26 =	vor.u32 s19, v18;
	v30 =	vor.u32 v23, v28;
	v28 =	vand.u32 $0x7F, v29;
	[tilespmem:v44+s8+$0x0] =	vst.idx.msk $0xffff, v43;
	v31 =	vld.idx.msk [tilespmem:v31+s22+$0x0], $0xffff  }
0x3d3: {  	v27 =	vand.u32 $0x6F, v26;
	v26 =	vshll.u32 v26, $0x7;
	v53 =	vor.u32 v28, v36;
	v47 =	vld.idx.msk [tilespmem:v47+s22+$0x0], $0xffff  }
0x3d4: {  	v35 =	vor.u32 v57, v24;
	v28 =	vor.u32 v23, v26;
	v25 =	vshll.u32 v29, $0x7  }
0x3d5: {  	s15 =	simm.s32 $0x2;
	v0 =	vshll.u32 v54, $0x7;
	v29 =	vor.u32 s17, v13;
	v54 =	vor.u32 v23, v25  }
0x3d6: {  	s19 =	sand.u32 $0x30, s15;
	v25 =	vand.u32 $0x7F, v29;
	v26 =	vor.u32 v23, v0;
	v0 =	vand.u32 $0x6F, v60  }
0x3d7: {  	v55 =	vor.u32 v25, v36;
	v25 =	vor.u32 v0, v24;
	v0 =	vmov s19;
	[tilespmem:v30+s8+$0x0] =	vst.idx.msk $0xffff, v31  }
0x3d8: {  	v57 =	vmov s5;
	v46 =	vor.u32 v27, v24;
	v0 =	vshll.u32 v0, $0x8;
	[tilespmem:v49+s8+$0x0] =	vst.idx.msk $0xffff, v47;
	v53 =	vld.idx.msk [tilespmem:v53+s22+$0x0], $0xffff  }
0x3d9: {  	v27 =	vor.u32 v59, v24;
	v59 =	vand.u32 $0x7F, v63;
	v0 =	vor.u32 v21, v0;
	v47 =	vld.idx.msk [tilespmem:v50+s22+$0x0], $0xffff  }
0x3da: {  	v29 =	vshll.u32 v29, $0x7;
	v0 =	vand.u32 $0x3800, v0;
	v30 =	vand.u32 $0x7F, v56  }
0x3db: {  	v31 =	vshll.u32 v57, $0x3;
	v57 =	vor.u32 v23, v29;
	v0 =	vor.u32 v5, v0  }
0x3dc: {  	v29 =	vand.u32 $0x400, v31;
	v58 =	vor.u32 v30, v36;
	v31 =	vshll.u32 v61, $0x3  }
0x3dd: {  	v30 =	vor.u32 v29, v0;
	v29 =	vand.u32 $0x6F, v62;
	v31 =	vand.u32 $0x400, v31;
	[tilespmem:v54+s8+$0x0] =	vst.idx.msk $0xffff, v53  }
0x3de: {  	v42 =	vor.u32 v59, v30;
	v31 =	vor.u32 v31, v0;
	[tilespmem:v51+s8+$0x0] =	vst.idx.msk $0xffff, v47;
	v50 =	vld.idx.msk [tilespmem:v55+s22+$0x0], $0xffff  }
0x3df: {  	v49 =	vor.u32 v29, v31;
	v51 =	vld.idx.msk [tilespmem:v52+s22+$0x0], $0xffff  }
0x3e0: {  	v24 =	vshll.u32 v60, $0x7;
	v60 =	vor.u32 s18, v6  }
0x3e1: {  	v44 =	vshll.u32 v63, $0x7;
	v43 =	vshll.u32 v60, $0x7;
	v29 =	vand.u32 $0x6F, v60  }
0x3e2: {  	v61 =	vshll.u32 v56, $0x7;
	v53 =	vor.u32 v29, v31;
	v29 =	vor.u32 s19, v22  }
0x3e3: {  	v0 =	vshll.u32 v62, $0x7;
	v59 =	vor.u32 s5, v6;
	v44 =	vor.u32 v29, v44;
	v42 =	vld.idx.msk [tilespmem:v42+s22+$0x0], $0xffff;
	[tilespmem:v57+s8+$0x0] =	vst.idx.msk $0xffff, v50  }
0x3e4: {  	v63 =	vand.u32 $0x7F, v59;
	v60 =	vor.u32 s18, v7;
	v0 =	vor.u32 v29, v0;
	[tilespmem:v40+s8+$0x0] =	vst.idx.msk $0xffff, v51;
	v40 =	vld.idx.msk [tilespmem:v49+s22+$0x0], $0xffff  }
0x3e5: {  	v54 =	vor.u32 v23, v61;
	v47 =	vor.u32 v63, v30;
	v55 =	vor.u32 s17, v14;
	v58 =	vld.idx.msk [tilespmem:v58+s22+$0x0], $0xffff  }
0x3e6: {  	v61 =	vand.u32 $0x6F, v60;
	v52 =	vor.u32 v29, v43;
	v62 =	vand.u32 $0x7F, v55;
	v41 =	vld.idx.msk [tilespmem:v41+s22+$0x0], $0xffff  }
0x3e7: {  	v43 =	vshll.u32 v60, $0x7;
	v63 =	vshll.u32 v55, $0x7;
	v56 =	vor.u32 v62, v36  }
0x3e8: {  	v60 =	vor.u32 v29, v43;
	v55 =	vor.u32 s17, v15;
	v43 =	vor.u32 v23, v63;
	[tilespmem:v44+s8+$0x0] =	vst.idx.msk $0xffff, v42  }
0x3e9: {  	v57 =	vor.u32 s18, v8;
	v50 =	vor.u32 v61, v31;
	v49 =	vshll.u32 v59, $0x7;
	[tilespmem:v0+s8+$0x0] =	vst.idx.msk $0xffff, v40  }
0x3ea: {  	v51 =	vor.u32 s5, v7;
	v62 =	vand.u32 $0x6F, v57;
	v49 =	vor.u32 v29, v49;
	v47 =	vld.idx.msk [tilespmem:v47+s22+$0x0], $0xffff;
	[tilespmem:v54+s8+$0x0] =	vst.idx.msk $0xffff, v58  }
0x3eb: {  	v57 =	vshll.u32 v57, $0x7;
	v63 =	vand.u32 $0x7F, v51;
	v51 =	vshll.u32 v51, $0x7;
	[tilespmem:v38+s8+$0x0] =	vst.idx.msk $0xffff, v41;
	v38 =	vld.idx.msk [tilespmem:v53+s22+$0x0], $0xffff  }
0x3ec: {  	v61 =	vor.u32 v62, v31;
	v62 =	vand.u32 $0x7F, v55;
	v58 =	vor.u32 v63, v30;
	v56 =	vld.idx.msk [tilespmem:v56+s22+$0x0], $0xffff  }
0x3ed: {  	v55 =	vshll.u32 v55, $0x7;
	v51 =	vor.u32 v29, v51;
	v59 =	vor.u32 v62, v36;
	v39 =	vld.idx.msk [tilespmem:v39+s22+$0x0], $0xffff  }
0x3ee: {  	v62 =	vor.u32 s18, v9;
	v40 =	vor.u32 v23, v55;
	v55 =	vor.u32 s5, v8  }
0x3ef: {  	v54 =	vor.u32 v29, v57;
	v57 =	vand.u32 $0x6F, v62;
	v63 =	vor.u32 s18, v10;
	[tilespmem:v49+s8+$0x0] =	vst.idx.msk $0xffff, v47  }
0x3f0: {  	v62 =	vshll.u32 v62, $0x7;
	v57 =	vor.u32 v57, v31;
	v42 =	vand.u32 $0x6F, v63;
	[tilespmem:v52+s8+$0x0] =	vst.idx.msk $0xffff, v38  }
0x3f1: {  	v41 =	vor.u32 s18, v12;
	v0 =	vor.u32 v42, v31;
	v42 =	vor.u32 s17, v16;
	v49 =	vld.idx.msk [tilespmem:v58+s22+$0x0], $0xffff;
	[tilespmem:v43+s8+$0x0] =	vst.idx.msk $0xffff, v56  }
0x3f2: {  	v44 =	vshll.u32 v63, $0x7;
	v63 =	vand.u32 $0x7F, v42;
	v43 =	vand.u32 $0x7F, v55;
	[tilespmem:v37+s8+$0x0] =	vst.idx.msk $0xffff, v39;
	v37 =	vld.idx.msk [tilespmem:v50+s22+$0x0], $0xffff  }
0x3f3: {  	v62 =	vor.u32 v29, v62;
	v53 =	vor.u32 v63, v36;
	v56 =	vld.idx.msk [tilespmem:v59+s22+$0x0], $0xffff;
	v59 =	vor.u32 v43, v30  }
0x3f4: {  	v63 =	vor.u32 v29, v44;
	v44 =	vand.u32 $0x6F, v41;
	v41 =	vshll.u32 v41, $0x7  }
0x3f5: {  	v47 =	vor.u32 v44, v31;
	v52 =	vor.u32 s18, v11;
	v58 =	vshll.u32 v42, $0x7  }
0x3f6: {  	v50 =	vor.u32 s17, v17;
	v38 =	vor.u32 v23, v58;
	v39 =	vand.u32 $0x6F, v52  }
0x3f7: {  	v43 =	vor.u32 v29, v41;
	v41 =	vor.u32 s18, v13;
	v35 =	vld.idx.msk [tilespmem:v35+s22+$0x0], $0xffff;
	v58 =	vand.u32 $0x7F, v50;
	[tilespmem:v51+s8+$0x0] =	vst.idx.msk $0xffff, v49  }
0x3f8: {  	v42 =	vor.u32 v39, v31;
	v39 =	vshll.u32 v52, $0x7;
	v52 =	vor.u32 s18, v15;
	[tilespmem:v60+s8+$0x0] =	vst.idx.msk $0xffff, v37;
	v51 =	vld.idx.msk [tilespmem:v59+s22+$0x0], $0xffff  }
0x3f9: {  	v44 =	vand.u32 $0x6F, v41;
	v41 =	vshll.u32 v41, $0x7;
	v39 =	vor.u32 v29, v39;
	[tilespmem:v40+s8+$0x0] =	vst.idx.msk $0xffff, v56;
	v59 =	vld.idx.msk [tilespmem:v61+s22+$0x0], $0xffff  }
0x3fa: {  	v44 =	vor.u32 v44, v31;
	v41 =	vor.u32 v29, v41;
	v40 =	vshll.u32 v55, $0x7;
	v53 =	vld.idx.msk [tilespmem:v53+s22+$0x0], $0xffff  }
0x3fb: {  	v60 =	vor.u32 s18, v14;
	v56 =	vor.u32 v58, v36;
	v58 =	vor.u32 v29, v40  }
0x3fc: {  	v55 =	vor.u32 s5, v9;
	[tilespmem:v32+s8+$0x0] =	vst.idx.msk $0xffff, v35;
	v37 =	vshll.u32 v60, $0x7;
	v32 =	vshll.u32 v50, $0x7  }
0x3fd: {  	v50 =	vor.u32 s17, v18;
	v40 =	vand.u32 $0x7F, v55;
	v61 =	vld.idx.msk [tilespmem:v34+s22+$0x0], $0xffff;
	v37 =	vor.u32 v29, v37  }
0x3fe: {  	v34 =	vshll.u32 v55, $0x7;
	v55 =	vor.u32 s5, v10;
	v49 =	vor.u32 v40, v30;
	[tilespmem:v54+s8+$0x0] =	vst.idx.msk $0xffff, v59  }
0x3ff: {  	v40 =	vand.u32 $0x6F, v60;
	v60 =	vand.u32 $0x6F, v52;
	[tilespmem:v38+s8+$0x0] =	vst.idx.msk $0xffff, v53;
	v53 =	vor.u32 v23, v32  }
0x400: {  	v59 =	vor.u32 s18, v16;
	v38 =	vand.u32 $0x7F, v50;
	[tilespmem:v58+s8+$0x0] =	vst.idx.msk $0xffff, v51;
	v51 =	vor.u32 v29, v34;
	v54 =	vld.idx.msk [tilespmem:v57+s22+$0x0], $0xffff  }
0x401: {  	v58 =	vshll.u32 v52, $0x7;
	v32 =	vand.u32 $0x6F, v59;
	v57 =	vor.u32 s18, v17;
	v56 =	vld.idx.msk [tilespmem:v56+s22+$0x0], $0xffff  }
0x402: {  	[tilespmem:v33+s8+$0x0] =	vst.idx.msk $0xffff, v61;
	v2 =	vor.u32 v38, v36;
	v38 =	vor.u32 v60, v31;
	v60 =	vand.u32 $0x7F, v55  }
0x403: {  	v49 =	vld.idx.msk [tilespmem:v49+s22+$0x0], $0xffff;
	v34 =	vor.u32 v29, v58;
	v35 =	vor.u32 v32, v31;
	v61 =	vand.u32 $0x6F, v57  }
0x404: {  	v58 =	vor.u32 s17, v19;
	v52 =	vor.u32 v60, v30;
	v60 =	vshll.u32 v59, $0x7  }
0x405: {  	v33 =	vor.u32 v61, v31;
	v61 =	vshll.u32 v55, $0x7;
	v32 =	vor.u32 v29, v60  }
0x406: {  	v50 =	vshll.u32 v50, $0x7;
	v60 =	vand.u32 $0x7F, v58;
	v59 =	vor.u32 v29, v61;
	v61 =	vld.idx.msk [tilespmem:v48+s22+$0x0], $0xffff;
	[tilespmem:v53+s8+$0x0] =	vst.idx.msk $0xffff, v56  }
0x407: {  	v40 =	vor.u32 v40, v31;
	v55 =	vor.u32 v60, v36;
	v53 =	vor.u32 v23, v50;
	v2 =	vld.idx.msk [tilespmem:v2+s22+$0x0], $0xffff  }
0x408: {  	[tilespmem:v51+s8+$0x0] =	vst.idx.msk $0xffff, v49;
	v56 =	vor.u32 s5, v12;
	v50 =	vshll.u32 v57, $0x7;
	v57 =	vor.u32 s18, v18  }
0x409: {  	[tilespmem:v62+s8+$0x0] =	vst.idx.msk $0xffff, v54;
	v51 =	vor.u32 s17, v20;
	v52 =	vld.idx.msk [tilespmem:v52+s22+$0x0], $0xffff;
	v54 =	vand.u32 $0x7F, v56;
	v50 =	vor.u32 v29, v50  }
0x40a: {  	v0 =	vld.idx.msk [tilespmem:v0+s22+$0x0], $0xffff;
	v48 =	vshll.u32 v57, $0x7;
	v60 =	vor.u32 v54, v30;
	v54 =	vand.u32 $0x6F, v57  }
0x40b: {  	v57 =	vor.u32 s18, v19;
	v49 =	vor.u32 v29, v48;
	[tilespmem:v45+s8+$0x0] =	vst.idx.msk $0xffff, v61;
	v54 =	vor.u32 v54, v31  }
0x40c: {  	v62 =	vand.u32 $0x6F, v57;
	v57 =	vshll.u32 v57, $0x7;
	[tilespmem:v53+s8+$0x0] =	vst.idx.msk $0xffff, v2;
	v2 =	vshll.u32 v58, $0x7  }
0x40d: {  	v48 =	vor.u32 v62, v31;
	v53 =	vld.idx.msk [tilespmem:v55+s22+$0x0], $0xffff;
	v55 =	vor.u32 v23, v2;
	v2 =	vand.u32 $0x7F, v51  }
0x40e: {  	v62 =	vshll.u32 v56, $0x7;
	[tilespmem:v59+s8+$0x0] =	vst.idx.msk $0xffff, v52;
	v59 =	vor.u32 s5, v13;
	v58 =	vld.idx.msk [tilespmem:v46+s22+$0x0], $0xffff;
	v56 =	vor.u32 v2, v36  }
0x40f: {  	[tilespmem:v63+s8+$0x0] =	vst.idx.msk $0xffff, v0;
	v61 =	vor.u32 v29, v62;
	v52 =	vor.u32 s18, v20;
	v60 =	vld.idx.msk [tilespmem:v60+s22+$0x0], $0xffff;
	v36 =	vand.u32 $0x7F, v59  }
.LBB2_15:
0x410: {  	s15 =	sadd.s32 $0x2, s15;
	v0 =	vld.idx.msk [tilespmem:v47+s22+$0x0], $0xffff;
	v2 =	vor.u32 v29, v57;
	v63 =	vand.u32 $0x6F, v52;
	v47 =	vor.u32 v36, v30;
	s16 =	sadd.s32 $0x20, s16;
	v36 =	vmovc v30  }
0x411: {  	v62 =	vor.u32 v23, v24;
	v24 =	vshll.u32 v52, $0x7;
	v46 =	vmovc v50;
	v45 =	vmovc v54;
	s19 =	sand.u32 $0x30, s15;
	s17 =	sand.u32 $0xE0, s16;
	p2 =	slt.u32 s15, $0x3E;
	v57 =	vor.u32 v63, v31  }
0x412: {  	v30 =	vmov s19;
	v31 =	vmov s17;
	v50 =	vor.u32 s17, v1;
	s18 =	sor.u32 $0x10, s17;
	[tilespmem:v55+s8+$0x0] =	vst.idx.msk $0xffff, v53  }
0x413: {  	v51 =	vshll.u32 v51, $0x7;
	v53 =	vor.u32 s5, v11;
	v52 =	vor.u32 s18, v1;
	v54 =	vld.idx.msk [tilespmem:v56+s22+$0x0], $0xffff  }
0x414: {  	v51 =	vor.u32 v23, v51;
	v23 =	vmovc v29;
	v30 =	vshll.u32 v30, $0x8;
	v55 =	vmov s18;
	[tilespmem:v61+s8+$0x0] =	vst.idx.msk $0xffff, v60  }
0x415: {  	v56 =	vand.u32 $0x7F, v53;
	v29 =	vor.u32 v21, v30;
	v30 =	vshll.u32 v59, $0x7;
	v47 =	vld.idx.msk [tilespmem:v47+s22+$0x0], $0xffff;
	[tilespmem:v28+s8+$0x0] =	vst.idx.msk $0xffff, v58  }
0x416: {  	v58 =	vand.u32 $0x3800, v29;
	v29 =	vshll.u32 v55, $0x3;
	[tilespmem:v43+s8+$0x0] =	vst.idx.msk $0xffff, v0;
	v0 =	vor.u32 v23, v30;
	v43 =	vld.idx.msk [tilespmem:v27+s22+$0x0], $0xffff  }
0x417: {  	v28 =	vmovc v49;
	v55 =	vor.u32 v5, v58;
	v58 =	vand.u32 $0x400, v29;
	v29 =	vor.u32 v56, v36;
	v44 =	vld.idx.msk [tilespmem:v44+s22+$0x0], $0xffff  }
0x418: {  	v31 =	vshll.u32 v31, $0x3;
	v49 =	vand.u32 $0x7F, v52;
	v27 =	vmovc v48;
	v30 =	vor.u32 v58, v55  }
0x419: {  	v31 =	vand.u32 $0x400, v31;
	v48 =	vand.u32 $0x6F, v50;
	v49 =	vor.u32 v49, v30;
	[tilespmem:v51+s8+$0x0] =	vst.idx.msk $0xffff, v54  }
0x41a: {  	v50 =	vshll.u32 v50, $0x7;
	v31 =	vor.u32 v31, v55;
	v51 =	vor.u32 s17, v6  }
0x41b: {  	v48 =	vor.u32 v48, v31;
	v54 =	vand.u32 $0x6F, v51;
	v51 =	vshll.u32 v51, $0x7;
	[tilespmem:v0+s8+$0x0] =	vst.idx.msk $0xffff, v47  }
0x41c: {  	v53 =	vshll.u32 v53, $0x7;
	v0 =	vor.u32 v54, v31;
	v54 =	vor.u32 s5, v14;
	v47 =	vld.idx.msk [tilespmem:v29+s22+$0x0], $0xffff;
	[tilespmem:v26+s8+$0x0] =	vst.idx.msk $0xffff, v43  }
0x41d: {  	v29 =	vor.u32 s19, v22;
	v55 =	vand.u32 $0x7F, v54;
	[tilespmem:v41+s8+$0x0] =	vst.idx.msk $0xffff, v44;
	v41 =	vor.u32 v23, v53;
	v43 =	vld.idx.msk [tilespmem:v25+s22+$0x0], $0xffff  }
0x41e: {  	v26 =	vmovc v2;
	v53 =	vor.u32 v55, v36;
	v25 =	vmovc v57;
	v44 =	vld.idx.msk [tilespmem:v49+s22+$0x0], $0xffff;
	v49 =	vshll.u32 v52, $0x7;
	v52 =	vor.u32 s18, v6  }
0x41f: {  	v2 =	vor.u32 v29, v50;
	v49 =	vor.u32 v29, v49;
	v50 =	vand.u32 $0x7F, v52;
	v42 =	vld.idx.msk [tilespmem:v42+s22+$0x0], $0xffff  }
0x420: {  	v51 =	vor.u32 v29, v51;
	v55 =	vor.u32 s17, v7;
	v48 =	vld.idx.msk [tilespmem:v48+s22+$0x0], $0xffff;
	v50 =	vor.u32 v50, v30  }
0x421: {  	v57 =	vor.u32 s17, v8;
	v56 =	vand.u32 $0x6F, v55;
	v55 =	vshll.u32 v55, $0x7  }
0x422: {  	v58 =	vand.u32 $0x6F, v57;
	v56 =	vor.u32 v56, v31;
	v55 =	vor.u32 v29, v55;
	[tilespmem:v41+s8+$0x0] =	vst.idx.msk $0xffff, v47  }
0x423: {  	v58 =	vor.u32 v58, v31;
	v47 =	vshll.u32 v54, $0x7;
	v41 =	vld.idx.msk [tilespmem:v53+s22+$0x0], $0xffff;
	v53 =	vor.u32 s5, v15;
	[tilespmem:v62+s8+$0x0] =	vst.idx.msk $0xffff, v43  }
0x424: {  	v43 =	vshll.u32 v57, $0x7;
	[tilespmem:v49+s8+$0x0] =	vst.idx.msk $0xffff, v44;
	v44 =	vor.u32 v23, v47;
	v47 =	vand.u32 $0x7F, v53  }
0x425: {  	v49 =	vld.idx.msk [tilespmem:v50+s22+$0x0], $0xffff;
	v50 =	vshll.u32 v52, $0x7;
	v52 =	vor.u32 s18, v7;
	[tilespmem:v39+s8+$0x0] =	vst.idx.msk $0xffff, v42;
	v39 =	vor.u32 v47, v36  }
0x426: {  	[tilespmem:v2+s8+$0x0] =	vst.idx.msk $0xffff, v48;
	v2 =	vor.u32 s17, v9;
	v42 =	vor.u32 v29, v50;
	v47 =	vand.u32 $0x7F, v52;
	v40 =	vld.idx.msk [tilespmem:v40+s22+$0x0], $0xffff  }
0x427: {  	v48 =	vor.u32 v29, v43;
	v0 =	vld.idx.msk [tilespmem:v0+s22+$0x0], $0xffff;
	v43 =	vand.u32 $0x6F, v2;
	v47 =	vor.u32 v47, v30  }
0x428: {  	v2 =	vshll.u32 v2, $0x7;
	v50 =	vor.u32 v43, v31;
	v43 =	vor.u32 s17, v10  }
0x429: {  	v2 =	vor.u32 v29, v2;
	v54 =	vand.u32 $0x6F, v43;
	v43 =	vshll.u32 v43, $0x7;
	[tilespmem:v44+s8+$0x0] =	vst.idx.msk $0xffff, v41  }
0x42a: {  	v41 =	vshll.u32 v53, $0x7;
	v53 =	vor.u32 s5, v16;
	v54 =	vor.u32 v54, v31;
	v39 =	vld.idx.msk [tilespmem:v39+s22+$0x0], $0xffff  }
0x42b: {  	v44 =	vor.u32 s17, v12;
	v41 =	vor.u32 v23, v41;
	[tilespmem:v42+s8+$0x0] =	vst.idx.msk $0xffff, v49;
	v42 =	vand.u32 $0x7F, v53  }
0x42c: {  	v57 =	vor.u32 s18, v8;
	v49 =	vld.idx.msk [tilespmem:v47+s22+$0x0], $0xffff;
	v47 =	vshll.u32 v52, $0x7;
	[tilespmem:v37+s8+$0x0] =	vst.idx.msk $0xffff, v40;
	v37 =	vor.u32 v42, v36  }
0x42d: {  	v52 =	vor.u32 v29, v43;
	v40 =	vand.u32 $0x7F, v57;
	[tilespmem:v51+s8+$0x0] =	vst.idx.msk $0xffff, v0;
	v0 =	vor.u32 v29, v47  }
0x42e: {  	v43 =	vand.u32 $0x6F, v44;
	v44 =	vshll.u32 v44, $0x7;
	v40 =	vor.u32 v40, v30;
	v42 =	vld.idx.msk [tilespmem:v56+s22+$0x0], $0xffff  }
0x42f: {  	v47 =	vor.u32 v43, v31;
	v43 =	vor.u32 v29, v44;
	v44 =	vor.u32 s17, v13;
	v38 =	vld.idx.msk [tilespmem:v38+s22+$0x0], $0xffff  }
0x430: {  	v59 =	vor.u32 s17, v11;
	v51 =	vand.u32 $0x6F, v44;
	v56 =	vshll.u32 v44, $0x7;
	[tilespmem:v41+s8+$0x0] =	vst.idx.msk $0xffff, v39  }
0x431: {  	v44 =	vor.u32 v51, v31;
	v51 =	vor.u32 s5, v17;
	v39 =	vshll.u32 v53, $0x7;
	v37 =	vld.idx.msk [tilespmem:v37+s22+$0x0], $0xffff  }
0x432: {  	v41 =	vor.u32 v29, v56;
	[tilespmem:v0+s8+$0x0] =	vst.idx.msk $0xffff, v49;
	v0 =	vor.u32 v23, v39;
	v39 =	vand.u32 $0x7F, v51  }
0x433: {  	v53 =	vor.u32 s18, v9;
	v49 =	vld.idx.msk [tilespmem:v40+s22+$0x0], $0xffff;
	v40 =	vshll.u32 v57, $0x7;
	v56 =	vor.u32 v39, v36  }
0x434: {  	v39 =	vand.u32 $0x6F, v59;
	[tilespmem:v55+s8+$0x0] =	vst.idx.msk $0xffff, v42;
	v55 =	vor.u32 v29, v40;
	v40 =	vand.u32 $0x7F, v53  }
0x435: {  	v42 =	vor.u32 v39, v31;
	v39 =	vshll.u32 v59, $0x7;
	v57 =	vld.idx.msk [tilespmem:v58+s22+$0x0], $0xffff;
	v58 =	vor.u32 v40, v30  }
0x436: {  	v59 =	vor.u32 s17, v15;
	v39 =	vor.u32 v29, v39;
	v40 =	vor.u32 s17, v14;
	[tilespmem:v34+s8+$0x0] =	vst.idx.msk $0xffff, v38  }
0x437: {  	v60 =	vand.u32 $0x6F, v59;
	v34 =	vand.u32 $0x6F, v40;
	v38 =	vshll.u32 v40, $0x7;
	v35 =	vld.idx.msk [tilespmem:v35+s22+$0x0], $0xffff;
	[tilespmem:v0+s8+$0x0] =	vst.idx.msk $0xffff, v37  }
0x438: {  	v40 =	vor.u32 v34, v31;
	v34 =	vshll.u32 v51, $0x7;
	v51 =	vor.u32 s5, v18;
	v0 =	vld.idx.msk [tilespmem:v56+s22+$0x0], $0xffff  }
0x439: {  	v37 =	vor.u32 v29, v38;
	[tilespmem:v55+s8+$0x0] =	vst.idx.msk $0xffff, v49;
	v49 =	vor.u32 v23, v34;
	v34 =	vand.u32 $0x7F, v51  }
0x43a: {  	v53 =	vshll.u32 v53, $0x7;
	v56 =	vor.u32 s18, v10;
	v55 =	vld.idx.msk [tilespmem:v58+s22+$0x0], $0xffff;
	v58 =	vor.u32 v34, v36  }
0x43b: {  	v38 =	vor.u32 v60, v31;
	v34 =	vand.u32 $0x7F, v56;
	[tilespmem:v48+s8+$0x0] =	vst.idx.msk $0xffff, v57;
	v48 =	vor.u32 v29, v53  }
0x43c: {  	v53 =	vshll.u32 v59, $0x7;
	v57 =	vor.u32 s17, v16;
	v59 =	vor.u32 v34, v30;
	v50 =	vld.idx.msk [tilespmem:v50+s22+$0x0], $0xffff  }
0x43d: {  	v34 =	vor.u32 v29, v53;
	v53 =	vand.u32 $0x6F, v57;
	v57 =	vshll.u32 v57, $0x7;
	[tilespmem:v32+s8+$0x0] =	vst.idx.msk $0xffff, v35  }
0x43e: {  	v35 =	vor.u32 v53, v31;
	v32 =	vor.u32 v29, v57;
	v53 =	vor.u32 s17, v17;
	[tilespmem:v49+s8+$0x0] =	vst.idx.msk $0xffff, v0  }
0x43f: {  	v0 =	vand.u32 $0x6F, v53;
	v49 =	vshll.u32 v51, $0x7;
	v51 =	vor.u32 s5, v19;
	v57 =	vld.idx.msk [tilespmem:v58+s22+$0x0], $0xffff  }
0x440: {  	v0 =	vor.u32 v0, v31;
	[tilespmem:v48+s8+$0x0] =	vst.idx.msk $0xffff, v55;
	v48 =	vor.u32 v23, v49;
	v49 =	vand.u32 $0x7F, v51  }
0x441: {  	v56 =	vshll.u32 v56, $0x7;
	v58 =	vor.u32 s18, v12;
	v55 =	vld.idx.msk [tilespmem:v59+s22+$0x0], $0xffff;
	v59 =	vor.u32 v49, v36  }
0x442: {  	v56 =	vor.u32 v29, v56;
	v49 =	vand.u32 $0x7F, v58;
	[tilespmem:v2+s8+$0x0] =	vst.idx.msk $0xffff, v50;
	v2 =	vshll.u32 v53, $0x7;
	v61 =	vld.idx.msk [tilespmem:v33+s22+$0x0], $0xffff  }
0x443: {  	v60 =	vor.u32 v49, v30;
	v33 =	vmovc v0;
	v62 =	vld.idx.msk [tilespmem:v54+s22+$0x0], $0xffff;
	v50 =	vor.u32 v29, v2;
	v2 =	vor.u32 s17, v18  }
0x444: {  	v63 =	vor.u32 s17, v19;
	v0 =	vand.u32 $0x6F, v2;
	v2 =	vshll.u32 v2, $0x7  }
.Ltmp10:
0x445: {  	v54 =	vor.u32 v0, v31;
	v49 =	vor.u32 v29, v2;
	v0 =	vand.u32 $0x6F, v63;
	[tilespmem:v48+s8+$0x0] =	vst.idx.msk $0xffff, v57;
	(pc) =	sbr.rel @p2 .LBB2_15-.Ltmp10, $4  }
0x446: {  	v48 =	vor.u32 v0, v31;
	v53 =	vld.idx.msk [tilespmem:v59+s22+$0x0], $0xffff;
	v0 =	vshll.u32 v51, $0x7;
	v51 =	vor.u32 s5, v20;
	s5 =	smov.u32 s18  }
0x447: {  	v57 =	vshll.u32 v63, $0x7;
	[tilespmem:v56+s8+$0x0] =	vst.idx.msk $0xffff, v55;
	v55 =	vor.u32 v23, v0;
	v0 =	vand.u32 $0x7F, v51  }
0x448: {  	v2 =	vshll.u32 v58, $0x7;
	v59 =	vor.u32 s5, v13;
	v60 =	vld.idx.msk [tilespmem:v60+s22+$0x0], $0xffff;
	[tilespmem:v46+s8+$0x0] =	vst.idx.msk $0xffff, v61;
	v56 =	vor.u32 v0, v36  }
0x449: {  	v61 =	vor.u32 v29, v2;
	v36 =	vand.u32 $0x7F, v59;
	[tilespmem:v52+s8+$0x0] =	vst.idx.msk $0xffff, v62;
	v52 =	vor.u32 s17, v20;
	v58 =	vld.idx.msk [tilespmem:v45+s22+$0x0], $0xffff  }
0x44a: {  	_ =	sdelay $0x3  }
0x44b: {  	v0 =	vld.idx.msk [tilespmem:v47+s22+$0x0], $0xffff;
	v2 =	vor.u32 v36, v30;
	_ =	sdelay $0x3  }
0x44c: {  	v21 =	vor.u32 s5, v11;
	v22 =	vshll.u32 v59, $0x7;
	[tilespmem:v61+s8+$0x0] =	vst.idx.msk $0xffff, v60  }
0x44d: {  	v46 =	vand.u32 $0x7F, v21;
	v2 =	vld.idx.msk [tilespmem:v2+s22+$0x0], $0xffff;
	[tilespmem:v43+s8+$0x0] =	vst.idx.msk $0xffff, v0;
	v0 =	vor.u32 v29, v22  }
0x44e: {  	v36 =	vor.u32 v46, v30;
	v22 =	vld.idx.msk [tilespmem:v44+s22+$0x0], $0xffff;
	_ =	sdelay $0x3  }
0x44f: {  	[tilespmem:v0+s8+$0x0] =	vst.idx.msk $0xffff, v2;
	v0 =	vshll.u32 v21, $0x7;
	v2 =	vor.u32 s5, v14  }
0x450: {  	v21 =	vld.idx.msk [tilespmem:v36+s22+$0x0], $0xffff;
	[tilespmem:v41+s8+$0x0] =	vst.idx.msk $0xffff, v22;
	v0 =	vor.u32 v29, v0;
	v22 =	vand.u32 $0x7F, v2  }
0x451: {  	v22 =	vor.u32 v22, v30;
	v47 =	vld.idx.msk [tilespmem:v42+s22+$0x0], $0xffff;
	_ =	sdelay $0x3  }
0x452: {  	[tilespmem:v0+s8+$0x0] =	vst.idx.msk $0xffff, v21;
	v0 =	vshll.u32 v2, $0x7;
	v2 =	vor.u32 s5, v15  }
0x453: {  	v21 =	vld.idx.msk [tilespmem:v22+s22+$0x0], $0xffff;
	v0 =	vor.u32 v29, v0;
	v22 =	vand.u32 $0x7F, v2;
	[tilespmem:v39+s8+$0x0] =	vst.idx.msk $0xffff, v47  }
0x454: {  	v22 =	vor.u32 v22, v30;
	v36 =	vld.idx.msk [tilespmem:v40+s22+$0x0], $0xffff;
	_ =	sdelay $0x3  }
0x455: {  	[tilespmem:v0+s8+$0x0] =	vst.idx.msk $0xffff, v21;
	v0 =	vshll.u32 v2, $0x7;
	v2 =	vor.u32 s5, v16  }
0x456: {  	v21 =	vld.idx.msk [tilespmem:v22+s22+$0x0], $0xffff;
	v0 =	vor.u32 v29, v0;
	v22 =	vand.u32 $0x7F, v2;
	[tilespmem:v37+s8+$0x0] =	vst.idx.msk $0xffff, v36  }
0x457: {  	v22 =	vor.u32 v22, v30;
	v36 =	vld.idx.msk [tilespmem:v38+s22+$0x0], $0xffff;
	_ =	sdelay $0x3  }
0x458: {  	[tilespmem:v0+s8+$0x0] =	vst.idx.msk $0xffff, v21;
	v0 =	vshll.u32 v2, $0x7;
	v2 =	vor.u32 s5, v17  }
0x459: {  	v21 =	vld.idx.msk [tilespmem:v22+s22+$0x0], $0xffff;
	v0 =	vor.u32 v29, v0;
	v22 =	vand.u32 $0x7F, v2;
	[tilespmem:v34+s8+$0x0] =	vst.idx.msk $0xffff, v36  }
0x45a: {  	v22 =	vor.u32 v22, v30;
	v34 =	vld.idx.msk [tilespmem:v35+s22+$0x0], $0xffff;
	_ =	sdelay $0x3  }
0x45b: {  	[tilespmem:v0+s8+$0x0] =	vst.idx.msk $0xffff, v21;
	v0 =	vshll.u32 v2, $0x7;
	v2 =	vor.u32 s5, v18  }
0x45c: {  	v21 =	vld.idx.msk [tilespmem:v22+s22+$0x0], $0xffff;
	v0 =	vor.u32 v29, v0;
	v22 =	vand.u32 $0x7F, v2;
	[tilespmem:v32+s8+$0x0] =	vst.idx.msk $0xffff, v34  }
0x45d: {  	v22 =	vor.u32 v22, v30;
	v32 =	vld.idx.msk [tilespmem:v33+s22+$0x0], $0xffff;
	_ =	sdelay $0x3  }
0x45e: {  	[tilespmem:v0+s8+$0x0] =	vst.idx.msk $0xffff, v21;
	v0 =	vshll.u32 v2, $0x7;
	v2 =	vor.u32 s5, v19  }
0x45f: {  	v21 =	vld.idx.msk [tilespmem:v22+s22+$0x0], $0xffff;
	v0 =	vor.u32 v29, v0;
	v22 =	vand.u32 $0x7F, v2;
	[tilespmem:v50+s8+$0x0] =	vst.idx.msk $0xffff, v32  }
0x460: {  	v22 =	vor.u32 v22, v30;
	v32 =	vld.idx.msk [tilespmem:v54+s22+$0x0], $0xffff;
	_ =	sdelay $0x2  }
0x461: {  	[tilespmem:v28+s8+$0x0] =	vst.idx.msk $0xffff, v58  }
0x462: {  	v27 =	vld.idx.msk [tilespmem:v27+s22+$0x0], $0xffff;
	[tilespmem:v0+s8+$0x0] =	vst.idx.msk $0xffff, v21;
	v0 =	vshll.u32 v2, $0x7;
	v2 =	vor.u32 s5, v20  }
0x463: {  	v21 =	vld.idx.msk [tilespmem:v22+s22+$0x0], $0xffff;
	v0 =	vor.u32 v29, v0;
	v22 =	vand.u32 $0x7F, v2;
	[tilespmem:v49+s8+$0x0] =	vst.idx.msk $0xffff, v32  }
0x464: {  	v59 =	vand.u32 $0x6F, v52;
	v58 =	vor.u32 v29, v57;
	v22 =	vor.u32 v22, v30;
	v60 =	vld.idx.msk [tilespmem:v48+s22+$0x0], $0xffff  }
0x465: {  	v31 =	vor.u32 v59, v31  }
0x466: {  	[tilespmem:v55+s8+$0x0] =	vst.idx.msk $0xffff, v53;
	v61 =	vshll.u32 v51, $0x7  }
0x467: {  	v62 =	vld.idx.msk [tilespmem:v56+s22+$0x0], $0xffff;
	[tilespmem:v26+s8+$0x0] =	vst.idx.msk $0xffff, v27;
	v32 =	vor.u32 v23, v61  }
0x468: {  	v63 =	vld.idx.msk [tilespmem:v25+s22+$0x0], $0xffff;
	v23 =	vor.u32 v23, v24;
	[tilespmem:v0+s8+$0x0] =	vst.idx.msk $0xffff, v21;
	v0 =	vshll.u32 v2, $0x7  }
0x469: {  	v2 =	vshll.u32 v52, $0x7;
	v21 =	vld.idx.msk [tilespmem:v22+s22+$0x0], $0xffff;
	v0 =	vor.u32 v29, v0;
	[tilespmem:v58+s8+$0x0] =	vst.idx.msk $0xffff, v60  }
0x46a: {  	v2 =	vor.u32 v29, v2;
	v22 =	vld.idx.msk [tilespmem:v31+s22+$0x0], $0xffff  }
.Ltmp11:
0x46b: {  	_ = 	snop;
	(pc) =	sbr.rel @p1 .LBB2_18-.Ltmp11, $4  }
0x46c: {  	[tilespmem:v32+s8+$0x0] =	vst.idx.msk $0xffff, v62  }
0x46d: {  	[tilespmem:v23+s8+$0x0] =	vst.idx.msk $0xffff, v63  }
0x46e: {  	[tilespmem:v0+s8+$0x0] =	vst.idx.msk $0xffff, v21  }
0x46f: {  	[tilespmem:v2+s8+$0x0] =	vst.idx.msk $0xffff, v22  }
0x470: {  	v0 =	vld [tilespmem:s13+$0x140]  }
0x471: {  	v22 =	vld [tilespmem:$0x1FFE0];
	_ =	sdelay $0x4  }
0x472: {  	v2 =	vadd.s32 v22, v0  }
0x473: {  	[tilespmem:$0x480] =	vst v2  }
0x474: {  	v21 =	vld [tilespmem:s13+$0x150];
	_ =	sdelay $0x4  }
0x475: {  	v21 =	vadd.s32 v22, v21  }
0x476: {  	[tilespmem:$0x490] =	vst v21  }
0x477: {  	v21 =	vld [tilespmem:s13+$0x160];
	_ =	sdelay $0x1  }
0x478: {  	v23 =	vld [tilespmem:$0x1FFF0];
	_ =	sdelay $0x1  }
0x479: {  	v2 =	vshll.u32 v2, $0x1  }
0x47a: {  	v0 =	vand.u32 $0x7, v0;
	v2 =	vand.u32 $0xFFFFFFF0, v2;
	v21 =	vadd.s32 v22, v21  }
0x47b: {  	v0 =	vor.u32 v0, v2;
	[tilespmem:$0x4A0] =	vst v21  }
0x47c: {  	v21 =	vperm.xlane v0, v23;
	v2 =	vld [tilespmem:s13+$0x170];
	_ =	sdelay $0x1  }
0x47d: {  	v0 =	vperm.xlane v0, v4;
	v21 =	vadd.s32 v3, v21;
	_ =	sdelay $0x1  }
0x47e: {  	v0 =	vadd.s32 v3, v0  }
0x47f: {  	v2 =	vadd.s32 v22, v2  }
0x480: {  	[tilespmem:$0x4B0] =	vst v2  }
0x481: {  	[tilespmem:s22], [sflag:$0x2] =	stream.indirect_vreg.gather [hbm4b:s1+s4], $0x80, v21, vm0, $0xb8;
	[tilespmem:$0x1F380] =	vst v63  }
0x482: {  	_ = 	snop  }
0x483: {  	[tilespmem:s23], [sflag:$0x2] =	stream.indirect_vreg.gather [hbm4b:s1+s4], $0x80, v0, vm0, $0xb8;
	[tilespmem:$0x1F380] =	vst v63  }
0x484: {  	v0 =	vld [tilespmem:$0x490];
	_ =	sdelay $0x4  }
0x485: {  	v2 =	vshll.u32 v0, $0x1  }
0x486: {  	v0 =	vand.u32 $0x7, v0;
	v2 =	vand.u32 $0xFFFFFFF0, v2  }
0x487: {  	v0 =	vor.u32 v0, v2  }
0x488: {  	v2 =	vperm.xlane v0, v23;
	_ =	sdelay $0x1  }
0x489: {  	v0 =	vperm.xlane v0, v4;
	v2 =	vadd.s32 v3, v2;
	_ =	sdelay $0x1  }
0x48a: {  	v0 =	vadd.s32 v3, v0;
	_ =	sdelay $0x2  }
0x48b: {  	[tilespmem:s24], [sflag:$0x2] =	stream.indirect_vreg.gather [hbm4b:s1+s4], $0x80, v2, vm0, $0xb8;
	[tilespmem:$0x1F380] =	vst v63  }
0x48c: {  	_ = 	snop  }
0x48d: {  	[tilespmem:s25], [sflag:$0x2] =	stream.indirect_vreg.gather [hbm4b:s1+s4], $0x80, v0, vm0, $0xb8;
	[tilespmem:$0x1F380] =	vst v63  }
0x48e: {  	v0 =	vld [tilespmem:$0x4A0];
	_ =	sdelay $0x4  }
0x48f: {  	v2 =	vshll.u32 v0, $0x1  }
0x490: {  	v0 =	vand.u32 $0x7, v0;
	v2 =	vand.u32 $0xFFFFFFF0, v2  }
0x491: {  	v0 =	vor.u32 v0, v2  }
0x492: {  	v2 =	vperm.xlane v0, v23;
	_ =	sdelay $0x1  }
0x493: {  	v0 =	vperm.xlane v0, v4;
	v2 =	vadd.s32 v3, v2;
	_ =	sdelay $0x1  }
0x494: {  	v0 =	vadd.s32 v3, v0;
	_ =	sdelay $0x2  }
0x495: {  	[tilespmem:s26], [sflag:$0x2] =	stream.indirect_vreg.gather [hbm4b:s1+s4], $0x80, v2, vm0, $0xb8;
	[tilespmem:$0x1F380] =	vst v63  }
0x496: {  	_ = 	snop  }
0x497: {  	[tilespmem:s28], [sflag:$0x2] =	stream.indirect_vreg.gather [hbm4b:s1+s4], $0x80, v0, vm0, $0xb8;
	[tilespmem:$0x1F380] =	vst v63  }
0x498: {  	v0 =	vld [tilespmem:$0x4B0];
	_ =	sdelay $0x4  }
0x499: {  	v2 =	vshll.u32 v0, $0x1  }
0x49a: {  	v0 =	vand.u32 $0x7, v0;
	v2 =	vand.u32 $0xFFFFFFF0, v2  }
0x49b: {  	v0 =	vor.u32 v0, v2  }
0x49c: {  	v2 =	vperm.xlane v0, v23;
	_ =	sdelay $0x1  }
0x49d: {  	v0 =	vperm.xlane v0, v4;
	v2 =	vadd.s32 v3, v2;
	_ =	sdelay $0x1  }
0x49e: {  	v0 =	vadd.s32 v3, v0  }
.Ltmp12:
0x49f: {  	_ = 	snop;
	(pc) =	sbr.rel .LBB2_18-.Ltmp12, $4  }
0x4a0: {  	_ = 	snop  }
0x4a1: {  	[tilespmem:s29], [sflag:$0x2] =	stream.indirect_vreg.gather [hbm4b:s1+s4], $0x80, v2, vm0, $0xb8;
	[tilespmem:$0x1F380] =	vst v63  }
0x4a2: {  	_ = 	snop  }
0x4a3: {  	[tilespmem:s30], [sflag:$0x2] =	stream.indirect_vreg.gather [hbm4b:s1+s4], $0x80, v0, vm0, $0xb8;
	[tilespmem:$0x1F380] =	vst v63  }
.LBB2_20:
0x4a4: {  	_ =	sfence.sel $0x180000  }
0x4a5: {  	[bflag:$0x0] =	sbarrier.arrive $0xFFFF  }
0x4a6: {  	_ =	strace $0x90000047  }
0x4a7: {  	s0 =	stileid.u32;
	[bflag:$0x2] =	sbarrier.arrive $0xFFFF  }
0x4a8: {  	p0 =	sne.s32 s0, $0x0;
	s0 =	rddreg [dreg:$0x5]  }
0x4a9: {  	s0 =	sadd.s32 @!p0 $0x100000, s0  }
0x4aa: {  	[sflag:s0] =	ssyncadd.tile.s32 @!p0 $0x1;
	_ =	shalt  }
.Lfunc_end2:
_tile_overlayer_lowered:
.L_overlay_start_2:
0x4ab: {  	(tag) =	ssettag $0x2  }
0x4ac: {  	s0 =	rddreg [dreg:$0x0];
	s2 =	stileid.u32  }
0x4ad: {  	s1 =	rddreg [dreg:$0x1];
	p0 =	sne.s32 s2, $0x0  }
0x4ae: {  	s3 =	rddreg [dreg:$0x2];
	[bflag:$0x3] =	sbarrier.arrive $0xFFFF;
	s2 =	simm.s32 @!p0 $0x1C05  }
0x4af: {  	[timem:s3], [sflag:s2] =	dma.local @!p0 [hbm:s0], s1  }
0x4b0: {  	s0 =	simm.s32 @!p0 $0x5  }
0x4b1: {  	_ =	swait.ge @!p0 [sflag:s0], s1  }
0x4b2: {  	s1 =	ssub.s32 @!p0 $0x0, s1;
	[sflag:s0] =	ssyncset.done @!p0 $0x0  }
0x4b3: {  	[sflag:s0] =	ssyncadd.s32 @!p0 s1  }
0x4b4: {  	[bflag:$0x3] =	sbarrier.arrive $0xFFFF  }
0x4b5: {  	_ =	shalt  }

</sc_bundles>
